<compile_context>
chip_gen: v7x
topology: tpu7x:2x2x1
jax: 0.10.2.dev20260603
libtpu: 0.0.44.dev20260713+nightly
codegen_flags: <defaults>
</compile_context>

<pallas_src>
import functools

import jax
import jax.numpy as jnp
from jax import lax
from jax.experimental import pallas as pl
from jax.experimental.pallas import tpu as pltpu
from jax.experimental.pallas import tpu_sc as plsc

_EPS = 1e-5
_K = 32




def _knn_body(n_total, mt, q_ref, p_ref, o_ref, d_ref):
    q = q_ref[0]
    p = p_ref[0]
    d_ref[...] = ((q[:, 0:1] - p[0:1, :]) ** 2
                  + (q[:, 1:2] - p[1:2, :]) ** 2
                  + (q[:, 2:3] - p[2:3, :]) ** 2)
    iota = lax.broadcasted_iota(jnp.int32, (mt, n_total), 1)
    kio = lax.broadcasted_iota(jnp.int32, (mt, _K), 1)

    def step(k, res):
        d = d_ref[...]
        m = jnp.min(d, axis=1, keepdims=True)
        ix = jnp.min(jnp.where(d <= m, iota, n_total), axis=1)
        d_ref[...] = jnp.where(iota == ix[:, None], jnp.inf, d)
        return jnp.where(kio == k, ix[:, None], res)

    res = lax.fori_loop(0, _K, step, jnp.zeros((mt, _K), jnp.int32))
    o_ref[0] = res


def _knn(new_xyz, xyz_t, mt):
    b, m, _ = new_xyz.shape
    n = xyz_t.shape[2]
    return pl.pallas_call(
        functools.partial(_knn_body, n, mt),
        grid=(b, m // mt),
        in_specs=[
            pl.BlockSpec((1, mt, 3), lambda bi, mi: (bi, mi, 0)),
            pl.BlockSpec((1, 3, n), lambda bi, mi: (bi, 0, 0)),
        ],
        out_specs=pl.BlockSpec((1, mt, _K), lambda bi, mi: (bi, mi, 0)),
        out_shape=jax.ShapeDtypeStruct((b, m, _K), jnp.int32),
        scratch_shapes=[pltpu.VMEM((mt, n), jnp.float32)],
    )(new_xyz, xyz_t)



_CHUNK = 128


def _sc_gather_body(n_chunks, chunk, base_rows, tabs, idx_hbm, outs, scratch):
    idx_v, sem = scratch[0], scratch[1]
    bufs = scratch[2:]
    wid = lax.axis_index("s") * 2 + lax.axis_index("c")
    base = wid * base_rows

    def chunk_body(c, _):
        row0 = base + c * chunk
        pltpu.sync_copy(idx_hbm.at[pl.ds(row0, chunk)], idx_v)
        for t in range(len(tabs)):
            pltpu.async_copy(tabs[t].at[idx_v], bufs[t], sem).wait()
            pltpu.sync_copy(bufs[t], outs[t].at[pl.ds(row0, chunk)])
        return 0

    lax.fori_loop(0, n_chunks, chunk_body, 0)


def _gather_rows(tables, idx):
    ntot = idx.shape[0]
    nw = 32
    per_w = ntot // nw
    chunk = min(_CHUNK, per_w)
    n_chunks = per_w // chunk
    mesh = plsc.VectorSubcoreMesh(core_axis_name="c", subcore_axis_name="s")
    scratch = [
        pltpu.VMEM((chunk,), jnp.int32),
        pltpu.SemaphoreType.DMA,
    ] + [pltpu.VMEM((chunk, t.shape[1]), jnp.float32) for t in tables]
    out_type = [jax.ShapeDtypeStruct((ntot, t.shape[1]), jnp.float32)
                for t in tables]

    def body(*refs):
        n_tab = len(tables)
        tabs = refs[:n_tab]
        idx_hbm = refs[n_tab]
        outs = refs[n_tab + 1:2 * n_tab + 1]
        scr = refs[2 * n_tab + 1:]
        _sc_gather_body(n_chunks, chunk, per_w, tabs, idx_hbm, outs, scr)

    fn = pl.kernel(body, out_type=out_type, mesh=mesh, scratch_types=scratch,
                   compiler_params=pltpu.CompilerParams(
                       use_tc_tiling_on_sc=False))
    return fn(*tables, idx)




def _norm(x, sacc, vacc, g, b, cnt):
    mean = sacc[0:1, :] / cnt
    var = vacc[0:1, :] / cnt
    return jnp.maximum((x - mean) / jnp.sqrt(var + _EPS) * g + b, 0.0)


def _acc_stats(s_ref, y, first):
    @pl.when(first)
    def _():
        s_ref[...] = jnp.zeros_like(s_ref)
    s_ref[0:1, :] += jnp.sum(y, axis=0, keepdims=True)


def _var_body(cnt, y_ref, s_ref, o_ref):
    first = (pl.program_id(0) == 0) & (pl.program_id(1) == 0)
    dy = y_ref[0] - s_ref[0:1, :] / cnt

    @pl.when(first)
    def _():
        o_ref[...] = jnp.zeros_like(o_ref)
    o_ref[0:1, :] += jnp.sum(dy * dy, axis=0, keepdims=True)


def _var(y, sacc, cnt, pt):
    bsz, p, c = y.shape
    return pl.pallas_call(
        functools.partial(_var_body, cnt),
        grid=(bsz, p // pt),
        in_specs=[
            pl.BlockSpec((1, pt, c), lambda bi, pi: (bi, pi, 0)),
            pl.BlockSpec((8, c), lambda bi, pi: (0, 0)),
        ],
        out_specs=pl.BlockSpec((8, c), lambda bi, pi: (0, 0)),
        out_shape=jax.ShapeDtypeStruct((8, c), jnp.float32),
    )(y, sacc)


def _mm_body(cnt, normalize, want_stats, x_ref, *refs):
    if normalize:
        s_ref, v_ref, g_ref, b_ref, w_ref = refs[:5]
        refs = refs[5:]
        x = _norm(x_ref[0], s_ref[...], v_ref[...], g_ref[...], b_ref[...], cnt)
    else:
        w_ref = refs[0]
        refs = refs[1:]
        x = x_ref[0]
    y = jnp.dot(x, w_ref[...], preferred_element_type=jnp.float32)
    y_ref = refs[0]
    y_ref[0] = y
    if want_stats:
        first = (pl.program_id(0) == 0) & (pl.program_id(1) == 0)
        _acc_stats(refs[1], y, first)


def _mm(x, wt, pt, stats=None, g=None, b=None, cnt=None, want_stats=True):
    bsz, p, cin = x.shape
    cout = wt.shape[1]
    normalize = stats is not None
    grid = (bsz, p // pt)
    in_specs = [pl.BlockSpec((1, pt, cin), lambda bi, pi: (bi, pi, 0))]
    args = [x]
    if normalize:
        in_specs += [
            pl.BlockSpec((8, cin), lambda bi, pi: (0, 0)),
            pl.BlockSpec((8, cin), lambda bi, pi: (0, 0)),
            pl.BlockSpec((1, cin), lambda bi, pi: (0, 0)),
            pl.BlockSpec((1, cin), lambda bi, pi: (0, 0)),
        ]
        args += [stats[0], stats[1], g.reshape(1, cin), b.reshape(1, cin)]
    in_specs.append(pl.BlockSpec((cin, cout), lambda bi, pi: (0, 0)))
    args.append(wt)
    out_specs = [pl.BlockSpec((1, pt, cout), lambda bi, pi: (bi, pi, 0))]
    out_shape = [jax.ShapeDtypeStruct((bsz, p, cout), jnp.float32)]
    if want_stats:
        out_specs.append(pl.BlockSpec((8, cout), lambda bi, pi: (0, 0)))
        out_shape.append(jax.ShapeDtypeStruct((8, cout), jnp.float32))
    out = pl.pallas_call(
        functools.partial(_mm_body, cnt, normalize, want_stats),
        grid=grid,
        in_specs=in_specs,
        out_specs=out_specs,
        out_shape=out_shape,
    )(*args)
    return out if want_stats else out[0]




def _nn_idx_body(m2, x1_ref, x2_ref, o_ref):
    q = x1_ref[0]
    p = x2_ref[0]
    d = ((q[:, 0:1] - p[0:1, :]) ** 2
         + (q[:, 1:2] - p[1:2, :]) ** 2
         + (q[:, 2:3] - p[2:3, :]) ** 2)
    iota = lax.broadcasted_iota(jnp.int32, d.shape, 1)
    m = jnp.min(d, axis=1, keepdims=True)
    o_ref[0, 0] = jnp.min(jnp.where(d <= m, iota, m2), axis=1)


def _nn_idx(xyz1, xyz2_t, mt):
    bsz, m1, _ = xyz1.shape
    m2 = xyz2_t.shape[2]
    return pl.pallas_call(
        functools.partial(_nn_idx_body, m2),
        grid=(bsz, m1 // mt),
        in_specs=[
            pl.BlockSpec((1, mt, 3), lambda bi, mi: (bi, mi, 0)),
            pl.BlockSpec((1, 3, m2), lambda bi, mi: (bi, 0, 0)),
        ],
        out_specs=pl.BlockSpec((1, 1, mt), lambda bi, mi: (bi, 0, mi)),
        out_shape=jax.ShapeDtypeStruct((bsz, 1, m1), jnp.int32),
    )(xyz1, xyz2_t).reshape(bsz, m1)


def _fp1_body(x1_ref, i_ref, f1_ref, wt_ref, y_ref, s_ref):
    del x1_ref
    xcat = jnp.concatenate([f1_ref[0], i_ref[0]], axis=1)
    y = jnp.dot(xcat, wt_ref[...], preferred_element_type=jnp.float32)
    y_ref[0] = y
    first = (pl.program_id(0) == 0) & (pl.program_id(1) == 0)
    _acc_stats(s_ref, y, first)


def _fp_l1(xyz1, interp, f1, wt, mt):
    bsz, m1, _ = xyz1.shape
    c1 = f1.shape[2]
    c2 = interp.shape[2]
    cout = wt.shape[1]
    return pl.pallas_call(
        _fp1_body,
        grid=(bsz, m1 // mt),
        in_specs=[
            pl.BlockSpec((1, mt, 3), lambda bi, mi: (bi, mi, 0)),
            pl.BlockSpec((1, mt, c2), lambda bi, mi: (bi, mi, 0)),
            pl.BlockSpec((1, mt, c1), lambda bi, mi: (bi, mi, 0)),
            pl.BlockSpec((c1 + c2, cout), lambda bi, mi: (0, 0)),
        ],
        out_specs=[
            pl.BlockSpec((1, mt, cout), lambda bi, mi: (bi, mi, 0)),
            pl.BlockSpec((8, cout), lambda bi, mi: (0, 0)),
        ],
        out_shape=[
            jax.ShapeDtypeStruct((bsz, m1, cout), jnp.float32),
            jax.ShapeDtypeStruct((8, cout), jnp.float32),
        ],
    )(xyz1, interp, f1, wt)




def _fin_body(s, cnt, y_ref, s_ref, v_ref, g_ref, b_ref, o_ref):
    acc = y_ref[0, 0]
    for j in range(1, s):
        acc = jnp.maximum(acc, y_ref[0, j])
    o_ref[0] = _norm(acc, s_ref[...], v_ref[...], g_ref[...], b_ref[...], cnt)


def _fin(y, stats, g, b, cnt, s, mt):
    bsz, _, m, c = y.shape
    return pl.pallas_call(
        functools.partial(_fin_body, s, cnt),
        grid=(bsz, m // mt),
        in_specs=[
            pl.BlockSpec((1, s, mt, c), lambda bi, mi: (bi, 0, mi, 0)),
            pl.BlockSpec((8, c), lambda bi, mi: (0, 0)),
            pl.BlockSpec((8, c), lambda bi, mi: (0, 0)),
            pl.BlockSpec((1, c), lambda bi, mi: (0, 0)),
            pl.BlockSpec((1, c), lambda bi, mi: (0, 0)),
        ],
        out_specs=pl.BlockSpec((1, mt, c), lambda bi, mi: (bi, mi, 0)),
        out_shape=jax.ShapeDtypeStruct((bsz, m, c), jnp.float32),
    )(y, stats[0], stats[1], g.reshape(1, c), b.reshape(1, c))




def _bn_ref(x, gamma, beta):
    axes = tuple(i for i in range(x.ndim) if i != 1)
    mean = jnp.mean(x, axis=axes, keepdims=True)
    var = jnp.var(x, axis=axes, keepdims=True)
    shp = [1] * x.ndim
    shp[1] = -1
    return (x - mean) / jnp.sqrt(var + 1e-5) * gamma.reshape(shp) + beta.reshape(shp)


def _sa_block(xyz, xyz_t, feats, npoint, pkey, ws, gs, bs, mt_knn, mt):
    b, n, _ = xyz.shape
    sel = jax.random.permutation(pkey, n)[:npoint]
    new_xyz = xyz[:, sel, :]
    knn = _knn(new_xyz, xyz_t, mt_knn)
    features = xyz_t if feats is None else feats
    gf4 = jax.vmap(lambda f, i: f[:, i])(features, knn)
    gx = jax.vmap(lambda p, i: p[i])(xyz, knn)
    rel = gx - new_xyz[:, :, None, :]
    rel = jnp.transpose(rel, (0, 3, 1, 2))
    nf = jnp.concatenate([gf4, rel], axis=1)
    for w, g, bb in zip(ws, gs, bs):
        nf = jnp.einsum('oi,bimn->bomn', w, nf)
        nf = _bn_ref(nf, g, bb)
        nf = jax.nn.relu(nf)
    nf = jnp.max(nf, axis=-1)
    return new_xyz, nf


def _mlp_tail(y1, s1, ws, gs, bs, cnt, pt, b, m):
    ss, y = s1, y1
    for i in range(1, len(ws)):
        vv = _var(y, ss, cnt, pt)
        y, ss = _mm(y, ws[i].T, pt, (ss, vv), gs[i - 1], bs[i - 1], cnt)
    vv = _var(y, ss, cnt, pt)
    c = ws[-1].shape[0]
    return _fin(y.reshape(b, 1, m, c), (ss, vv), gs[-1], bs[-1], cnt, 1, pt)


def _fp_block(xyz1, xyz2_t, f1, f2, ws, gs, bs, mt):
    b, m1, c1 = f1.shape
    m2, c2 = f2.shape[1], f2.shape[2]
    nn = _nn_idx(xyz1, xyz2_t, mt)
    off = (jnp.arange(b, dtype=jnp.int32) * m2)[:, None]
    flat = (nn + off).reshape(-1)
    (interp,) = _gather_rows([f2.reshape(b * m2, c2)], flat)
    interp = interp.reshape(b, m1, c2)
    cnt = float(b * m1)
    y1, s1 = _fp_l1(xyz1, interp, f1, ws[0].T, mt)
    return _mlp_tail(y1, s1, ws, gs, bs, cnt, mt, b, m1)


def kernel(points, params):
    p = params
    b, n, _ = points.shape
    xyz = points
    xyz_t = jnp.transpose(xyz, (0, 2, 1))

    l1x, l1f = _sa_block(xyz, xyz_t, None, 1024, jax.random.key(11),
                         p['sa1']['w'], p['sa1']['g'], p['sa1']['b'],
                         mt_knn=128, mt=256)
    l1x_t = jnp.transpose(l1x, (0, 2, 1))
    l2x, l2f = _sa_block(l1x, l1x_t, l1f, 256, jax.random.key(12),
                         p['sa2']['w'], p['sa2']['g'], p['sa2']['b'],
                         mt_knn=256, mt=256)
    l2x_t = jnp.transpose(l2x, (0, 2, 1))
    l3x, l3f = _sa_block(l2x, l2x_t, l2f, 64, jax.random.key(13),
                         p['sa3']['w'], p['sa3']['g'], p['sa3']['b'],
                         mt_knn=64, mt=64)
    l3x_t = jnp.transpose(l3x, (0, 2, 1))

    l1f_t = jnp.transpose(l1f, (0, 2, 1))
    l2f_t = jnp.transpose(l2f, (0, 2, 1))
    l3f_t = jnp.transpose(l3f, (0, 2, 1))
    cnt4 = float(b * 64)
    y1, s1 = _mm(l3f_t, p['sa4']['w'][0].T, 64)
    l4f = _mlp_tail(y1, s1, p['sa4']['w'], p['sa4']['g'], p['sa4']['b'],
                    cnt4, 64, b, 64)

    f3 = _fp_block(l3x, l3x_t, l3f_t, l4f,
                   p['fp3']['w'], p['fp3']['g'], p['fp3']['b'], 64)
    f2 = _fp_block(l2x, l3x_t, l2f_t, f3,
                   p['fp2']['w'], p['fp2']['g'], p['fp2']['b'], 256)
    f1 = _fp_block(l1x, l2x_t, l1f_t, f2,
                   p['fp1']['w'], p['fp1']['g'], p['fp1']['b'], 256)
    return jnp.transpose(f1, (0, 2, 1))

# --- scband reference (transcript-rebuilt; emitter-appended) ---
"""Pipeline reference for scband-point-net2-encoder-90632399880317 (READ-ONLY COPY).

The authoritative reference and input builder live on the scoring server;
editing this copy changes nothing except your own understanding.
"""

import jax, jax.numpy as jnp
import numpy as np


def _sqdist(src, dst):
    # src [B,N,3], dst [B,M,3] -> [B,N,M]
    return jnp.sum((src[:, :, None, :] - dst[:, None, :, :]) ** 2, axis=-1)


def _bn(x, gamma, beta):
    # training-mode batchnorm over all axes except channel axis 1
    axes = tuple(i for i in range(x.ndim) if i != 1)
    mean = jnp.mean(x, axis=axes, keepdims=True)
    var = jnp.var(x, axis=axes, keepdims=True)
    shp = [1] * x.ndim
    shp[1] = -1
    return (x - mean) / jnp.sqrt(var + 1e-5) * gamma.reshape(shp) + beta.reshape(shp)


def _sa(xyz, features, npoint, nsample, use_xyz, ws, gs, bs, perm_key):
    B, N, _ = xyz.shape
    if npoint is None or npoint >= N:
        new_xyz = xyz
    else:
        idx = jax.random.permutation(perm_key, N)[:npoint]
        new_xyz = xyz[:, idx, :]
    if nsample is None or nsample >= N:
        nf = features[..., None]  # [B,C,M,1]
    else:
        d = _sqdist(new_xyz, xyz)  # [B,M,N]
        _, knn = jax.lax.top_k(-d, min(nsample, N))  # smallest distances
        gf = jax.vmap(lambda f, i: f[:, i])(features, knn)  # [B,C,M,ns]
        if use_xyz:
            gx = jax.vmap(lambda p, i: p[i])(xyz, knn)  # [B,M,ns,3]
            rel = gx - new_xyz[:, :, None, :]
            rel = jnp.transpose(rel, (0, 3, 1, 2))  # [B,3,M,ns]
            nf = jnp.concatenate([gf, rel], axis=1)
        else:
            nf = gf
    for w, g, b in zip(ws, gs, bs):
        nf = jnp.einsum('oi,bimn->bomn', w, nf)
        nf = _bn(nf, g, b)
        nf = jax.nn.relu(nf)
    nf = jnp.max(nf, axis=-1)  # [B,C,M]
    return new_xyz, nf


def _fp(xyz1, xyz2, f1, f2, ws, gs, bs):
    d = _sqdist(xyz1, xyz2)  # [B,N,M]
    idx = jnp.argmin(d, axis=-1)  # [B,N] nearest-neighbor interpolation
    interp = jax.vmap(lambda f, i: f[:, i])(f2, idx)  # [B,C2,N]
    cat = jnp.concatenate([f1, interp], axis=1) if f1 is not None else interp
    for w, g, b in zip(ws, gs, bs):
        cat = jnp.einsum('oi,bin->bon', w, cat)
        cat = _bn(cat, g, b)
        cat = jax.nn.relu(cat)
    return cat


_SPECS = [
    ('sa1', [(64, 6), (64, 64), (128, 64)]),
    ('sa2', [(128, 131), (128, 128), (256, 128)]),
    ('sa3', [(256, 259), (256, 256), (512, 256)]),
    ('sa4', [(512, 512), (512, 512), (1024, 512)]),
    ('fp3', [(512, 1536), (512, 512)]),
    ('fp2', [(256, 768), (256, 256)]),
    ('fp1', [(256, 384), (256, 256)]),
]


def _make_params(key):
    params = {}
    i = 0
    for name, shapes in _SPECS:
        ws, gs, bs = [], [], []
        for (o, c) in shapes:
            i += 1
            k = jax.random.fold_in(key, i)
            ws.append(jax.random.normal(k, (o, c), dtype=jnp.float32) * np.float32(np.sqrt(2.0 / o)))
            gs.append(jnp.ones((o,), jnp.float32))
            bs.append(jnp.zeros((o,), jnp.float32))
        params[name] = {'w': ws, 'g': gs, 'b': bs}
    return params


def setup_inputs(seed: int = 0):
    key = jax.random.key(seed)
    points = jax.random.normal(jax.random.fold_in(key, 1), (8, 8192, 3), dtype=jnp.float32)
    params = _make_params(jax.random.fold_in(key, 2))
    return {'points': points, 'params': params}


def _forward(points, params):
    xyz = points
    features = jnp.transpose(points, (0, 2, 1))  # [B,3,N]
    p = params
    l1x, l1f = _sa(xyz, features, 1024, 32, True, p['sa1']['w'], p['sa1']['g'], p['sa1']['b'], jax.random.key(11))
    l2x, l2f = _sa(l1x, l1f, 256, 32, True, p['sa2']['w'], p['sa2']['g'], p['sa2']['b'], jax.random.key(12))
    l3x, l3f = _sa(l2x, l2f, 64, 32, True, p['sa3']['w'], p['sa3']['g'], p['sa3']['b'], jax.random.key(13))
    l4x, l4f = _sa(l3x, l3f, None, None, False, p['sa4']['w'], p['sa4']['g'], p['sa4']['b'], jax.random.key(14))
    l3f = _fp(l3x, l4x, l3f, l4f, p['fp3']['w'], p['fp3']['g'], p['fp3']['b'])
    l2f = _fp(l2x, l3x, l2f, l3f, p['fp2']['w'], p['fp2']['g'], p['fp2']['b'])
    l1f = _fp(l1x, l2x, l1f, l2f, p['fp1']['w'], p['fp1']['g'], p['fp1']['b'])
    return l1f  # [B, 256, 1024]


def reference(points, params):
    return _forward(points, params)

if __name__ == "__main__":
    import jax
    _d = setup_inputs()
    print(jax.jit(kernel)(*tuple(_d.values())))

</pallas_src>

<mosaic_0001>
#map = affine_map<(d0, d1) -> (0, 0)>
#map1 = affine_map<(d0, d1) -> (0)>
module attributes {stable_mosaic.version = 14 : i64} {
  func.func @body(%arg0: i32, %arg1: i32, %arg2: memref<2048x256xf32, #tpu.memory_space<hbm>>, %arg3: memref<8192xi32, #tpu.memory_space<hbm>>, %arg4: memref<8192x256xf32, #tpu.memory_space<hbm>>, %arg5: memref<128xi32, #tpu.memory_space<vmem>>, %arg6: memref<!tpu.dma_semaphore, #tpu.memory_space<semaphore_mem>>, %arg7: memref<128x256xf32, #tpu.memory_space<vmem>>) attributes {dimension_semantics = [#tpu.dimension_semantics<core_parallel>, #tpu.dimension_semantics<subcore_parallel>], iteration_bounds = array<i64: 2, 16>, scalar_prefetch = 0 : i64, scratch_operands = 3 : i64, tpu.core_type = #tpu.core_type<sc_vector_subcore>, window_params = [{transform_indices = #map}, {transform_indices = #map1}, {transform_indices = #map}]} {
    %mul3A = arith.constant 2 : i32
    %mul3A_0 = arith.muli %arg1, %mul3A : i32
    %add3A = arith.addi %mul3A_0, %arg0 : i32
    %mul3A_1 = arith.constant 256 : i32
    %mul3A_2 = arith.muli %add3A, %mul3A_1 : i32
    %scan3A = arith.constant 0 : i32
    %scan3A_3 = arith.constant 0 : i32
    %scan3A_4 = arith.constant 2 : i32
    %scan3A_5 = arith.addi %scan3A_3, %scan3A_4 : i32
    %scan3A_6 = arith.constant 1 : i32
    %scan3A_7 = scf.for %scan3A_9 = %scan3A_3 to %scan3A_5 step %scan3A_6 iter_args(%scan3A_10 = %scan3A) -> (i32)  : i32 {
      %mul3A_11 = arith.constant 128 : i32
      %mul3A_12 = arith.muli %scan3A_9, %mul3A_11 : i32
      %add3A_13 = arith.addi %mul3A_2, %mul3A_12 : i32
      "tpu.region"() ({
        %run_scoped3A = tpu.sem_alloc : memref<!tpu.dma_semaphore, #tpu.memory_space<semaphore_mem>>
        %dma_start3A_19 = tpu.memref_slice %arg3[%add3A_13] : memref<8192xi32, #tpu.memory_space<hbm>> -> memref<128xi32, #tpu.memory_space<hbm>>
        %dma_start3A_20 = tpu.memref_slice %arg3[%add3A_13] : memref<8192xi32, #tpu.memory_space<hbm>> -> memref<128xi32, #tpu.memory_space<hbm>>
        tpu.enqueue_dma source(%dma_start3A_20 : memref<128xi32, #tpu.memory_space<hbm>>) target(%arg5 : memref<128xi32, #tpu.memory_space<vmem>>) target_semaphore(%run_scoped3A : memref<!tpu.dma_semaphore, #tpu.memory_space<semaphore_mem>>)
        %dma_wait3A_21 = tpu.memref_slice %arg3[%add3A_13] : memref<8192xi32, #tpu.memory_space<hbm>> -> memref<128xi32, #tpu.memory_space<hbm>>
        %dma_wait3A_22 = tpu.memref_slice %arg3[%add3A_13] : memref<8192xi32, #tpu.memory_space<hbm>> -> memref<128xi32, #tpu.memory_space<hbm>>
        tpu.wait_dma2 semaphore(%run_scoped3A : memref<!tpu.dma_semaphore, #tpu.memory_space<semaphore_mem>>) src(%dma_wait3A_22 : memref<128xi32, #tpu.memory_space<hbm>>) dst(%arg5 : memref<128xi32, #tpu.memory_space<vmem>>)
        tpu.yield
      }) : () -> ()
      %dma_start3A = arith.constant 0 : i32
      %dma_start3A_14 = arith.constant 0 : i32
      %dma_start3A_15 = tpu.memref_slice %arg2[%dma_start3A, %dma_start3A_14] : memref<2048x256xf32, #tpu.memory_space<hbm>> -> memref<2048x256xf32, #tpu.memory_space<hbm>>
      tpu.enqueue_indirect_dma source(%dma_start3A_15 : memref<2048x256xf32, #tpu.memory_space<hbm>>) target(%arg7 : memref<128x256xf32, #tpu.memory_space<vmem>>) offsets(%arg5 : memref<128xi32, #tpu.memory_space<vmem>>) semaphore(%arg6 : memref<!tpu.dma_semaphore, #tpu.memory_space<semaphore_mem>>)
      %dma_wait3A = arith.constant 0 : i32
      %dma_wait3A_16 = arith.constant 0 : i32
      %dma_wait3A_17 = tpu.memref_slice %arg2[%dma_wait3A, %dma_wait3A_16] : memref<2048x256xf32, #tpu.memory_space<hbm>> -> memref<2048x256xf32, #tpu.memory_space<hbm>>
      tpu.wait_indirect_dma semaphore(%arg6 : memref<!tpu.dma_semaphore, #tpu.memory_space<semaphore_mem>>) src(%dma_wait3A_17 : memref<2048x256xf32, #tpu.memory_space<hbm>>) dst(%arg7 : memref<128x256xf32, #tpu.memory_space<vmem>>)
      "tpu.region"() ({
        %run_scoped3A = tpu.sem_alloc : memref<!tpu.dma_semaphore, #tpu.memory_space<semaphore_mem>>
        %dma_start3A_19 = arith.constant 0 : i32
        %dma_start3A_20 = tpu.memref_slice %arg4[%add3A_13, %dma_start3A_19] : memref<8192x256xf32, #tpu.memory_space<hbm>> -> memref<128x256xf32, #tpu.memory_space<hbm>>
        %dma_start3A_21 = arith.constant 0 : i32
        %dma_start3A_22 = tpu.memref_slice %arg4[%add3A_13, %dma_start3A_21] : memref<8192x256xf32, #tpu.memory_space<hbm>> -> memref<128x256xf32, #tpu.memory_space<hbm>>
        tpu.enqueue_dma source(%arg7 : memref<128x256xf32, #tpu.memory_space<vmem>>) target(%dma_start3A_22 : memref<128x256xf32, #tpu.memory_space<hbm>>) target_semaphore(%run_scoped3A : memref<!tpu.dma_semaphore, #tpu.memory_space<semaphore_mem>>)
        %dma_wait3A_23 = arith.constant 0 : i32
        %dma_wait3A_24 = tpu.memref_slice %arg4[%add3A_13, %dma_wait3A_23] : memref<8192x256xf32, #tpu.memory_space<hbm>> -> memref<128x256xf32, #tpu.memory_space<hbm>>
        %dma_wait3A_25 = arith.constant 0 : i32
        %dma_wait3A_26 = tpu.memref_slice %arg4[%add3A_13, %dma_wait3A_25] : memref<8192x256xf32, #tpu.memory_space<hbm>> -> memref<128x256xf32, #tpu.memory_space<hbm>>
        tpu.wait_dma2 semaphore(%run_scoped3A : memref<!tpu.dma_semaphore, #tpu.memory_space<semaphore_mem>>) src(%arg7 : memref<128x256xf32, #tpu.memory_space<vmem>>) dst(%dma_wait3A_26 : memref<128x256xf32, #tpu.memory_space<hbm>>)
        tpu.yield
      }) : () -> ()
      %scan3A_18 = arith.constant 0 : i32
      scf.yield %scan3A_18 : i32
    }
    %scan3A_8 = arith.constant 2 : i32
    return
  }
}

#map = affine_map<(d0, d1) -> (0, 0)>
#map1 = affine_map<(d0, d1) -> (0)>
module attributes {stable_mosaic.version = 14 : i64} {
  func.func @body(%arg0: i32, %arg1: i32, %arg2: memref<512x1024xf32, #tpu.memory_space<hbm>>, %arg3: memref<512xi32, #tpu.memory_space<hbm>>, %arg4: memref<512x1024xf32, #tpu.memory_space<hbm>>, %arg5: memref<16xi32, #tpu.memory_space<vmem>>, %arg6: memref<!tpu.dma_semaphore, #tpu.memory_space<semaphore_mem>>, %arg7: memref<16x1024xf32, #tpu.memory_space<vmem>>) attributes {dimension_semantics = [#tpu.dimension_semantics<core_parallel>, #tpu.dimension_semantics<subcore_parallel>], iteration_bounds = array<i64: 2, 16>, scalar_prefetch = 0 : i64, scratch_operands = 3 : i64, tpu.core_type = #tpu.core_type<sc_vector_subcore>, window_params = [{transform_indices = #map}, {transform_indices = #map1}, {transform_indices = #map}]} {
    %mul3A = arith.constant 2 : i32
    %mul3A_0 = arith.muli %arg1, %mul3A : i32
    %add3A = arith.addi %mul3A_0, %arg0 : i32
    %mul3A_1 = arith.constant 16 : i32
    %mul3A_2 = arith.muli %add3A, %mul3A_1 : i32
    %scan3A = arith.constant 0 : i32
    %scan3A_3 = arith.constant 0 : i32
    %mul3A_4 = arith.constant 16 : i32
    %mul3A_5 = arith.muli %scan3A_3, %mul3A_4 : i32
    %add3A_6 = arith.addi %mul3A_2, %mul3A_5 : i32
    "tpu.region"() ({
      %run_scoped3A = tpu.sem_alloc : memref<!tpu.dma_semaphore, #tpu.memory_space<semaphore_mem>>
      %dma_start3A_13 = tpu.memref_slice %arg3[%add3A_6] : memref<512xi32, #tpu.memory_space<hbm>> -> memref<16xi32, #tpu.memory_space<hbm>>
      %dma_start3A_14 = tpu.memref_slice %arg3[%add3A_6] : memref<512xi32, #tpu.memory_space<hbm>> -> memref<16xi32, #tpu.memory_space<hbm>>
      tpu.enqueue_dma source(%dma_start3A_14 : memref<16xi32, #tpu.memory_space<hbm>>) target(%arg5 : memref<16xi32, #tpu.memory_space<vmem>>) target_semaphore(%run_scoped3A : memref<!tpu.dma_semaphore, #tpu.memory_space<semaphore_mem>>)
      %dma_wait3A_15 = tpu.memref_slice %arg3[%add3A_6] : memref<512xi32, #tpu.memory_space<hbm>> -> memref<16xi32, #tpu.memory_space<hbm>>
      %dma_wait3A_16 = tpu.memref_slice %arg3[%add3A_6] : memref<512xi32, #tpu.memory_space<hbm>> -> memref<16xi32, #tpu.memory_space<hbm>>
      tpu.wait_dma2 semaphore(%run_scoped3A : memref<!tpu.dma_semaphore, #tpu.memory_space<semaphore_mem>>) src(%dma_wait3A_16 : memref<16xi32, #tpu.memory_space<hbm>>) dst(%arg5 : memref<16xi32, #tpu.memory_space<vmem>>)
      tpu.yield
    }) : () -> ()
    %dma_start3A = arith.constant 0 : i32
    %dma_start3A_7 = arith.constant 0 : i32
    %dma_start3A_8 = tpu.memref_slice %arg2[%dma_start3A, %dma_start3A_7] : memref<512x1024xf32, #tpu.memory_space<hbm>> -> memref<512x1024xf32, #tpu.memory_space<hbm>>
    tpu.enqueue_indirect_dma source(%dma_start3A_8 : memref<512x1024xf32, #tpu.memory_space<hbm>>) target(%arg7 : memref<16x1024xf32, #tpu.memory_space<vmem>>) offsets(%arg5 : memref<16xi32, #tpu.memory_space<vmem>>) semaphore(%arg6 : memref<!tpu.dma_semaphore, #tpu.memory_space<semaphore_mem>>)
    %dma_wait3A = arith.constant 0 : i32
    %dma_wait3A_9 = arith.constant 0 : i32
    %dma_wait3A_10 = tpu.memref_slice %arg2[%dma_wait3A, %dma_wait3A_9] : memref<512x1024xf32, #tpu.memory_space<hbm>> -> memref<512x1024xf32, #tpu.memory_space<hbm>>
    tpu.wait_indirect_dma semaphore(%arg6 : memref<!tpu.dma_semaphore, #tpu.memory_space<semaphore_mem>>) src(%dma_wait3A_10 : memref<512x1024xf32, #tpu.memory_space<hbm>>) dst(%arg7 : memref<16x1024xf32, #tpu.memory_space<vmem>>)
    "tpu.region"() ({
      %run_scoped3A = tpu.sem_alloc : memref<!tpu.dma_semaphore, #tpu.memory_space<semaphore_mem>>
      %dma_start3A_13 = arith.constant 0 : i32
      %dma_start3A_14 = tpu.memref_slice %arg4[%add3A_6, %dma_start3A_13] : memref<512x1024xf32, #tpu.memory_space<hbm>> -> memref<16x1024xf32, #tpu.memory_space<hbm>>
      %dma_start3A_15 = arith.constant 0 : i32
      %dma_start3A_16 = tpu.memref_slice %arg4[%add3A_6, %dma_start3A_15] : memref<512x1024xf32, #tpu.memory_space<hbm>> -> memref<16x1024xf32, #tpu.memory_space<hbm>>
      tpu.enqueue_dma source(%arg7 : memref<16x1024xf32, #tpu.memory_space<vmem>>) target(%dma_start3A_16 : memref<16x1024xf32, #tpu.memory_space<hbm>>) target_semaphore(%run_scoped3A : memref<!tpu.dma_semaphore, #tpu.memory_space<semaphore_mem>>)
      %dma_wait3A_17 = arith.constant 0 : i32
      %dma_wait3A_18 = tpu.memref_slice %arg4[%add3A_6, %dma_wait3A_17] : memref<512x1024xf32, #tpu.memory_space<hbm>> -> memref<16x1024xf32, #tpu.memory_space<hbm>>
      %dma_wait3A_19 = arith.constant 0 : i32
      %dma_wait3A_20 = tpu.memref_slice %arg4[%add3A_6, %dma_wait3A_19] : memref<512x1024xf32, #tpu.memory_space<hbm>> -> memref<16x1024xf32, #tpu.memory_space<hbm>>
      tpu.wait_dma2 semaphore(%run_scoped3A : memref<!tpu.dma_semaphore, #tpu.memory_space<semaphore_mem>>) src(%arg7 : memref<16x1024xf32, #tpu.memory_space<vmem>>) dst(%dma_wait3A_20 : memref<16x1024xf32, #tpu.memory_space<hbm>>)
      tpu.yield
    }) : () -> ()
    %scan3A_11 = arith.constant 0 : i32
    %scan3A_12 = arith.constant 1 : i32
    return
  }
}

#map = affine_map<(d0, d1) -> (0, 0)>
#map1 = affine_map<(d0, d1) -> (0)>
module attributes {stable_mosaic.version = 14 : i64} {
  func.func @body(%arg0: i32, %arg1: i32, %arg2: memref<512x512xf32, #tpu.memory_space<hbm>>, %arg3: memref<2048xi32, #tpu.memory_space<hbm>>, %arg4: memref<2048x512xf32, #tpu.memory_space<hbm>>, %arg5: memref<64xi32, #tpu.memory_space<vmem>>, %arg6: memref<!tpu.dma_semaphore, #tpu.memory_space<semaphore_mem>>, %arg7: memref<64x512xf32, #tpu.memory_space<vmem>>) attributes {dimension_semantics = [#tpu.dimension_semantics<core_parallel>, #tpu.dimension_semantics<subcore_parallel>], iteration_bounds = array<i64: 2, 16>, scalar_prefetch = 0 : i64, scratch_operands = 3 : i64, tpu.core_type = #tpu.core_type<sc_vector_subcore>, window_params = [{transform_indices = #map}, {transform_indices = #map1}, {transform_indices = #map}]} {
    %mul3A = arith.constant 2 : i32
    %mul3A_0 = arith.muli %arg1, %mul3A : i32
    %add3A = arith.addi %mul3A_0, %arg0 : i32
    %mul3A_1 = arith.constant 64 : i32
    %mul3A_2 = arith.muli %add3A, %mul3A_1 : i32
    %scan3A = arith.constant 0 : i32
    %scan3A_3 = arith.constant 0 : i32
    %mul3A_4 = arith.constant 64 : i32
    %mul3A_5 = arith.muli %scan3A_3, %mul3A_4 : i32
    %add3A_6 = arith.addi %mul3A_2, %mul3A_5 : i32
    "tpu.region"() ({
      %run_scoped3A = tpu.sem_alloc : memref<!tpu.dma_semaphore, #tpu.memory_space<semaphore_mem>>
      %dma_start3A_13 = tpu.memref_slice %arg3[%add3A_6] : memref<2048xi32, #tpu.memory_space<hbm>> -> memref<64xi32, #tpu.memory_space<hbm>>
      %dma_start3A_14 = tpu.memref_slice %arg3[%add3A_6] : memref<2048xi32, #tpu.memory_space<hbm>> -> memref<64xi32, #tpu.memory_space<hbm>>
      tpu.enqueue_dma source(%dma_start3A_14 : memref<64xi32, #tpu.memory_space<hbm>>) target(%arg5 : memref<64xi32, #tpu.memory_space<vmem>>) target_semaphore(%run_scoped3A : memref<!tpu.dma_semaphore, #tpu.memory_space<semaphore_mem>>)
      %dma_wait3A_15 = tpu.memref_slice %arg3[%add3A_6] : memref<2048xi32, #tpu.memory_space<hbm>> -> memref<64xi32, #tpu.memory_space<hbm>>
      %dma_wait3A_16 = tpu.memref_slice %arg3[%add3A_6] : memref<2048xi32, #tpu.memory_space<hbm>> -> memref<64xi32, #tpu.memory_space<hbm>>
      tpu.wait_dma2 semaphore(%run_scoped3A : memref<!tpu.dma_semaphore, #tpu.memory_space<semaphore_mem>>) src(%dma_wait3A_16 : memref<64xi32, #tpu.memory_space<hbm>>) dst(%arg5 : memref<64xi32, #tpu.memory_space<vmem>>)
      tpu.yield
    }) : () -> ()
    %dma_start3A = arith.constant 0 : i32
    %dma_start3A_7 = arith.constant 0 : i32
    %dma_start3A_8 = tpu.memref_slice %arg2[%dma_start3A, %dma_start3A_7] : memref<512x512xf32, #tpu.memory_space<hbm>> -> memref<512x512xf32, #tpu.memory_space<hbm>>
    tpu.enqueue_indirect_dma source(%dma_start3A_8 : memref<512x512xf32, #tpu.memory_space<hbm>>) target(%arg7 : memref<64x512xf32, #tpu.memory_space<vmem>>) offsets(%arg5 : memref<64xi32, #tpu.memory_space<vmem>>) semaphore(%arg6 : memref<!tpu.dma_semaphore, #tpu.memory_space<semaphore_mem>>)
    %dma_wait3A = arith.constant 0 : i32
    %dma_wait3A_9 = arith.constant 0 : i32
    %dma_wait3A_10 = tpu.memref_slice %arg2[%dma_wait3A, %dma_wait3A_9] : memref<512x512xf32, #tpu.memory_space<hbm>> -> memref<512x512xf32, #tpu.memory_space<hbm>>
    tpu.wait_indirect_dma semaphore(%arg6 : memref<!tpu.dma_semaphore, #tpu.memory_space<semaphore_mem>>) src(%dma_wait3A_10 : memref<512x512xf32, #tpu.memory_space<hbm>>) dst(%arg7 : memref<64x512xf32, #tpu.memory_space<vmem>>)
    "tpu.region"() ({
      %run_scoped3A = tpu.sem_alloc : memref<!tpu.dma_semaphore, #tpu.memory_space<semaphore_mem>>
      %dma_start3A_13 = arith.constant 0 : i32
      %dma_start3A_14 = tpu.memref_slice %arg4[%add3A_6, %dma_start3A_13] : memref<2048x512xf32, #tpu.memory_space<hbm>> -> memref<64x512xf32, #tpu.memory_space<hbm>>
      %dma_start3A_15 = arith.constant 0 : i32
      %dma_start3A_16 = tpu.memref_slice %arg4[%add3A_6, %dma_start3A_15] : memref<2048x512xf32, #tpu.memory_space<hbm>> -> memref<64x512xf32, #tpu.memory_space<hbm>>
      tpu.enqueue_dma source(%arg7 : memref<64x512xf32, #tpu.memory_space<vmem>>) target(%dma_start3A_16 : memref<64x512xf32, #tpu.memory_space<hbm>>) target_semaphore(%run_scoped3A : memref<!tpu.dma_semaphore, #tpu.memory_space<semaphore_mem>>)
      %dma_wait3A_17 = arith.constant 0 : i32
      %dma_wait3A_18 = tpu.memref_slice %arg4[%add3A_6, %dma_wait3A_17] : memref<2048x512xf32, #tpu.memory_space<hbm>> -> memref<64x512xf32, #tpu.memory_space<hbm>>
      %dma_wait3A_19 = arith.constant 0 : i32
      %dma_wait3A_20 = tpu.memref_slice %arg4[%add3A_6, %dma_wait3A_19] : memref<2048x512xf32, #tpu.memory_space<hbm>> -> memref<64x512xf32, #tpu.memory_space<hbm>>
      tpu.wait_dma2 semaphore(%run_scoped3A : memref<!tpu.dma_semaphore, #tpu.memory_space<semaphore_mem>>) src(%arg7 : memref<64x512xf32, #tpu.memory_space<vmem>>) dst(%dma_wait3A_20 : memref<64x512xf32, #tpu.memory_space<hbm>>)
      tpu.yield
    }) : () -> ()
    %scan3A_11 = arith.constant 0 : i32
    %scan3A_12 = arith.constant 1 : i32
    return
  }
}

module attributes {stable_mosaic.version = 14 : i64} {
  func.func @_knn_body(%arg0: i32, %arg1: i32, %arg2: memref<1x128x3xf32, #tpu.memory_space<vmem>>, %arg3: memref<1x3x8192xf32, #tpu.memory_space<vmem>>, %arg4: memref<1x128x32xi32, #tpu.memory_space<vmem>>, %arg5: memref<128x8192xf32, #tpu.memory_space<vmem>>) attributes {dimension_semantics = [#tpu.dimension_semantics<arbitrary>, #tpu.dimension_semantics<arbitrary>], iteration_bounds = array<i64: 8, 8>, scalar_prefetch = 0 : i64, scratch_operands = 1 : i64, tpu.core_type = #tpu.core_type<tc>, window_params = [{transform_indices = @transform_0, window_bounds = array<i64: 1, 128, 3>}, {transform_indices = @transform_1, window_bounds = array<i64: 1, 3, 8192>}, {transform_indices = @transform_2, window_bounds = array<i64: 1, 128, 32>}]} {
    %get3A = arith.constant 0 : index
    %get3A_0 = arith.constant 0 : index
    %get3A_1 = arith.constant 0 : index
    %get3A_2 = vector.load %arg2[%get3A, %get3A_0, %get3A_1] : memref<1x128x3xf32, #tpu.memory_space<vmem>>, vector<1x128x3xf32>
    %get3A_3 = vector.shape_cast %get3A_2 : vector<1x128x3xf32> to vector<128x3xf32>
    %get3A_4 = arith.constant 0 : index
    %get3A_5 = arith.constant 0 : index
    %get3A_6 = arith.constant 0 : index
    %get3A_7 = vector.load %arg3[%get3A_4, %get3A_5, %get3A_6] : memref<1x3x8192xf32, #tpu.memory_space<vmem>>, vector<1x3x8192xf32>
    %get3A_8 = vector.shape_cast %get3A_7 : vector<1x3x8192xf32> to vector<3x8192xf32>
    %slice3A = vector.extract_strided_slice %get3A_3 {offsets = [0, 0], sizes = [128, 1], strides = [1, 1]} : vector<128x3xf32> to vector<128x1xf32>
    %slice3A_9 = vector.extract_strided_slice %get3A_8 {offsets = [0, 0], sizes = [1, 8192], strides = [1, 1]} : vector<3x8192xf32> to vector<1x8192xf32>
    %sub3A = vector.broadcast %slice3A : vector<128x1xf32> to vector<128x8192xf32>
    %sub3A_10 = vector.broadcast %slice3A_9 : vector<1x8192xf32> to vector<128x8192xf32>
    %sub3A_11 = arith.subf %sub3A, %sub3A_10 : vector<128x8192xf32>
    %integer_pow3A = arith.mulf %sub3A_11, %sub3A_11 : vector<128x8192xf32>
    %slice3A_12 = vector.extract_strided_slice %get3A_3 {offsets = [0, 1], sizes = [128, 1], strides = [1, 1]} : vector<128x3xf32> to vector<128x1xf32>
    %slice3A_13 = vector.extract_strided_slice %get3A_8 {offsets = [1, 0], sizes = [1, 8192], strides = [1, 1]} : vector<3x8192xf32> to vector<1x8192xf32>
    %sub3A_14 = vector.broadcast %slice3A_12 : vector<128x1xf32> to vector<128x8192xf32>
    %sub3A_15 = vector.broadcast %slice3A_13 : vector<1x8192xf32> to vector<128x8192xf32>
    %sub3A_16 = arith.subf %sub3A_14, %sub3A_15 : vector<128x8192xf32>
    %integer_pow3A_17 = arith.mulf %sub3A_16, %sub3A_16 : vector<128x8192xf32>
    %add3A = arith.addf %integer_pow3A, %integer_pow3A_17 : vector<128x8192xf32>
    %slice3A_18 = vector.extract_strided_slice %get3A_3 {offsets = [0, 2], sizes = [128, 1], strides = [1, 1]} : vector<128x3xf32> to vector<128x1xf32>
    %slice3A_19 = vector.extract_strided_slice %get3A_8 {offsets = [2, 0], sizes = [1, 8192], strides = [1, 1]} : vector<3x8192xf32> to vector<1x8192xf32>
    %sub3A_20 = vector.broadcast %slice3A_18 : vector<128x1xf32> to vector<128x8192xf32>
    %sub3A_21 = vector.broadcast %slice3A_19 : vector<1x8192xf32> to vector<128x8192xf32>
    %sub3A_22 = arith.subf %sub3A_20, %sub3A_21 : vector<128x8192xf32>
    %integer_pow3A_23 = arith.mulf %sub3A_22, %sub3A_22 : vector<128x8192xf32>
    %add3A_24 = arith.addf %add3A, %integer_pow3A_23 : vector<128x8192xf32>
    %swap3A = arith.constant 0 : index
    %swap3A_25 = arith.constant 0 : index
    %swap3A_26 = vector.load %arg5[%swap3A, %swap3A_25] : memref<128x8192xf32, #tpu.memory_space<vmem>>, vector<128x8192xf32>
    tpu.vector_store %arg5[%swap3A, %swap3A_25], %add3A_24 {strides = array<i32>} : memref<128x8192xf32, #tpu.memory_space<vmem>>, vector<128x8192xf32>,
    %iota3A = tpu.iota {dimensions = array<i32: 1>} : vector<128x8192xi32>
    %iota3A_27 = tpu.iota {dimensions = array<i32: 1>} : vector<128x32xi32>
    %broadcast_in_dim3A = arith.constant 0 : i32
    %broadcast_in_dim3A_28 = vector.broadcast %broadcast_in_dim3A : i32 to vector<128x32xi32>
    %scan3A = arith.constant 0 : i32
    %scan3A_29 = arith.constant 32 : i32
    %scan3A_30 = arith.addi %scan3A, %scan3A_29 : i32
    %scan3A_31 = arith.constant 1 : i32
    %scan3A_32 = scf.for %scan3A_40 = %scan3A to %scan3A_30 step %scan3A_31 iter_args(%scan3A_41 = %broadcast_in_dim3A_28) -> (vector<128x32xi32>)  : i32 {
      %get3A_42 = arith.constant 0 : index
      %get3A_43 = arith.constant 0 : index
      %get3A_44 = vector.load %arg5[%get3A_42, %get3A_43] : memref<128x8192xf32, #tpu.memory_space<vmem>>, vector<128x8192xf32>
      %reduce_min3A = arith.constant dense<0x7F800000> : vector<128xf32>
      %reduce_min3A_45 = vector.multi_reduction <minimumf>, %get3A_44, %reduce_min3A [1] : vector<128x8192xf32> to vector<128xf32>
      %broadcast_in_dim3A_46 = vector.shape_cast %reduce_min3A_45 : vector<128xf32> to vector<128x1xf32>
      %le3A = vector.broadcast %broadcast_in_dim3A_46 : vector<128x1xf32> to vector<128x8192xf32>
      %le3A_47 = arith.cmpf ole, %get3A_44, %le3A : vector<128x8192xf32>
      %jit3A = arith.constant 8192 : i32
      %broadcast_in_dim3A_48 = vector.broadcast %jit3A : i32 to vector<128x8192xi32>
      %select_n3A = arith.select %le3A_47, %iota3A, %broadcast_in_dim3A_48 : vector<128x8192xi1>, vector<128x8192xi32>
      %reduce_min3A_49 = arith.constant dense<2147483647> : vector<128xi32>
      %reduce_min3A_50 = vector.multi_reduction <minsi>, %select_n3A, %reduce_min3A_49 [1] : vector<128x8192xi32> to vector<128xi32>
      %broadcast_in_dim3A_51 = vector.shape_cast %reduce_min3A_50 : vector<128xi32> to vector<128x1xi32>
      %eq3A = vector.broadcast %broadcast_in_dim3A_51 : vector<128x1xi32> to vector<128x8192xi32>
      %eq3A_52 = arith.cmpi eq, %iota3A, %eq3A : vector<128x8192xi32>
      %jit3A_53 = arith.constant 0x7F800000 : f32
      %broadcast_in_dim3A_54 = vector.broadcast %jit3A_53 : f32 to vector<128x8192xf32>
      %select_n3A_55 = arith.select %eq3A_52, %broadcast_in_dim3A_54, %get3A_44 : vector<128x8192xi1>, vector<128x8192xf32>
      %swap3A_56 = arith.constant 0 : index
      %swap3A_57 = arith.constant 0 : index
      %swap3A_58 = vector.load %arg5[%swap3A_56, %swap3A_57] : memref<128x8192xf32, #tpu.memory_space<vmem>>, vector<128x8192xf32>
      tpu.vector_store %arg5[%swap3A_56, %swap3A_57], %select_n3A_55 {strides = array<i32>} : memref<128x8192xf32, #tpu.memory_space<vmem>>, vector<128x8192xf32>,
      %eq3A_59 = vector.broadcast %scan3A_40 : i32 to vector<128x32xi32>
      %eq3A_60 = arith.cmpi eq, %iota3A_27, %eq3A_59 : vector<128x32xi32>
      %broadcast_in_dim3A_61 = vector.shape_cast %reduce_min3A_50 : vector<128xi32> to vector<128x1xi32>
      %broadcast_in_dim3A_62 = vector.shape_cast %broadcast_in_dim3A_61 : vector<128x1xi32> to vector<128x1xi32>
      %broadcast_in_dim3A_63 = vector.broadcast %broadcast_in_dim3A_62 : vector<128x1xi32> to vector<128x32xi32>
      %select_n3A_64 = arith.select %eq3A_60, %broadcast_in_dim3A_63, %scan3A_41 : vector<128x32xi1>, vector<128x32xi32>
      scf.yield %select_n3A_64 : vector<128x32xi32>
    }
    %scan3A_33 = arith.constant 32 : i32
    %swap3A_34 = arith.constant 0 : index
    %swap3A_35 = arith.constant 0 : index
    %swap3A_36 = arith.constant 0 : index
    %swap3A_37 = vector.load %arg4[%swap3A_34, %swap3A_35, %swap3A_36] : memref<1x128x32xi32, #tpu.memory_space<vmem>>, vector<1x128x32xi32>
    %swap3A_38 = vector.shape_cast %swap3A_37 : vector<1x128x32xi32> to vector<128x32xi32>
    %swap3A_39 = vector.shape_cast %scan3A_32 : vector<128x32xi32> to vector<1x128x32xi32>
    tpu.vector_store %arg4[%swap3A_34, %swap3A_35, %swap3A_36], %swap3A_39 {strides = array<i32>} : memref<1x128x32xi32, #tpu.memory_space<vmem>>, vector<1x128x32xi32>,
    return
  }
  func.func @transform_0(%arg0: i32, %arg1: i32) -> (i32, i32, i32) {
    %c0_i32 = arith.constant 0 : i32
    %c0_i32_0 = arith.constant 0 : i32
    return %arg0, %arg1, %c0_i32 : i32, i32, i32
  }
  func.func @transform_1(%arg0: i32, %arg1: i32) -> (i32, i32, i32) {
    %c0_i32 = arith.constant 0 : i32
    %c0_i32_0 = arith.constant 0 : i32
    %c0_i32_1 = arith.constant 0 : i32
    return %arg0, %c0_i32, %c0_i32_0 : i32, i32, i32
  }
  func.func @transform_2(%arg0: i32, %arg1: i32) -> (i32, i32, i32) {
    %c0_i32 = arith.constant 0 : i32
    %c0_i32_0 = arith.constant 0 : i32
    return %arg0, %arg1, %c0_i32 : i32, i32, i32
  }
}

module attributes {stable_mosaic.version = 14 : i64} {
  func.func @_knn_body(%arg0: i32, %arg1: i32, %arg2: memref<1x256x3xf32, #tpu.memory_space<vmem>>, %arg3: memref<1x3x1024xf32, #tpu.memory_space<vmem>>, %arg4: memref<1x256x32xi32, #tpu.memory_space<vmem>>, %arg5: memref<256x1024xf32, #tpu.memory_space<vmem>>) attributes {dimension_semantics = [#tpu.dimension_semantics<arbitrary>, #tpu.dimension_semantics<arbitrary>], iteration_bounds = array<i64: 8, 1>, scalar_prefetch = 0 : i64, scratch_operands = 1 : i64, tpu.core_type = #tpu.core_type<tc>, window_params = [{transform_indices = @transform_0, window_bounds = array<i64: 1, 256, 3>}, {transform_indices = @transform_1, window_bounds = array<i64: 1, 3, 1024>}, {transform_indices = @transform_2, window_bounds = array<i64: 1, 256, 32>}]} {
    %get3A = arith.constant 0 : index
    %get3A_0 = arith.constant 0 : index
    %get3A_1 = arith.constant 0 : index
    %get3A_2 = vector.load %arg2[%get3A, %get3A_0, %get3A_1] : memref<1x256x3xf32, #tpu.memory_space<vmem>>, vector<1x256x3xf32>
    %get3A_3 = vector.shape_cast %get3A_2 : vector<1x256x3xf32> to vector<256x3xf32>
    %get3A_4 = arith.constant 0 : index
    %get3A_5 = arith.constant 0 : index
    %get3A_6 = arith.constant 0 : index
    %get3A_7 = vector.load %arg3[%get3A_4, %get3A_5, %get3A_6] : memref<1x3x1024xf32, #tpu.memory_space<vmem>>, vector<1x3x1024xf32>
    %get3A_8 = vector.shape_cast %get3A_7 : vector<1x3x1024xf32> to vector<3x1024xf32>
    %slice3A = vector.extract_strided_slice %get3A_3 {offsets = [0, 0], sizes = [256, 1], strides = [1, 1]} : vector<256x3xf32> to vector<256x1xf32>
    %slice3A_9 = vector.extract_strided_slice %get3A_8 {offsets = [0, 0], sizes = [1, 1024], strides = [1, 1]} : vector<3x1024xf32> to vector<1x1024xf32>
    %sub3A = vector.broadcast %slice3A : vector<256x1xf32> to vector<256x1024xf32>
    %sub3A_10 = vector.broadcast %slice3A_9 : vector<1x1024xf32> to vector<256x1024xf32>
    %sub3A_11 = arith.subf %sub3A, %sub3A_10 : vector<256x1024xf32>
    %integer_pow3A = arith.mulf %sub3A_11, %sub3A_11 : vector<256x1024xf32>
    %slice3A_12 = vector.extract_strided_slice %get3A_3 {offsets = [0, 1], sizes = [256, 1], strides = [1, 1]} : vector<256x3xf32> to vector<256x1xf32>
    %slice3A_13 = vector.extract_strided_slice %get3A_8 {offsets = [1, 0], sizes = [1, 1024], strides = [1, 1]} : vector<3x1024xf32> to vector<1x1024xf32>
    %sub3A_14 = vector.broadcast %slice3A_12 : vector<256x1xf32> to vector<256x1024xf32>
    %sub3A_15 = vector.broadcast %slice3A_13 : vector<1x1024xf32> to vector<256x1024xf32>
    %sub3A_16 = arith.subf %sub3A_14, %sub3A_15 : vector<256x1024xf32>
    %integer_pow3A_17 = arith.mulf %sub3A_16, %sub3A_16 : vector<256x1024xf32>
    %add3A = arith.addf %integer_pow3A, %integer_pow3A_17 : vector<256x1024xf32>
    %slice3A_18 = vector.extract_strided_slice %get3A_3 {offsets = [0, 2], sizes = [256, 1], strides = [1, 1]} : vector<256x3xf32> to vector<256x1xf32>
    %slice3A_19 = vector.extract_strided_slice %get3A_8 {offsets = [2, 0], sizes = [1, 1024], strides = [1, 1]} : vector<3x1024xf32> to vector<1x1024xf32>
    %sub3A_20 = vector.broadcast %slice3A_18 : vector<256x1xf32> to vector<256x1024xf32>
    %sub3A_21 = vector.broadcast %slice3A_19 : vector<1x1024xf32> to vector<256x1024xf32>
    %sub3A_22 = arith.subf %sub3A_20, %sub3A_21 : vector<256x1024xf32>
    %integer_pow3A_23 = arith.mulf %sub3A_22, %sub3A_22 : vector<256x1024xf32>
    %add3A_24 = arith.addf %add3A, %integer_pow3A_23 : vector<256x1024xf32>
    %swap3A = arith.constant 0 : index
    %swap3A_25 = arith.constant 0 : index
    %swap3A_26 = vector.load %arg5[%swap3A, %swap3A_25] : memref<256x1024xf32, #tpu.memory_space<vmem>>, vector<256x1024xf32>
    tpu.vector_store %arg5[%swap3A, %swap3A_25], %add3A_24 {strides = array<i32>} : memref<256x1024xf32, #tpu.memory_space<vmem>>, vector<256x1024xf32>,
    %iota3A = tpu.iota {dimensions = array<i32: 1>} : vector<256x1024xi32>
    %iota3A_27 = tpu.iota {dimensions = array<i32: 1>} : vector<256x32xi32>
    %broadcast_in_dim3A = arith.constant 0 : i32
    %broadcast_in_dim3A_28 = vector.broadcast %broadcast_in_dim3A : i32 to vector<256x32xi32>
    %scan3A = arith.constant 0 : i32
    %scan3A_29 = arith.constant 32 : i32
    %scan3A_30 = arith.addi %scan3A, %scan3A_29 : i32
    %scan3A_31 = arith.constant 1 : i32
    %scan3A_32 = scf.for %scan3A_40 = %scan3A to %scan3A_30 step %scan3A_31 iter_args(%scan3A_41 = %broadcast_in_dim3A_28) -> (vector<256x32xi32>)  : i32 {
      %get3A_42 = arith.constant 0 : index
      %get3A_43 = arith.constant 0 : index
      %get3A_44 = vector.load %arg5[%get3A_42, %get3A_43] : memref<256x1024xf32, #tpu.memory_space<vmem>>, vector<256x1024xf32>
      %reduce_min3A = arith.constant dense<0x7F800000> : vector<256xf32>
      %reduce_min3A_45 = vector.multi_reduction <minimumf>, %get3A_44, %reduce_min3A [1] : vector<256x1024xf32> to vector<256xf32>
      %broadcast_in_dim3A_46 = vector.shape_cast %reduce_min3A_45 : vector<256xf32> to vector<256x1xf32>
      %le3A = vector.broadcast %broadcast_in_dim3A_46 : vector<256x1xf32> to vector<256x1024xf32>
      %le3A_47 = arith.cmpf ole, %get3A_44, %le3A : vector<256x1024xf32>
      %jit3A = arith.constant 1024 : i32
      %broadcast_in_dim3A_48 = vector.broadcast %jit3A : i32 to vector<256x1024xi32>
      %select_n3A = arith.select %le3A_47, %iota3A, %broadcast_in_dim3A_48 : vector<256x1024xi1>, vector<256x1024xi32>
      %reduce_min3A_49 = arith.constant dense<2147483647> : vector<256xi32>
      %reduce_min3A_50 = vector.multi_reduction <minsi>, %select_n3A, %reduce_min3A_49 [1] : vector<256x1024xi32> to vector<256xi32>
      %broadcast_in_dim3A_51 = vector.shape_cast %reduce_min3A_50 : vector<256xi32> to vector<256x1xi32>
      %eq3A = vector.broadcast %broadcast_in_dim3A_51 : vector<256x1xi32> to vector<256x1024xi32>
      %eq3A_52 = arith.cmpi eq, %iota3A, %eq3A : vector<256x1024xi32>
      %jit3A_53 = arith.constant 0x7F800000 : f32
      %broadcast_in_dim3A_54 = vector.broadcast %jit3A_53 : f32 to vector<256x1024xf32>
      %select_n3A_55 = arith.select %eq3A_52, %broadcast_in_dim3A_54, %get3A_44 : vector<256x1024xi1>, vector<256x1024xf32>
      %swap3A_56 = arith.constant 0 : index
      %swap3A_57 = arith.constant 0 : index
      %swap3A_58 = vector.load %arg5[%swap3A_56, %swap3A_57] : memref<256x1024xf32, #tpu.memory_space<vmem>>, vector<256x1024xf32>
      tpu.vector_store %arg5[%swap3A_56, %swap3A_57], %select_n3A_55 {strides = array<i32>} : memref<256x1024xf32, #tpu.memory_space<vmem>>, vector<256x1024xf32>,
      %eq3A_59 = vector.broadcast %scan3A_40 : i32 to vector<256x32xi32>
      %eq3A_60 = arith.cmpi eq, %iota3A_27, %eq3A_59 : vector<256x32xi32>
      %broadcast_in_dim3A_61 = vector.shape_cast %reduce_min3A_50 : vector<256xi32> to vector<256x1xi32>
      %broadcast_in_dim3A_62 = vector.shape_cast %broadcast_in_dim3A_61 : vector<256x1xi32> to vector<256x1xi32>
      %broadcast_in_dim3A_63 = vector.broadcast %broadcast_in_dim3A_62 : vector<256x1xi32> to vector<256x32xi32>
      %select_n3A_64 = arith.select %eq3A_60, %broadcast_in_dim3A_63, %scan3A_41 : vector<256x32xi1>, vector<256x32xi32>
      scf.yield %select_n3A_64 : vector<256x32xi32>
    }
    %scan3A_33 = arith.constant 32 : i32
    %swap3A_34 = arith.constant 0 : index
    %swap3A_35 = arith.constant 0 : index
    %swap3A_36 = arith.constant 0 : index
    %swap3A_37 = vector.load %arg4[%swap3A_34, %swap3A_35, %swap3A_36] : memref<1x256x32xi32, #tpu.memory_space<vmem>>, vector<1x256x32xi32>
    %swap3A_38 = vector.shape_cast %swap3A_37 : vector<1x256x32xi32> to vector<256x32xi32>
    %swap3A_39 = vector.shape_cast %scan3A_32 : vector<256x32xi32> to vector<1x256x32xi32>
    tpu.vector_store %arg4[%swap3A_34, %swap3A_35, %swap3A_36], %swap3A_39 {strides = array<i32>} : memref<1x256x32xi32, #tpu.memory_space<vmem>>, vector<1x256x32xi32>,
    return
  }
  func.func @transform_0(%arg0: i32, %arg1: i32) -> (i32, i32, i32) {
    %c0_i32 = arith.constant 0 : i32
    %c0_i32_0 = arith.constant 0 : i32
    return %arg0, %arg1, %c0_i32 : i32, i32, i32
  }
  func.func @transform_1(%arg0: i32, %arg1: i32) -> (i32, i32, i32) {
    %c0_i32 = arith.constant 0 : i32
    %c0_i32_0 = arith.constant 0 : i32
    %c0_i32_1 = arith.constant 0 : i32
    return %arg0, %c0_i32, %c0_i32_0 : i32, i32, i32
  }
  func.func @transform_2(%arg0: i32, %arg1: i32) -> (i32, i32, i32) {
    %c0_i32 = arith.constant 0 : i32
    %c0_i32_0 = arith.constant 0 : i32
    return %arg0, %arg1, %c0_i32 : i32, i32, i32
  }
}

module attributes {stable_mosaic.version = 14 : i64} {
  func.func @_knn_body(%arg0: i32, %arg1: i32, %arg2: memref<1x64x3xf32, #tpu.memory_space<vmem>>, %arg3: memref<1x3x256xf32, #tpu.memory_space<vmem>>, %arg4: memref<1x64x32xi32, #tpu.memory_space<vmem>>, %arg5: memref<64x256xf32, #tpu.memory_space<vmem>>) attributes {dimension_semantics = [#tpu.dimension_semantics<arbitrary>, #tpu.dimension_semantics<arbitrary>], iteration_bounds = array<i64: 8, 1>, scalar_prefetch = 0 : i64, scratch_operands = 1 : i64, tpu.core_type = #tpu.core_type<tc>, window_params = [{transform_indices = @transform_0, window_bounds = array<i64: 1, 64, 3>}, {transform_indices = @transform_1, window_bounds = array<i64: 1, 3, 256>}, {transform_indices = @transform_2, window_bounds = array<i64: 1, 64, 32>}]} {
    %get3A = arith.constant 0 : index
    %get3A_0 = arith.constant 0 : index
    %get3A_1 = arith.constant 0 : index
    %get3A_2 = vector.load %arg2[%get3A, %get3A_0, %get3A_1] : memref<1x64x3xf32, #tpu.memory_space<vmem>>, vector<1x64x3xf32>
    %get3A_3 = vector.shape_cast %get3A_2 : vector<1x64x3xf32> to vector<64x3xf32>
    %get3A_4 = arith.constant 0 : index
    %get3A_5 = arith.constant 0 : index
    %get3A_6 = arith.constant 0 : index
    %get3A_7 = vector.load %arg3[%get3A_4, %get3A_5, %get3A_6] : memref<1x3x256xf32, #tpu.memory_space<vmem>>, vector<1x3x256xf32>
    %get3A_8 = vector.shape_cast %get3A_7 : vector<1x3x256xf32> to vector<3x256xf32>
    %slice3A = vector.extract_strided_slice %get3A_3 {offsets = [0, 0], sizes = [64, 1], strides = [1, 1]} : vector<64x3xf32> to vector<64x1xf32>
    %slice3A_9 = vector.extract_strided_slice %get3A_8 {offsets = [0, 0], sizes = [1, 256], strides = [1, 1]} : vector<3x256xf32> to vector<1x256xf32>
    %sub3A = vector.broadcast %slice3A : vector<64x1xf32> to vector<64x256xf32>
    %sub3A_10 = vector.broadcast %slice3A_9 : vector<1x256xf32> to vector<64x256xf32>
    %sub3A_11 = arith.subf %sub3A, %sub3A_10 : vector<64x256xf32>
    %integer_pow3A = arith.mulf %sub3A_11, %sub3A_11 : vector<64x256xf32>
    %slice3A_12 = vector.extract_strided_slice %get3A_3 {offsets = [0, 1], sizes = [64, 1], strides = [1, 1]} : vector<64x3xf32> to vector<64x1xf32>
    %slice3A_13 = vector.extract_strided_slice %get3A_8 {offsets = [1, 0], sizes = [1, 256], strides = [1, 1]} : vector<3x256xf32> to vector<1x256xf32>
    %sub3A_14 = vector.broadcast %slice3A_12 : vector<64x1xf32> to vector<64x256xf32>
    %sub3A_15 = vector.broadcast %slice3A_13 : vector<1x256xf32> to vector<64x256xf32>
    %sub3A_16 = arith.subf %sub3A_14, %sub3A_15 : vector<64x256xf32>
    %integer_pow3A_17 = arith.mulf %sub3A_16, %sub3A_16 : vector<64x256xf32>
    %add3A = arith.addf %integer_pow3A, %integer_pow3A_17 : vector<64x256xf32>
    %slice3A_18 = vector.extract_strided_slice %get3A_3 {offsets = [0, 2], sizes = [64, 1], strides = [1, 1]} : vector<64x3xf32> to vector<64x1xf32>
    %slice3A_19 = vector.extract_strided_slice %get3A_8 {offsets = [2, 0], sizes = [1, 256], strides = [1, 1]} : vector<3x256xf32> to vector<1x256xf32>
    %sub3A_20 = vector.broadcast %slice3A_18 : vector<64x1xf32> to vector<64x256xf32>
    %sub3A_21 = vector.broadcast %slice3A_19 : vector<1x256xf32> to vector<64x256xf32>
    %sub3A_22 = arith.subf %sub3A_20, %sub3A_21 : vector<64x256xf32>
    %integer_pow3A_23 = arith.mulf %sub3A_22, %sub3A_22 : vector<64x256xf32>
    %add3A_24 = arith.addf %add3A, %integer_pow3A_23 : vector<64x256xf32>
    %swap3A = arith.constant 0 : index
    %swap3A_25 = arith.constant 0 : index
    %swap3A_26 = vector.load %arg5[%swap3A, %swap3A_25] : memref<64x256xf32, #tpu.memory_space<vmem>>, vector<64x256xf32>
    tpu.vector_store %arg5[%swap3A, %swap3A_25], %add3A_24 {strides = array<i32>} : memref<64x256xf32, #tpu.memory_space<vmem>>, vector<64x256xf32>,
    %iota3A = tpu.iota {dimensions = array<i32: 1>} : vector<64x256xi32>
    %iota3A_27 = tpu.iota {dimensions = array<i32: 1>} : vector<64x32xi32>
    %broadcast_in_dim3A = arith.constant 0 : i32
    %broadcast_in_dim3A_28 = vector.broadcast %broadcast_in_dim3A : i32 to vector<64x32xi32>
    %scan3A = arith.constant 0 : i32
    %scan3A_29 = arith.constant 32 : i32
    %scan3A_30 = arith.addi %scan3A, %scan3A_29 : i32
    %scan3A_31 = arith.constant 1 : i32
    %scan3A_32 = scf.for %scan3A_40 = %scan3A to %scan3A_30 step %scan3A_31 iter_args(%scan3A_41 = %broadcast_in_dim3A_28) -> (vector<64x32xi32>)  : i32 {
      %get3A_42 = arith.constant 0 : index
      %get3A_43 = arith.constant 0 : index
      %get3A_44 = vector.load %arg5[%get3A_42, %get3A_43] : memref<64x256xf32, #tpu.memory_space<vmem>>, vector<64x256xf32>
      %reduce_min3A = arith.constant dense<0x7F800000> : vector<64xf32>
      %reduce_min3A_45 = vector.multi_reduction <minimumf>, %get3A_44, %reduce_min3A [1] : vector<64x256xf32> to vector<64xf32>
      %broadcast_in_dim3A_46 = vector.shape_cast %reduce_min3A_45 : vector<64xf32> to vector<64x1xf32>
      %le3A = vector.broadcast %broadcast_in_dim3A_46 : vector<64x1xf32> to vector<64x256xf32>
      %le3A_47 = arith.cmpf ole, %get3A_44, %le3A : vector<64x256xf32>
      %jit3A = arith.constant 256 : i32
      %broadcast_in_dim3A_48 = vector.broadcast %jit3A : i32 to vector<64x256xi32>
      %select_n3A = arith.select %le3A_47, %iota3A, %broadcast_in_dim3A_48 : vector<64x256xi1>, vector<64x256xi32>
      %reduce_min3A_49 = arith.constant dense<2147483647> : vector<64xi32>
      %reduce_min3A_50 = vector.multi_reduction <minsi>, %select_n3A, %reduce_min3A_49 [1] : vector<64x256xi32> to vector<64xi32>
      %broadcast_in_dim3A_51 = vector.shape_cast %reduce_min3A_50 : vector<64xi32> to vector<64x1xi32>
      %eq3A = vector.broadcast %broadcast_in_dim3A_51 : vector<64x1xi32> to vector<64x256xi32>
      %eq3A_52 = arith.cmpi eq, %iota3A, %eq3A : vector<64x256xi32>
      %jit3A_53 = arith.constant 0x7F800000 : f32
      %broadcast_in_dim3A_54 = vector.broadcast %jit3A_53 : f32 to vector<64x256xf32>
      %select_n3A_55 = arith.select %eq3A_52, %broadcast_in_dim3A_54, %get3A_44 : vector<64x256xi1>, vector<64x256xf32>
      %swap3A_56 = arith.constant 0 : index
      %swap3A_57 = arith.constant 0 : index
      %swap3A_58 = vector.load %arg5[%swap3A_56, %swap3A_57] : memref<64x256xf32, #tpu.memory_space<vmem>>, vector<64x256xf32>
      tpu.vector_store %arg5[%swap3A_56, %swap3A_57], %select_n3A_55 {strides = array<i32>} : memref<64x256xf32, #tpu.memory_space<vmem>>, vector<64x256xf32>,
      %eq3A_59 = vector.broadcast %scan3A_40 : i32 to vector<64x32xi32>
      %eq3A_60 = arith.cmpi eq, %iota3A_27, %eq3A_59 : vector<64x32xi32>
      %broadcast_in_dim3A_61 = vector.shape_cast %reduce_min3A_50 : vector<64xi32> to vector<64x1xi32>
      %broadcast_in_dim3A_62 = vector.shape_cast %broadcast_in_dim3A_61 : vector<64x1xi32> to vector<64x1xi32>
      %broadcast_in_dim3A_63 = vector.broadcast %broadcast_in_dim3A_62 : vector<64x1xi32> to vector<64x32xi32>
      %select_n3A_64 = arith.select %eq3A_60, %broadcast_in_dim3A_63, %scan3A_41 : vector<64x32xi1>, vector<64x32xi32>
      scf.yield %select_n3A_64 : vector<64x32xi32>
    }
    %scan3A_33 = arith.constant 32 : i32
    %swap3A_34 = arith.constant 0 : index
    %swap3A_35 = arith.constant 0 : index
    %swap3A_36 = arith.constant 0 : index
    %swap3A_37 = vector.load %arg4[%swap3A_34, %swap3A_35, %swap3A_36] : memref<1x64x32xi32, #tpu.memory_space<vmem>>, vector<1x64x32xi32>
    %swap3A_38 = vector.shape_cast %swap3A_37 : vector<1x64x32xi32> to vector<64x32xi32>
    %swap3A_39 = vector.shape_cast %scan3A_32 : vector<64x32xi32> to vector<1x64x32xi32>
    tpu.vector_store %arg4[%swap3A_34, %swap3A_35, %swap3A_36], %swap3A_39 {strides = array<i32>} : memref<1x64x32xi32, #tpu.memory_space<vmem>>, vector<1x64x32xi32>,
    return
  }
  func.func @transform_0(%arg0: i32, %arg1: i32) -> (i32, i32, i32) {
    %c0_i32 = arith.constant 0 : i32
    %c0_i32_0 = arith.constant 0 : i32
    return %arg0, %arg1, %c0_i32 : i32, i32, i32
  }
  func.func @transform_1(%arg0: i32, %arg1: i32) -> (i32, i32, i32) {
    %c0_i32 = arith.constant 0 : i32
    %c0_i32_0 = arith.constant 0 : i32
    %c0_i32_1 = arith.constant 0 : i32
    return %arg0, %c0_i32, %c0_i32_0 : i32, i32, i32
  }
  func.func @transform_2(%arg0: i32, %arg1: i32) -> (i32, i32, i32) {
    %c0_i32 = arith.constant 0 : i32
    %c0_i32_0 = arith.constant 0 : i32
    return %arg0, %arg1, %c0_i32 : i32, i32, i32
  }
}

module attributes {stable_mosaic.version = 14 : i64} {
  func.func @_mm_body(%arg0: i32, %arg1: i32, %arg2: memref<1x64x512xf32, #tpu.memory_space<vmem>>, %arg3: memref<512x512xf32, #tpu.memory_space<vmem>>, %arg4: memref<1x64x512xf32, #tpu.memory_space<vmem>>, %arg5: memref<8x512xf32, #tpu.memory_space<vmem>>) attributes {dimension_semantics = [#tpu.dimension_semantics<arbitrary>, #tpu.dimension_semantics<arbitrary>], iteration_bounds = array<i64: 8, 1>, scalar_prefetch = 0 : i64, scratch_operands = 0 : i64, tpu.core_type = #tpu.core_type<tc>, window_params = [{transform_indices = @transform_0, window_bounds = array<i64: 1, 64, 512>}, {pipeline_mode = #tpu.pipeline_mode<synchronous>, transform_indices = @transform_1, window_bounds = array<i64: 512, 512>}, {transform_indices = @transform_2, window_bounds = array<i64: 1, 64, 512>}, {pipeline_mode = #tpu.pipeline_mode<synchronous>, transform_indices = @transform_3, window_bounds = array<i64: 8, 512>}]} {
    %get3A = arith.constant 0 : index
    %get3A_0 = arith.constant 0 : index
    %get3A_1 = arith.constant 0 : index
    %get3A_2 = vector.load %arg2[%get3A, %get3A_0, %get3A_1] : memref<1x64x512xf32, #tpu.memory_space<vmem>>, vector<1x64x512xf32>
    %get3A_3 = vector.shape_cast %get3A_2 : vector<1x64x512xf32> to vector<64x512xf32>
    %get3A_4 = arith.constant 0 : index
    %get3A_5 = arith.constant 0 : index
    %get3A_6 = vector.load %arg3[%get3A_4, %get3A_5] : memref<512x512xf32, #tpu.memory_space<vmem>>, vector<512x512xf32>
    %dot_general3A = arith.constant dense<0.000000e+00> : vector<64x512xf32>
    %dot_general3A_7 = tpu.matmul %get3A_3, %get3A_6, %dot_general3A {dimension_numbers = #tpu.dot_dimension_numbers<[1], [0], [0], [1], [0, 0, 1, 1], [], []>, transpose_lhs_hint = false} : vector<64x512xf32>, vector<512x512xf32>, vector<64x512xf32> -> vector<64x512xf32>
    %swap3A = arith.constant 0 : index
    %swap3A_8 = arith.constant 0 : index
    %swap3A_9 = arith.constant 0 : index
    %swap3A_10 = vector.load %arg4[%swap3A, %swap3A_8, %swap3A_9] : memref<1x64x512xf32, #tpu.memory_space<vmem>>, vector<1x64x512xf32>
    %swap3A_11 = vector.shape_cast %swap3A_10 : vector<1x64x512xf32> to vector<64x512xf32>
    %swap3A_12 = vector.shape_cast %dot_general3A_7 : vector<64x512xf32> to vector<1x64x512xf32>
    tpu.vector_store %arg4[%swap3A, %swap3A_8, %swap3A_9], %swap3A_12 {strides = array<i32>} : memref<1x64x512xf32, #tpu.memory_space<vmem>>, vector<1x64x512xf32>,
    %eq3A = arith.constant 0 : i32
    %eq3A_13 = arith.cmpi eq, %arg0, %eq3A : i32
    %eq3A_14 = arith.constant 0 : i32
    %eq3A_15 = arith.cmpi eq, %arg1, %eq3A_14 : i32
    %and3A = arith.andi %eq3A_13, %eq3A_15 : i1
    %convert_element_type3A = arith.extui %and3A : i1 to i32
    %cond3A = arith.constant 0 : i32
    %cond3A_16 = arith.cmpi ne, %convert_element_type3A, %cond3A : i32
    scf.if %cond3A_16 {
      %broadcast_in_dim3A_24 = arith.constant 0.000000e+00 : f32
      %broadcast_in_dim3A_25 = vector.broadcast %broadcast_in_dim3A_24 : f32 to vector<8x512xf32>
      %swap3A_26 = arith.constant 0 : index
      %swap3A_27 = arith.constant 0 : index
      %swap3A_28 = vector.load %arg5[%swap3A_26, %swap3A_27] : memref<8x512xf32, #tpu.memory_space<vmem>>, vector<8x512xf32>
      tpu.vector_store %arg5[%swap3A_26, %swap3A_27], %broadcast_in_dim3A_25 {strides = array<i32>} : memref<8x512xf32, #tpu.memory_space<vmem>>, vector<8x512xf32>,
    } else {
    }
    %get3A_17 = arith.constant 0 : index
    %get3A_18 = arith.constant 0 : index
    %get3A_19 = vector.load %arg5[%get3A_17, %get3A_18] : memref<8x512xf32, #tpu.memory_space<vmem>>, vector<1x512xf32>
    %reduce_sum3A = arith.constant dense<0.000000e+00> : vector<512xf32>
    %reduce_sum3A_20 = vector.multi_reduction <add>, %dot_general3A_7, %reduce_sum3A [0] : vector<64x512xf32> to vector<512xf32>
    %broadcast_in_dim3A = vector.shape_cast %reduce_sum3A_20 : vector<512xf32> to vector<1x512xf32>
    %add3A = arith.addf %get3A_19, %broadcast_in_dim3A : vector<1x512xf32>
    %swap3A_21 = arith.constant 0 : index
    %swap3A_22 = arith.constant 0 : index
    %swap3A_23 = vector.load %arg5[%swap3A_21, %swap3A_22] : memref<8x512xf32, #tpu.memory_space<vmem>>, vector<1x512xf32>
    tpu.vector_store %arg5[%swap3A_21, %swap3A_22], %add3A {strides = array<i32>} : memref<8x512xf32, #tpu.memory_space<vmem>>, vector<1x512xf32>,
    return
  }
  func.func @transform_0(%arg0: i32, %arg1: i32) -> (i32, i32, i32) {
    %c0_i32 = arith.constant 0 : i32
    %c0_i32_0 = arith.constant 0 : i32
    return %arg0, %arg1, %c0_i32 : i32, i32, i32
  }
  func.func @transform_1(%arg0: i32, %arg1: i32) -> (i32, i32) {
    %c0_i32 = arith.constant 0 : i32
    %c0_i32_0 = arith.constant 0 : i32
    %c0_i32_1 = arith.constant 0 : i32
    return %c0_i32, %c0_i32_0 : i32, i32
  }
  func.func @transform_2(%arg0: i32, %arg1: i32) -> (i32, i32, i32) {
    %c0_i32 = arith.constant 0 : i32
    %c0_i32_0 = arith.constant 0 : i32
    return %arg0, %arg1, %c0_i32 : i32, i32, i32
  }
  func.func @transform_3(%arg0: i32, %arg1: i32) -> (i32, i32) {
    %c0_i32 = arith.constant 0 : i32
    %c0_i32_0 = arith.constant 0 : i32
    %c0_i32_1 = arith.constant 0 : i32
    return %c0_i32, %c0_i32_0 : i32, i32
  }
}

module attributes {stable_mosaic.version = 14 : i64} {
  func.func @_var_body(%arg0: i32, %arg1: i32, %arg2: memref<1x64x512xf32, #tpu.memory_space<vmem>>, %arg3: memref<8x512xf32, #tpu.memory_space<vmem>>, %arg4: memref<8x512xf32, #tpu.memory_space<vmem>>) attributes {dimension_semantics = [#tpu.dimension_semantics<arbitrary>, #tpu.dimension_semantics<arbitrary>], iteration_bounds = array<i64: 8, 1>, scalar_prefetch = 0 : i64, scratch_operands = 0 : i64, tpu.core_type = #tpu.core_type<tc>, window_params = [{transform_indices = @transform_0, window_bounds = array<i64: 1, 64, 512>}, {pipeline_mode = #tpu.pipeline_mode<synchronous>, transform_indices = @transform_1, window_bounds = array<i64: 8, 512>}, {pipeline_mode = #tpu.pipeline_mode<synchronous>, transform_indices = @transform_2, window_bounds = array<i64: 8, 512>}]} {
    %eq3A = arith.constant 0 : i32
    %eq3A_0 = arith.cmpi eq, %arg0, %eq3A : i32
    %eq3A_1 = arith.constant 0 : i32
    %eq3A_2 = arith.cmpi eq, %arg1, %eq3A_1 : i32
    %and3A = arith.andi %eq3A_0, %eq3A_2 : i1
    %get3A = arith.constant 0 : index
    %get3A_3 = arith.constant 0 : index
    %get3A_4 = arith.constant 0 : index
    %get3A_5 = vector.load %arg2[%get3A, %get3A_3, %get3A_4] : memref<1x64x512xf32, #tpu.memory_space<vmem>>, vector<1x64x512xf32>
    %get3A_6 = vector.shape_cast %get3A_5 : vector<1x64x512xf32> to vector<64x512xf32>
    %get3A_7 = arith.constant 0 : index
    %get3A_8 = arith.constant 0 : index
    %get3A_9 = vector.load %arg3[%get3A_7, %get3A_8] : memref<8x512xf32, #tpu.memory_space<vmem>>, vector<1x512xf32>
    %div3A = arith.constant 5.120000e+02 : f32
    %div3A_10 = vector.broadcast %div3A : f32 to vector<1x512xf32>
    %div3A_11 = arith.divf %get3A_9, %div3A_10 : vector<1x512xf32>
    %sub3A = vector.broadcast %div3A_11 : vector<1x512xf32> to vector<64x512xf32>
    %sub3A_12 = arith.subf %get3A_6, %sub3A : vector<64x512xf32>
    %convert_element_type3A = arith.extui %and3A : i1 to i32
    %cond3A = arith.constant 0 : i32
    %cond3A_13 = arith.cmpi ne, %convert_element_type3A, %cond3A : i32
    scf.if %cond3A_13 {
      %broadcast_in_dim3A_20 = arith.constant 0.000000e+00 : f32
      %broadcast_in_dim3A_21 = vector.broadcast %broadcast_in_dim3A_20 : f32 to vector<8x512xf32>
      %swap3A_22 = arith.constant 0 : index
      %swap3A_23 = arith.constant 0 : index
      %swap3A_24 = vector.load %arg4[%swap3A_22, %swap3A_23] : memref<8x512xf32, #tpu.memory_space<vmem>>, vector<8x512xf32>
      tpu.vector_store %arg4[%swap3A_22, %swap3A_23], %broadcast_in_dim3A_21 {strides = array<i32>} : memref<8x512xf32, #tpu.memory_space<vmem>>, vector<8x512xf32>,
    } else {
    }
    %get3A_14 = arith.constant 0 : index
    %get3A_15 = arith.constant 0 : index
    %get3A_16 = vector.load %arg4[%get3A_14, %get3A_15] : memref<8x512xf32, #tpu.memory_space<vmem>>, vector<1x512xf32>
    %mul3A = arith.mulf %sub3A_12, %sub3A_12 : vector<64x512xf32>
    %reduce_sum3A = arith.constant dense<0.000000e+00> : vector<512xf32>
    %reduce_sum3A_17 = vector.multi_reduction <add>, %mul3A, %reduce_sum3A [0] : vector<64x512xf32> to vector<512xf32>
    %broadcast_in_dim3A = vector.shape_cast %reduce_sum3A_17 : vector<512xf32> to vector<1x512xf32>
    %add3A = arith.addf %get3A_16, %broadcast_in_dim3A : vector<1x512xf32>
    %swap3A = arith.constant 0 : index
    %swap3A_18 = arith.constant 0 : index
    %swap3A_19 = vector.load %arg4[%swap3A, %swap3A_18] : memref<8x512xf32, #tpu.memory_space<vmem>>, vector<1x512xf32>
    tpu.vector_store %arg4[%swap3A, %swap3A_18], %add3A {strides = array<i32>} : memref<8x512xf32, #tpu.memory_space<vmem>>, vector<1x512xf32>,
    return
  }
  func.func @transform_0(%arg0: i32, %arg1: i32) -> (i32, i32, i32) {
    %c0_i32 = arith.constant 0 : i32
    %c0_i32_0 = arith.constant 0 : i32
    return %arg0, %arg1, %c0_i32 : i32, i32, i32
  }
  func.func @transform_1(%arg0: i32, %arg1: i32) -> (i32, i32) {
    %c0_i32 = arith.constant 0 : i32
    %c0_i32_0 = arith.constant 0 : i32
    %c0_i32_1 = arith.constant 0 : i32
    return %c0_i32, %c0_i32_0 : i32, i32
  }
  func.func @transform_2(%arg0: i32, %arg1: i32) -> (i32, i32) {
    %c0_i32 = arith.constant 0 : i32
    %c0_i32_0 = arith.constant 0 : i32
    %c0_i32_1 = arith.constant 0 : i32
    return %c0_i32, %c0_i32_0 : i32, i32
  }
}

module attributes {stable_mosaic.version = 14 : i64} {
  func.func @_mm_body(%arg0: i32, %arg1: i32, %arg2: memref<1x64x512xf32, #tpu.memory_space<vmem>>, %arg3: memref<8x512xf32, #tpu.memory_space<vmem>>, %arg4: memref<8x512xf32, #tpu.memory_space<vmem>>, %arg5: memref<1x512xf32, #tpu.memory_space<vmem>>, %arg6: memref<1x512xf32, #tpu.memory_space<vmem>>, %arg7: memref<512x512xf32, #tpu.memory_space<vmem>>, %arg8: memref<1x64x512xf32, #tpu.memory_space<vmem>>, %arg9: memref<8x512xf32, #tpu.memory_space<vmem>>) attributes {dimension_semantics = [#tpu.dimension_semantics<arbitrary>, #tpu.dimension_semantics<arbitrary>], iteration_bounds = array<i64: 8, 1>, scalar_prefetch = 0 : i64, scratch_operands = 0 : i64, tpu.core_type = #tpu.core_type<tc>, window_params = [{transform_indices = @transform_0, window_bounds = array<i64: 1, 64, 512>}, {pipeline_mode = #tpu.pipeline_mode<synchronous>, transform_indices = @transform_1, window_bounds = array<i64: 8, 512>}, {pipeline_mode = #tpu.pipeline_mode<synchronous>, transform_indices = @transform_2, window_bounds = array<i64: 8, 512>}, {pipeline_mode = #tpu.pipeline_mode<synchronous>, transform_indices = @transform_3, window_bounds = array<i64: 1, 512>}, {pipeline_mode = #tpu.pipeline_mode<synchronous>, transform_indices = @transform_4, window_bounds = array<i64: 1, 512>}, {pipeline_mode = #tpu.pipeline_mode<synchronous>, transform_indices = @transform_5, window_bounds = array<i64: 512, 512>}, {transform_indices = @transform_6, window_bounds = array<i64: 1, 64, 512>}, {pipeline_mode = #tpu.pipeline_mode<synchronous>, transform_indices = @transform_7, window_bounds = array<i64: 8, 512>}]} {
    %get3A = arith.constant 0 : index
    %get3A_0 = arith.constant 0 : index
    %get3A_1 = arith.constant 0 : index
    %get3A_2 = vector.load %arg2[%get3A, %get3A_0, %get3A_1] : memref<1x64x512xf32, #tpu.memory_space<vmem>>, vector<1x64x512xf32>
    %get3A_3 = vector.shape_cast %get3A_2 : vector<1x64x512xf32> to vector<64x512xf32>
    %get3A_4 = arith.constant 0 : index
    %get3A_5 = arith.constant 0 : index
    %get3A_6 = vector.load %arg3[%get3A_4, %get3A_5] : memref<8x512xf32, #tpu.memory_space<vmem>>, vector<8x512xf32>
    %get3A_7 = arith.constant 0 : index
    %get3A_8 = arith.constant 0 : index
    %get3A_9 = vector.load %arg4[%get3A_7, %get3A_8] : memref<8x512xf32, #tpu.memory_space<vmem>>, vector<8x512xf32>
    %get3A_10 = arith.constant 0 : index
    %get3A_11 = arith.constant 0 : index
    %get3A_12 = vector.load %arg5[%get3A_10, %get3A_11] : memref<1x512xf32, #tpu.memory_space<vmem>>, vector<1x512xf32>
    %get3A_13 = arith.constant 0 : index
    %get3A_14 = arith.constant 0 : index
    %get3A_15 = vector.load %arg6[%get3A_13, %get3A_14] : memref<1x512xf32, #tpu.memory_space<vmem>>, vector<1x512xf32>
    %slice3A = vector.extract_strided_slice %get3A_6 {offsets = [0, 0], sizes = [1, 512], strides = [1, 1]} : vector<8x512xf32> to vector<1x512xf32>
    %div3A = arith.constant 5.120000e+02 : f32
    %div3A_16 = vector.broadcast %div3A : f32 to vector<1x512xf32>
    %div3A_17 = arith.divf %slice3A, %div3A_16 : vector<1x512xf32>
    %slice3A_18 = vector.extract_strided_slice %get3A_9 {offsets = [0, 0], sizes = [1, 512], strides = [1, 1]} : vector<8x512xf32> to vector<1x512xf32>
    %div3A_19 = arith.constant 5.120000e+02 : f32
    %div3A_20 = vector.broadcast %div3A_19 : f32 to vector<1x512xf32>
    %div3A_21 = arith.divf %slice3A_18, %div3A_20 : vector<1x512xf32>
    %sub3A = vector.broadcast %div3A_17 : vector<1x512xf32> to vector<64x512xf32>
    %sub3A_22 = arith.subf %get3A_3, %sub3A : vector<64x512xf32>
    %add3A = arith.constant 9.99999974E-6 : f32
    %add3A_23 = vector.broadcast %add3A : f32 to vector<1x512xf32>
    %add3A_24 = arith.addf %div3A_21, %add3A_23 : vector<1x512xf32>
    %sqrt3A = math.sqrt %add3A_24 : vector<1x512xf32>
    %div3A_25 = vector.broadcast %sqrt3A : vector<1x512xf32> to vector<64x512xf32>
    %div3A_26 = arith.divf %sub3A_22, %div3A_25 : vector<64x512xf32>
    %mul3A = vector.broadcast %get3A_12 : vector<1x512xf32> to vector<64x512xf32>
    %mul3A_27 = arith.mulf %div3A_26, %mul3A : vector<64x512xf32>
    %add3A_28 = vector.broadcast %get3A_15 : vector<1x512xf32> to vector<64x512xf32>
    %add3A_29 = arith.addf %mul3A_27, %add3A_28 : vector<64x512xf32>
    %max3A = arith.constant 0.000000e+00 : f32
    %max3A_30 = vector.broadcast %max3A : f32 to vector<64x512xf32>
    %max3A_31 = arith.maximumf %add3A_29, %max3A_30 : vector<64x512xf32>
    %get3A_32 = arith.constant 0 : index
    %get3A_33 = arith.constant 0 : index
    %get3A_34 = vector.load %arg7[%get3A_32, %get3A_33] : memref<512x512xf32, #tpu.memory_space<vmem>>, vector<512x512xf32>
    %dot_general3A = arith.constant dense<0.000000e+00> : vector<64x512xf32>
    %dot_general3A_35 = tpu.matmul %max3A_31, %get3A_34, %dot_general3A {dimension_numbers = #tpu.dot_dimension_numbers<[1], [0], [0], [1], [0, 0, 1, 1], [], []>, transpose_lhs_hint = false} : vector<64x512xf32>, vector<512x512xf32>, vector<64x512xf32> -> vector<64x512xf32>
    %swap3A = arith.constant 0 : index
    %swap3A_36 = arith.constant 0 : index
    %swap3A_37 = arith.constant 0 : index
    %swap3A_38 = vector.load %arg8[%swap3A, %swap3A_36, %swap3A_37] : memref<1x64x512xf32, #tpu.memory_space<vmem>>, vector<1x64x512xf32>
    %swap3A_39 = vector.shape_cast %swap3A_38 : vector<1x64x512xf32> to vector<64x512xf32>
    %swap3A_40 = vector.shape_cast %dot_general3A_35 : vector<64x512xf32> to vector<1x64x512xf32>
    tpu.vector_store %arg8[%swap3A, %swap3A_36, %swap3A_37], %swap3A_40 {strides = array<i32>} : memref<1x64x512xf32, #tpu.memory_space<vmem>>, vector<1x64x512xf32>,
    %eq3A = arith.constant 0 : i32
    %eq3A_41 = arith.cmpi eq, %arg0, %eq3A : i32
    %eq3A_42 = arith.constant 0 : i32
    %eq3A_43 = arith.cmpi eq, %arg1, %eq3A_42 : i32
    %and3A = arith.andi %eq3A_41, %eq3A_43 : i1
    %convert_element_type3A = arith.extui %and3A : i1 to i32
    %cond3A = arith.constant 0 : i32
    %cond3A_44 = arith.cmpi ne, %convert_element_type3A, %cond3A : i32
    scf.if %cond3A_44 {
      %broadcast_in_dim3A_53 = arith.constant 0.000000e+00 : f32
      %broadcast_in_dim3A_54 = vector.broadcast %broadcast_in_dim3A_53 : f32 to vector<8x512xf32>
      %swap3A_55 = arith.constant 0 : index
      %swap3A_56 = arith.constant 0 : index
      %swap3A_57 = vector.load %arg9[%swap3A_55, %swap3A_56] : memref<8x512xf32, #tpu.memory_space<vmem>>, vector<8x512xf32>
      tpu.vector_store %arg9[%swap3A_55, %swap3A_56], %broadcast_in_dim3A_54 {strides = array<i32>} : memref<8x512xf32, #tpu.memory_space<vmem>>, vector<8x512xf32>,
    } else {
    }
    %get3A_45 = arith.constant 0 : index
    %get3A_46 = arith.constant 0 : index
    %get3A_47 = vector.load %arg9[%get3A_45, %get3A_46] : memref<8x512xf32, #tpu.memory_space<vmem>>, vector<1x512xf32>
    %reduce_sum3A = arith.constant dense<0.000000e+00> : vector<512xf32>
    %reduce_sum3A_48 = vector.multi_reduction <add>, %dot_general3A_35, %reduce_sum3A [0] : vector<64x512xf32> to vector<512xf32>
    %broadcast_in_dim3A = vector.shape_cast %reduce_sum3A_48 : vector<512xf32> to vector<1x512xf32>
    %add3A_49 = arith.addf %get3A_47, %broadcast_in_dim3A : vector<1x512xf32>
    %swap3A_50 = arith.constant 0 : index
    %swap3A_51 = arith.constant 0 : index
    %swap3A_52 = vector.load %arg9[%swap3A_50, %swap3A_51] : memref<8x512xf32, #tpu.memory_space<vmem>>, vector<1x512xf32>
    tpu.vector_store %arg9[%swap3A_50, %swap3A_51], %add3A_49 {strides = array<i32>} : memref<8x512xf32, #tpu.memory_space<vmem>>, vector<1x512xf32>,
    return
  }
  func.func @transform_0(%arg0: i32, %arg1: i32) -> (i32, i32, i32) {
    %c0_i32 = arith.constant 0 : i32
    %c0_i32_0 = arith.constant 0 : i32
    return %arg0, %arg1, %c0_i32 : i32, i32, i32
  }
  func.func @transform_1(%arg0: i32, %arg1: i32) -> (i32, i32) {
    %c0_i32 = arith.constant 0 : i32
    %c0_i32_0 = arith.constant 0 : i32
    %c0_i32_1 = arith.constant 0 : i32
    return %c0_i32, %c0_i32_0 : i32, i32
  }
  func.func @transform_2(%arg0: i32, %arg1: i32) -> (i32, i32) {
    %c0_i32 = arith.constant 0 : i32
    %c0_i32_0 = arith.constant 0 : i32
    %c0_i32_1 = arith.constant 0 : i32
    return %c0_i32, %c0_i32_0 : i32, i32
  }
  func.func @transform_3(%arg0: i32, %arg1: i32) -> (i32, i32) {
    %c0_i32 = arith.constant 0 : i32
    %c0_i32_0 = arith.constant 0 : i32
    %c0_i32_1 = arith.constant 0 : i32
    return %c0_i32, %c0_i32_0 : i32, i32
  }
  func.func @transform_4(%arg0: i32, %arg1: i32) -> (i32, i32) {
    %c0_i32 = arith.constant 0 : i32
    %c0_i32_0 = arith.constant 0 : i32
    %c0_i32_1 = arith.constant 0 : i32
    return %c0_i32, %c0_i32_0 : i32, i32
  }
  func.func @transform_5(%arg0: i32, %arg1: i32) -> (i32, i32) {
    %c0_i32 = arith.constant 0 : i32
    %c0_i32_0 = arith.constant 0 : i32
    %c0_i32_1 = arith.constant 0 : i32
    return %c0_i32, %c0_i32_0 : i32, i32
  }
  func.func @transform_6(%arg0: i32, %arg1: i32) -> (i32, i32, i32) {
    %c0_i32 = arith.constant 0 : i32
    %c0_i32_0 = arith.constant 0 : i32
    return %arg0, %arg1, %c0_i32 : i32, i32, i32
  }
  func.func @transform_7(%arg0: i32, %arg1: i32) -> (i32, i32) {
    %c0_i32 = arith.constant 0 : i32
    %c0_i32_0 = arith.constant 0 : i32
    %c0_i32_1 = arith.constant 0 : i32
    return %c0_i32, %c0_i32_0 : i32, i32
  }
}

module attributes {stable_mosaic.version = 14 : i64} {
  func.func @_mm_body(%arg0: i32, %arg1: i32, %arg2: memref<1x64x512xf32, #tpu.memory_space<vmem>>, %arg3: memref<8x512xf32, #tpu.memory_space<vmem>>, %arg4: memref<8x512xf32, #tpu.memory_space<vmem>>, %arg5: memref<1x512xf32, #tpu.memory_space<vmem>>, %arg6: memref<1x512xf32, #tpu.memory_space<vmem>>, %arg7: memref<512x1024xf32, #tpu.memory_space<vmem>>, %arg8: memref<1x64x1024xf32, #tpu.memory_space<vmem>>, %arg9: memref<8x1024xf32, #tpu.memory_space<vmem>>) attributes {dimension_semantics = [#tpu.dimension_semantics<arbitrary>, #tpu.dimension_semantics<arbitrary>], iteration_bounds = array<i64: 8, 1>, scalar_prefetch = 0 : i64, scratch_operands = 0 : i64, tpu.core_type = #tpu.core_type<tc>, window_params = [{transform_indices = @transform_0, window_bounds = array<i64: 1, 64, 512>}, {pipeline_mode = #tpu.pipeline_mode<synchronous>, transform_indices = @transform_1, window_bounds = array<i64: 8, 512>}, {pipeline_mode = #tpu.pipeline_mode<synchronous>, transform_indices = @transform_2, window_bounds = array<i64: 8, 512>}, {pipeline_mode = #tpu.pipeline_mode<synchronous>, transform_indices = @transform_3, window_bounds = array<i64: 1, 512>}, {pipeline_mode = #tpu.pipeline_mode<synchronous>, transform_indices = @transform_4, window_bounds = array<i64: 1, 512>}, {pipeline_mode = #tpu.pipeline_mode<synchronous>, transform_indices = @transform_5, window_bounds = array<i64: 512, 1024>}, {transform_indices = @transform_6, window_bounds = array<i64: 1, 64, 1024>}, {pipeline_mode = #tpu.pipeline_mode<synchronous>, transform_indices = @transform_7, window_bounds = array<i64: 8, 1024>}]} {
    %get3A = arith.constant 0 : index
    %get3A_0 = arith.constant 0 : index
    %get3A_1 = arith.constant 0 : index
    %get3A_2 = vector.load %arg2[%get3A, %get3A_0, %get3A_1] : memref<1x64x512xf32, #tpu.memory_space<vmem>>, vector<1x64x512xf32>
    %get3A_3 = vector.shape_cast %get3A_2 : vector<1x64x512xf32> to vector<64x512xf32>
    %get3A_4 = arith.constant 0 : index
    %get3A_5 = arith.constant 0 : index
    %get3A_6 = vector.load %arg3[%get3A_4, %get3A_5] : memref<8x512xf32, #tpu.memory_space<vmem>>, vector<8x512xf32>
    %get3A_7 = arith.constant 0 : index
    %get3A_8 = arith.constant 0 : index
    %get3A_9 = vector.load %arg4[%get3A_7, %get3A_8] : memref<8x512xf32, #tpu.memory_space<vmem>>, vector<8x512xf32>
    %get3A_10 = arith.constant 0 : index
    %get3A_11 = arith.constant 0 : index
    %get3A_12 = vector.load %arg5[%get3A_10, %get3A_11] : memref<1x512xf32, #tpu.memory_space<vmem>>, vector<1x512xf32>
    %get3A_13 = arith.constant 0 : index
    %get3A_14 = arith.constant 0 : index
    %get3A_15 = vector.load %arg6[%get3A_13, %get3A_14] : memref<1x512xf32, #tpu.memory_space<vmem>>, vector<1x512xf32>
    %slice3A = vector.extract_strided_slice %get3A_6 {offsets = [0, 0], sizes = [1, 512], strides = [1, 1]} : vector<8x512xf32> to vector<1x512xf32>
    %div3A = arith.constant 5.120000e+02 : f32
    %div3A_16 = vector.broadcast %div3A : f32 to vector<1x512xf32>
    %div3A_17 = arith.divf %slice3A, %div3A_16 : vector<1x512xf32>
    %slice3A_18 = vector.extract_strided_slice %get3A_9 {offsets = [0, 0], sizes = [1, 512], strides = [1, 1]} : vector<8x512xf32> to vector<1x512xf32>
    %div3A_19 = arith.constant 5.120000e+02 : f32
    %div3A_20 = vector.broadcast %div3A_19 : f32 to vector<1x512xf32>
    %div3A_21 = arith.divf %slice3A_18, %div3A_20 : vector<1x512xf32>
    %sub3A = vector.broadcast %div3A_17 : vector<1x512xf32> to vector<64x512xf32>
    %sub3A_22 = arith.subf %get3A_3, %sub3A : vector<64x512xf32>
    %add3A = arith.constant 9.99999974E-6 : f32
    %add3A_23 = vector.broadcast %add3A : f32 to vector<1x512xf32>
    %add3A_24 = arith.addf %div3A_21, %add3A_23 : vector<1x512xf32>
    %sqrt3A = math.sqrt %add3A_24 : vector<1x512xf32>
    %div3A_25 = vector.broadcast %sqrt3A : vector<1x512xf32> to vector<64x512xf32>
    %div3A_26 = arith.divf %sub3A_22, %div3A_25 : vector<64x512xf32>
    %mul3A = vector.broadcast %get3A_12 : vector<1x512xf32> to vector<64x512xf32>
    %mul3A_27 = arith.mulf %div3A_26, %mul3A : vector<64x512xf32>
    %add3A_28 = vector.broadcast %get3A_15 : vector<1x512xf32> to vector<64x512xf32>
    %add3A_29 = arith.addf %mul3A_27, %add3A_28 : vector<64x512xf32>
    %max3A = arith.constant 0.000000e+00 : f32
    %max3A_30 = vector.broadcast %max3A : f32 to vector<64x512xf32>
    %max3A_31 = arith.maximumf %add3A_29, %max3A_30 : vector<64x512xf32>
    %get3A_32 = arith.constant 0 : index
    %get3A_33 = arith.constant 0 : index
    %get3A_34 = vector.load %arg7[%get3A_32, %get3A_33] : memref<512x1024xf32, #tpu.memory_space<vmem>>, vector<512x1024xf32>
    %dot_general3A = arith.constant dense<0.000000e+00> : vector<64x1024xf32>
    %dot_general3A_35 = tpu.matmul %max3A_31, %get3A_34, %dot_general3A {dimension_numbers = #tpu.dot_dimension_numbers<[1], [0], [0], [1], [0, 0, 1, 1], [], []>, transpose_lhs_hint = false} : vector<64x512xf32>, vector<512x1024xf32>, vector<64x1024xf32> -> vector<64x1024xf32>
    %swap3A = arith.constant 0 : index
    %swap3A_36 = arith.constant 0 : index
    %swap3A_37 = arith.constant 0 : index
    %swap3A_38 = vector.load %arg8[%swap3A, %swap3A_36, %swap3A_37] : memref<1x64x1024xf32, #tpu.memory_space<vmem>>, vector<1x64x1024xf32>
    %swap3A_39 = vector.shape_cast %swap3A_38 : vector<1x64x1024xf32> to vector<64x1024xf32>
    %swap3A_40 = vector.shape_cast %dot_general3A_35 : vector<64x1024xf32> to vector<1x64x1024xf32>
    tpu.vector_store %arg8[%swap3A, %swap3A_36, %swap3A_37], %swap3A_40 {strides = array<i32>} : memref<1x64x1024xf32, #tpu.memory_space<vmem>>, vector<1x64x1024xf32>,
    %eq3A = arith.constant 0 : i32
    %eq3A_41 = arith.cmpi eq, %arg0, %eq3A : i32
    %eq3A_42 = arith.constant 0 : i32
    %eq3A_43 = arith.cmpi eq, %arg1, %eq3A_42 : i32
    %and3A = arith.andi %eq3A_41, %eq3A_43 : i1
    %convert_element_type3A = arith.extui %and3A : i1 to i32
    %cond3A = arith.constant 0 : i32
    %cond3A_44 = arith.cmpi ne, %convert_element_type3A, %cond3A : i32
    scf.if %cond3A_44 {
      %broadcast_in_dim3A_53 = arith.constant 0.000000e+00 : f32
      %broadcast_in_dim3A_54 = vector.broadcast %broadcast_in_dim3A_53 : f32 to vector<8x1024xf32>
      %swap3A_55 = arith.constant 0 : index
      %swap3A_56 = arith.constant 0 : index
      %swap3A_57 = vector.load %arg9[%swap3A_55, %swap3A_56] : memref<8x1024xf32, #tpu.memory_space<vmem>>, vector<8x1024xf32>
      tpu.vector_store %arg9[%swap3A_55, %swap3A_56], %broadcast_in_dim3A_54 {strides = array<i32>} : memref<8x1024xf32, #tpu.memory_space<vmem>>, vector<8x1024xf32>,
    } else {
    }
    %get3A_45 = arith.constant 0 : index
    %get3A_46 = arith.constant 0 : index
    %get3A_47 = vector.load %arg9[%get3A_45, %get3A_46] : memref<8x1024xf32, #tpu.memory_space<vmem>>, vector<1x1024xf32>
    %reduce_sum3A = arith.constant dense<0.000000e+00> : vector<1024xf32>
    %reduce_sum3A_48 = vector.multi_reduction <add>, %dot_general3A_35, %reduce_sum3A [0] : vector<64x1024xf32> to vector<1024xf32>
    %broadcast_in_dim3A = vector.shape_cast %reduce_sum3A_48 : vector<1024xf32> to vector<1x1024xf32>
    %add3A_49 = arith.addf %get3A_47, %broadcast_in_dim3A : vector<1x1024xf32>
    %swap3A_50 = arith.constant 0 : index
    %swap3A_51 = arith.constant 0 : index
    %swap3A_52 = vector.load %arg9[%swap3A_50, %swap3A_51] : memref<8x1024xf32, #tpu.memory_space<vmem>>, vector<1x1024xf32>
    tpu.vector_store %arg9[%swap3A_50, %swap3A_51], %add3A_49 {strides = array<i32>} : memref<8x1024xf32, #tpu.memory_space<vmem>>, vector<1x1024xf32>,
    return
  }
  func.func @transform_0(%arg0: i32, %arg1: i32) -> (i32, i32, i32) {
    %c0_i32 = arith.constant 0 : i32
    %c0_i32_0 = arith.constant 0 : i32
    return %arg0, %arg1, %c0_i32 : i32, i32, i32
  }
  func.func @transform_1(%arg0: i32, %arg1: i32) -> (i32, i32) {
    %c0_i32 = arith.constant 0 : i32
    %c0_i32_0 = arith.constant 0 : i32
    %c0_i32_1 = arith.constant 0 : i32
    return %c0_i32, %c0_i32_0 : i32, i32
  }
  func.func @transform_2(%arg0: i32, %arg1: i32) -> (i32, i32) {
    %c0_i32 = arith.constant 0 : i32
    %c0_i32_0 = arith.constant 0 : i32
    %c0_i32_1 = arith.constant 0 : i32
    return %c0_i32, %c0_i32_0 : i32, i32
  }
  func.func @transform_3(%arg0: i32, %arg1: i32) -> (i32, i32) {
    %c0_i32 = arith.constant 0 : i32
    %c0_i32_0 = arith.constant 0 : i32
    %c0_i32_1 = arith.constant 0 : i32
    return %c0_i32, %c0_i32_0 : i32, i32
  }
  func.func @transform_4(%arg0: i32, %arg1: i32) -> (i32, i32) {
    %c0_i32 = arith.constant 0 : i32
    %c0_i32_0 = arith.constant 0 : i32
    %c0_i32_1 = arith.constant 0 : i32
    return %c0_i32, %c0_i32_0 : i32, i32
  }
  func.func @transform_5(%arg0: i32, %arg1: i32) -> (i32, i32) {
    %c0_i32 = arith.constant 0 : i32
    %c0_i32_0 = arith.constant 0 : i32
    %c0_i32_1 = arith.constant 0 : i32
    return %c0_i32, %c0_i32_0 : i32, i32
  }
  func.func @transform_6(%arg0: i32, %arg1: i32) -> (i32, i32, i32) {
    %c0_i32 = arith.constant 0 : i32
    %c0_i32_0 = arith.constant 0 : i32
    return %arg0, %arg1, %c0_i32 : i32, i32, i32
  }
  func.func @transform_7(%arg0: i32, %arg1: i32) -> (i32, i32) {
    %c0_i32 = arith.constant 0 : i32
    %c0_i32_0 = arith.constant 0 : i32
    %c0_i32_1 = arith.constant 0 : i32
    return %c0_i32, %c0_i32_0 : i32, i32
  }
}

module attributes {stable_mosaic.version = 14 : i64} {
  func.func @_var_body(%arg0: i32, %arg1: i32, %arg2: memref<1x64x1024xf32, #tpu.memory_space<vmem>>, %arg3: memref<8x1024xf32, #tpu.memory_space<vmem>>, %arg4: memref<8x1024xf32, #tpu.memory_space<vmem>>) attributes {dimension_semantics = [#tpu.dimension_semantics<arbitrary>, #tpu.dimension_semantics<arbitrary>], iteration_bounds = array<i64: 8, 1>, scalar_prefetch = 0 : i64, scratch_operands = 0 : i64, tpu.core_type = #tpu.core_type<tc>, window_params = [{transform_indices = @transform_0, window_bounds = array<i64: 1, 64, 1024>}, {pipeline_mode = #tpu.pipeline_mode<synchronous>, transform_indices = @transform_1, window_bounds = array<i64: 8, 1024>}, {pipeline_mode = #tpu.pipeline_mode<synchronous>, transform_indices = @transform_2, window_bounds = array<i64: 8, 1024>}]} {
    %eq3A = arith.constant 0 : i32
    %eq3A_0 = arith.cmpi eq, %arg0, %eq3A : i32
    %eq3A_1 = arith.constant 0 : i32
    %eq3A_2 = arith.cmpi eq, %arg1, %eq3A_1 : i32
    %and3A = arith.andi %eq3A_0, %eq3A_2 : i1
    %get3A = arith.constant 0 : index
    %get3A_3 = arith.constant 0 : index
    %get3A_4 = arith.constant 0 : index
    %get3A_5 = vector.load %arg2[%get3A, %get3A_3, %get3A_4] : memref<1x64x1024xf32, #tpu.memory_space<vmem>>, vector<1x64x1024xf32>
    %get3A_6 = vector.shape_cast %get3A_5 : vector<1x64x1024xf32> to vector<64x1024xf32>
    %get3A_7 = arith.constant 0 : index
    %get3A_8 = arith.constant 0 : index
    %get3A_9 = vector.load %arg3[%get3A_7, %get3A_8] : memref<8x1024xf32, #tpu.memory_space<vmem>>, vector<1x1024xf32>
    %div3A = arith.constant 5.120000e+02 : f32
    %div3A_10 = vector.broadcast %div3A : f32 to vector<1x1024xf32>
    %div3A_11 = arith.divf %get3A_9, %div3A_10 : vector<1x1024xf32>
    %sub3A = vector.broadcast %div3A_11 : vector<1x1024xf32> to vector<64x1024xf32>
    %sub3A_12 = arith.subf %get3A_6, %sub3A : vector<64x1024xf32>
    %convert_element_type3A = arith.extui %and3A : i1 to i32
    %cond3A = arith.constant 0 : i32
    %cond3A_13 = arith.cmpi ne, %convert_element_type3A, %cond3A : i32
    scf.if %cond3A_13 {
      %broadcast_in_dim3A_20 = arith.constant 0.000000e+00 : f32
      %broadcast_in_dim3A_21 = vector.broadcast %broadcast_in_dim3A_20 : f32 to vector<8x1024xf32>
      %swap3A_22 = arith.constant 0 : index
      %swap3A_23 = arith.constant 0 : index
      %swap3A_24 = vector.load %arg4[%swap3A_22, %swap3A_23] : memref<8x1024xf32, #tpu.memory_space<vmem>>, vector<8x1024xf32>
      tpu.vector_store %arg4[%swap3A_22, %swap3A_23], %broadcast_in_dim3A_21 {strides = array<i32>} : memref<8x1024xf32, #tpu.memory_space<vmem>>, vector<8x1024xf32>,
    } else {
    }
    %get3A_14 = arith.constant 0 : index
    %get3A_15 = arith.constant 0 : index
    %get3A_16 = vector.load %arg4[%get3A_14, %get3A_15] : memref<8x1024xf32, #tpu.memory_space<vmem>>, vector<1x1024xf32>
    %mul3A = arith.mulf %sub3A_12, %sub3A_12 : vector<64x1024xf32>
    %reduce_sum3A = arith.constant dense<0.000000e+00> : vector<1024xf32>
    %reduce_sum3A_17 = vector.multi_reduction <add>, %mul3A, %reduce_sum3A [0] : vector<64x1024xf32> to vector<1024xf32>
    %broadcast_in_dim3A = vector.shape_cast %reduce_sum3A_17 : vector<1024xf32> to vector<1x1024xf32>
    %add3A = arith.addf %get3A_16, %broadcast_in_dim3A : vector<1x1024xf32>
    %swap3A = arith.constant 0 : index
    %swap3A_18 = arith.constant 0 : index
    %swap3A_19 = vector.load %arg4[%swap3A, %swap3A_18] : memref<8x1024xf32, #tpu.memory_space<vmem>>, vector<1x1024xf32>
    tpu.vector_store %arg4[%swap3A, %swap3A_18], %add3A {strides = array<i32>} : memref<8x1024xf32, #tpu.memory_space<vmem>>, vector<1x1024xf32>,
    return
  }
  func.func @transform_0(%arg0: i32, %arg1: i32) -> (i32, i32, i32) {
    %c0_i32 = arith.constant 0 : i32
    %c0_i32_0 = arith.constant 0 : i32
    return %arg0, %arg1, %c0_i32 : i32, i32, i32
  }
  func.func @transform_1(%arg0: i32, %arg1: i32) -> (i32, i32) {
    %c0_i32 = arith.constant 0 : i32
    %c0_i32_0 = arith.constant 0 : i32
    %c0_i32_1 = arith.constant 0 : i32
    return %c0_i32, %c0_i32_0 : i32, i32
  }
  func.func @transform_2(%arg0: i32, %arg1: i32) -> (i32, i32) {
    %c0_i32 = arith.constant 0 : i32
    %c0_i32_0 = arith.constant 0 : i32
    %c0_i32_1 = arith.constant 0 : i32
    return %c0_i32, %c0_i32_0 : i32, i32
  }
}

module attributes {stable_mosaic.version = 14 : i64} {
  func.func @_fin_body(%arg0: i32, %arg1: i32, %arg2: memref<1x1x64x1024xf32, #tpu.memory_space<vmem>>, %arg3: memref<8x1024xf32, #tpu.memory_space<vmem>>, %arg4: memref<8x1024xf32, #tpu.memory_space<vmem>>, %arg5: memref<1x1024xf32, #tpu.memory_space<vmem>>, %arg6: memref<1x1024xf32, #tpu.memory_space<vmem>>, %arg7: memref<1x64x1024xf32, #tpu.memory_space<vmem>>) attributes {dimension_semantics = [#tpu.dimension_semantics<arbitrary>, #tpu.dimension_semantics<arbitrary>], iteration_bounds = array<i64: 8, 1>, scalar_prefetch = 0 : i64, scratch_operands = 0 : i64, tpu.core_type = #tpu.core_type<tc>, window_params = [{transform_indices = @transform_0, window_bounds = array<i64: 1, 1, 64, 1024>}, {pipeline_mode = #tpu.pipeline_mode<synchronous>, transform_indices = @transform_1, window_bounds = array<i64: 8, 1024>}, {pipeline_mode = #tpu.pipeline_mode<synchronous>, transform_indices = @transform_2, window_bounds = array<i64: 8, 1024>}, {pipeline_mode = #tpu.pipeline_mode<synchronous>, transform_indices = @transform_3, window_bounds = array<i64: 1, 1024>}, {pipeline_mode = #tpu.pipeline_mode<synchronous>, transform_indices = @transform_4, window_bounds = array<i64: 1, 1024>}, {transform_indices = @transform_5, window_bounds = array<i64: 1, 64, 1024>}]} {
    %get3A = arith.constant 0 : index
    %get3A_0 = arith.constant 0 : index
    %get3A_1 = arith.constant 0 : index
    %get3A_2 = arith.constant 0 : index
    %get3A_3 = vector.load %arg2[%get3A, %get3A_0, %get3A_1, %get3A_2] : memref<1x1x64x1024xf32, #tpu.memory_space<vmem>>, vector<1x1x64x1024xf32>
    %get3A_4 = vector.shape_cast %get3A_3 : vector<1x1x64x1024xf32> to vector<64x1024xf32>
    %get3A_5 = arith.constant 0 : index
    %get3A_6 = arith.constant 0 : index
    %get3A_7 = vector.load %arg3[%get3A_5, %get3A_6] : memref<8x1024xf32, #tpu.memory_space<vmem>>, vector<8x1024xf32>
    %get3A_8 = arith.constant 0 : index
    %get3A_9 = arith.constant 0 : index
    %get3A_10 = vector.load %arg4[%get3A_8, %get3A_9] : memref<8x1024xf32, #tpu.memory_space<vmem>>, vector<8x1024xf32>
    %get3A_11 = arith.constant 0 : index
    %get3A_12 = arith.constant 0 : index
    %get3A_13 = vector.load %arg5[%get3A_11, %get3A_12] : memref<1x1024xf32, #tpu.memory_space<vmem>>, vector<1x1024xf32>
    %get3A_14 = arith.constant 0 : index
    %get3A_15 = arith.constant 0 : index
    %get3A_16 = vector.load %arg6[%get3A_14, %get3A_15] : memref<1x1024xf32, #tpu.memory_space<vmem>>, vector<1x1024xf32>
    %slice3A = vector.extract_strided_slice %get3A_7 {offsets = [0, 0], sizes = [1, 1024], strides = [1, 1]} : vector<8x1024xf32> to vector<1x1024xf32>
    %div3A = arith.constant 5.120000e+02 : f32
    %div3A_17 = vector.broadcast %div3A : f32 to vector<1x1024xf32>
    %div3A_18 = arith.divf %slice3A, %div3A_17 : vector<1x1024xf32>
    %slice3A_19 = vector.extract_strided_slice %get3A_10 {offsets = [0, 0], sizes = [1, 1024], strides = [1, 1]} : vector<8x1024xf32> to vector<1x1024xf32>
    %div3A_20 = arith.constant 5.120000e+02 : f32
    %div3A_21 = vector.broadcast %div3A_20 : f32 to vector<1x1024xf32>
    %div3A_22 = arith.divf %slice3A_19, %div3A_21 : vector<1x1024xf32>
    %sub3A = vector.broadcast %div3A_18 : vector<1x1024xf32> to vector<64x1024xf32>
    %sub3A_23 = arith.subf %get3A_4, %sub3A : vector<64x1024xf32>
    %add3A = arith.constant 9.99999974E-6 : f32
    %add3A_24 = vector.broadcast %add3A : f32 to vector<1x1024xf32>
    %add3A_25 = arith.addf %div3A_22, %add3A_24 : vector<1x1024xf32>
    %sqrt3A = math.sqrt %add3A_25 : vector<1x1024xf32>
    %div3A_26 = vector.broadcast %sqrt3A : vector<1x1024xf32> to vector<64x1024xf32>
    %div3A_27 = arith.divf %sub3A_23, %div3A_26 : vector<64x1024xf32>
    %mul3A = vector.broadcast %get3A_13 : vector<1x1024xf32> to vector<64x1024xf32>
    %mul3A_28 = arith.mulf %div3A_27, %mul3A : vector<64x1024xf32>
    %add3A_29 = vector.broadcast %get3A_16 : vector<1x1024xf32> to vector<64x1024xf32>
    %add3A_30 = arith.addf %mul3A_28, %add3A_29 : vector<64x1024xf32>
    %max3A = arith.constant 0.000000e+00 : f32
    %max3A_31 = vector.broadcast %max3A : f32 to vector<64x1024xf32>
    %max3A_32 = arith.maximumf %add3A_30, %max3A_31 : vector<64x1024xf32>
    %swap3A = arith.constant 0 : index
    %swap3A_33 = arith.constant 0 : index
    %swap3A_34 = arith.constant 0 : index
    %swap3A_35 = vector.load %arg7[%swap3A, %swap3A_33, %swap3A_34] : memref<1x64x1024xf32, #tpu.memory_space<vmem>>, vector<1x64x1024xf32>
    %swap3A_36 = vector.shape_cast %swap3A_35 : vector<1x64x1024xf32> to vector<64x1024xf32>
    %swap3A_37 = vector.shape_cast %max3A_32 : vector<64x1024xf32> to vector<1x64x1024xf32>
    tpu.vector_store %arg7[%swap3A, %swap3A_33, %swap3A_34], %swap3A_37 {strides = array<i32>} : memref<1x64x1024xf32, #tpu.memory_space<vmem>>, vector<1x64x1024xf32>,
    return
  }
  func.func @transform_0(%arg0: i32, %arg1: i32) -> (i32, i32, i32, i32) {
    %c0_i32 = arith.constant 0 : i32
    %c0_i32_0 = arith.constant 0 : i32
    %c0_i32_1 = arith.constant 0 : i32
    return %arg0, %c0_i32, %arg1, %c0_i32_0 : i32, i32, i32, i32
  }
  func.func @transform_1(%arg0: i32, %arg1: i32) -> (i32, i32) {
    %c0_i32 = arith.constant 0 : i32
    %c0_i32_0 = arith.constant 0 : i32
    %c0_i32_1 = arith.constant 0 : i32
    return %c0_i32, %c0_i32_0 : i32, i32
  }
  func.func @transform_2(%arg0: i32, %arg1: i32) -> (i32, i32) {
    %c0_i32 = arith.constant 0 : i32
    %c0_i32_0 = arith.constant 0 : i32
    %c0_i32_1 = arith.constant 0 : i32
    return %c0_i32, %c0_i32_0 : i32, i32
  }
  func.func @transform_3(%arg0: i32, %arg1: i32) -> (i32, i32) {
    %c0_i32 = arith.constant 0 : i32
    %c0_i32_0 = arith.constant 0 : i32
    %c0_i32_1 = arith.constant 0 : i32
    return %c0_i32, %c0_i32_0 : i32, i32
  }
  func.func @transform_4(%arg0: i32, %arg1: i32) -> (i32, i32) {
    %c0_i32 = arith.constant 0 : i32
    %c0_i32_0 = arith.constant 0 : i32
    %c0_i32_1 = arith.constant 0 : i32
    return %c0_i32, %c0_i32_0 : i32, i32
  }
  func.func @transform_5(%arg0: i32, %arg1: i32) -> (i32, i32, i32) {
    %c0_i32 = arith.constant 0 : i32
    %c0_i32_0 = arith.constant 0 : i32
    return %arg0, %arg1, %c0_i32 : i32, i32, i32
  }
}

module attributes {stable_mosaic.version = 14 : i64} {
  func.func @_nn_idx_body(%arg0: i32, %arg1: i32, %arg2: memref<1x64x3xf32, #tpu.memory_space<vmem>>, %arg3: memref<1x3x64xf32, #tpu.memory_space<vmem>>, %arg4: memref<1x1x64xi32, #tpu.memory_space<vmem>>) attributes {dimension_semantics = [#tpu.dimension_semantics<arbitrary>, #tpu.dimension_semantics<arbitrary>], iteration_bounds = array<i64: 8, 1>, scalar_prefetch = 0 : i64, scratch_operands = 0 : i64, tpu.core_type = #tpu.core_type<tc>, window_params = [{transform_indices = @transform_0, window_bounds = array<i64: 1, 64, 3>}, {transform_indices = @transform_1, window_bounds = array<i64: 1, 3, 64>}, {transform_indices = @transform_2, window_bounds = array<i64: 1, 1, 64>}]} {
    %get3A = arith.constant 0 : index
    %get3A_0 = arith.constant 0 : index
    %get3A_1 = arith.constant 0 : index
    %get3A_2 = vector.load %arg2[%get3A, %get3A_0, %get3A_1] : memref<1x64x3xf32, #tpu.memory_space<vmem>>, vector<1x64x3xf32>
    %get3A_3 = vector.shape_cast %get3A_2 : vector<1x64x3xf32> to vector<64x3xf32>
    %get3A_4 = arith.constant 0 : index
    %get3A_5 = arith.constant 0 : index
    %get3A_6 = arith.constant 0 : index
    %get3A_7 = vector.load %arg3[%get3A_4, %get3A_5, %get3A_6] : memref<1x3x64xf32, #tpu.memory_space<vmem>>, vector<1x3x64xf32>
    %get3A_8 = vector.shape_cast %get3A_7 : vector<1x3x64xf32> to vector<3x64xf32>
    %slice3A = vector.extract_strided_slice %get3A_3 {offsets = [0, 0], sizes = [64, 1], strides = [1, 1]} : vector<64x3xf32> to vector<64x1xf32>
    %slice3A_9 = vector.extract_strided_slice %get3A_8 {offsets = [0, 0], sizes = [1, 64], strides = [1, 1]} : vector<3x64xf32> to vector<1x64xf32>
    %sub3A = vector.broadcast %slice3A : vector<64x1xf32> to vector<64x64xf32>
    %sub3A_10 = vector.broadcast %slice3A_9 : vector<1x64xf32> to vector<64x64xf32>
    %sub3A_11 = arith.subf %sub3A, %sub3A_10 : vector<64x64xf32>
    %integer_pow3A = arith.mulf %sub3A_11, %sub3A_11 : vector<64x64xf32>
    %slice3A_12 = vector.extract_strided_slice %get3A_3 {offsets = [0, 1], sizes = [64, 1], strides = [1, 1]} : vector<64x3xf32> to vector<64x1xf32>
    %slice3A_13 = vector.extract_strided_slice %get3A_8 {offsets = [1, 0], sizes = [1, 64], strides = [1, 1]} : vector<3x64xf32> to vector<1x64xf32>
    %sub3A_14 = vector.broadcast %slice3A_12 : vector<64x1xf32> to vector<64x64xf32>
    %sub3A_15 = vector.broadcast %slice3A_13 : vector<1x64xf32> to vector<64x64xf32>
    %sub3A_16 = arith.subf %sub3A_14, %sub3A_15 : vector<64x64xf32>
    %integer_pow3A_17 = arith.mulf %sub3A_16, %sub3A_16 : vector<64x64xf32>
    %add3A = arith.addf %integer_pow3A, %integer_pow3A_17 : vector<64x64xf32>
    %slice3A_18 = vector.extract_strided_slice %get3A_3 {offsets = [0, 2], sizes = [64, 1], strides = [1, 1]} : vector<64x3xf32> to vector<64x1xf32>
    %slice3A_19 = vector.extract_strided_slice %get3A_8 {offsets = [2, 0], sizes = [1, 64], strides = [1, 1]} : vector<3x64xf32> to vector<1x64xf32>
    %sub3A_20 = vector.broadcast %slice3A_18 : vector<64x1xf32> to vector<64x64xf32>
    %sub3A_21 = vector.broadcast %slice3A_19 : vector<1x64xf32> to vector<64x64xf32>
    %sub3A_22 = arith.subf %sub3A_20, %sub3A_21 : vector<64x64xf32>
    %integer_pow3A_23 = arith.mulf %sub3A_22, %sub3A_22 : vector<64x64xf32>
    %add3A_24 = arith.addf %add3A, %integer_pow3A_23 : vector<64x64xf32>
    %iota3A = tpu.iota {dimensions = array<i32: 1>} : vector<64x64xi32>
    %reduce_min3A = arith.constant dense<0x7F800000> : vector<64xf32>
    %reduce_min3A_25 = vector.multi_reduction <minimumf>, %add3A_24, %reduce_min3A [1] : vector<64x64xf32> to vector<64xf32>
    %broadcast_in_dim3A = vector.shape_cast %reduce_min3A_25 : vector<64xf32> to vector<64x1xf32>
    %le3A = vector.broadcast %broadcast_in_dim3A : vector<64x1xf32> to vector<64x64xf32>
    %le3A_26 = arith.cmpf ole, %add3A_24, %le3A : vector<64x64xf32>
    %jit3A = arith.constant 64 : i32
    %broadcast_in_dim3A_27 = vector.broadcast %jit3A : i32 to vector<64x64xi32>
    %select_n3A = arith.select %le3A_26, %iota3A, %broadcast_in_dim3A_27 : vector<64x64xi1>, vector<64x64xi32>
    %reduce_min3A_28 = arith.constant dense<2147483647> : vector<64xi32>
    %reduce_min3A_29 = vector.multi_reduction <minsi>, %select_n3A, %reduce_min3A_28 [1] : vector<64x64xi32> to vector<64xi32>
    %swap3A = arith.constant 0 : index
    %swap3A_30 = arith.constant 0 : index
    %swap3A_31 = arith.constant 0 : index
    %swap3A_32 = vector.load %arg4[%swap3A, %swap3A_30, %swap3A_31] : memref<1x1x64xi32, #tpu.memory_space<vmem>>, vector<1x1x64xi32>
    %swap3A_33 = vector.shape_cast %swap3A_32 : vector<1x1x64xi32> to vector<64xi32>
    %swap3A_34 = vector.shape_cast %reduce_min3A_29 : vector<64xi32> to vector<1x1x64xi32>
    tpu.vector_store %arg4[%swap3A, %swap3A_30, %swap3A_31], %swap3A_34 {strides = array<i32>} : memref<1x1x64xi32, #tpu.memory_space<vmem>>, vector<1x1x64xi32>,
    return
  }
  func.func @transform_0(%arg0: i32, %arg1: i32) -> (i32, i32, i32) {
    %c0_i32 = arith.constant 0 : i32
    %c0_i32_0 = arith.constant 0 : i32
    return %arg0, %arg1, %c0_i32 : i32, i32, i32
  }
  func.func @transform_1(%arg0: i32, %arg1: i32) -> (i32, i32, i32) {
    %c0_i32 = arith.constant 0 : i32
    %c0_i32_0 = arith.constant 0 : i32
    %c0_i32_1 = arith.constant 0 : i32
    return %arg0, %c0_i32, %c0_i32_0 : i32, i32, i32
  }
  func.func @transform_2(%arg0: i32, %arg1: i32) -> (i32, i32, i32) {
    %c0_i32 = arith.constant 0 : i32
    %c0_i32_0 = arith.constant 0 : i32
    return %arg0, %c0_i32, %arg1 : i32, i32, i32
  }
}

module attributes {stable_mosaic.version = 14 : i64} {
  func.func @_nn_idx_body(%arg0: i32, %arg1: i32, %arg2: memref<1x256x3xf32, #tpu.memory_space<vmem>>, %arg3: memref<1x3x64xf32, #tpu.memory_space<vmem>>, %arg4: memref<1x1x256xi32, #tpu.memory_space<vmem>>) attributes {dimension_semantics = [#tpu.dimension_semantics<arbitrary>, #tpu.dimension_semantics<arbitrary>], iteration_bounds = array<i64: 8, 1>, scalar_prefetch = 0 : i64, scratch_operands = 0 : i64, tpu.core_type = #tpu.core_type<tc>, window_params = [{transform_indices = @transform_0, window_bounds = array<i64: 1, 256, 3>}, {transform_indices = @transform_1, window_bounds = array<i64: 1, 3, 64>}, {transform_indices = @transform_2, window_bounds = array<i64: 1, 1, 256>}]} {
    %get3A = arith.constant 0 : index
    %get3A_0 = arith.constant 0 : index
    %get3A_1 = arith.constant 0 : index
    %get3A_2 = vector.load %arg2[%get3A, %get3A_0, %get3A_1] : memref<1x256x3xf32, #tpu.memory_space<vmem>>, vector<1x256x3xf32>
    %get3A_3 = vector.shape_cast %get3A_2 : vector<1x256x3xf32> to vector<256x3xf32>
    %get3A_4 = arith.constant 0 : index
    %get3A_5 = arith.constant 0 : index
    %get3A_6 = arith.constant 0 : index
    %get3A_7 = vector.load %arg3[%get3A_4, %get3A_5, %get3A_6] : memref<1x3x64xf32, #tpu.memory_space<vmem>>, vector<1x3x64xf32>
    %get3A_8 = vector.shape_cast %get3A_7 : vector<1x3x64xf32> to vector<3x64xf32>
    %slice3A = vector.extract_strided_slice %get3A_3 {offsets = [0, 0], sizes = [256, 1], strides = [1, 1]} : vector<256x3xf32> to vector<256x1xf32>
    %slice3A_9 = vector.extract_strided_slice %get3A_8 {offsets = [0, 0], sizes = [1, 64], strides = [1, 1]} : vector<3x64xf32> to vector<1x64xf32>
    %sub3A = vector.broadcast %slice3A : vector<256x1xf32> to vector<256x64xf32>
    %sub3A_10 = vector.broadcast %slice3A_9 : vector<1x64xf32> to vector<256x64xf32>
    %sub3A_11 = arith.subf %sub3A, %sub3A_10 : vector<256x64xf32>
    %integer_pow3A = arith.mulf %sub3A_11, %sub3A_11 : vector<256x64xf32>
    %slice3A_12 = vector.extract_strided_slice %get3A_3 {offsets = [0, 1], sizes = [256, 1], strides = [1, 1]} : vector<256x3xf32> to vector<256x1xf32>
    %slice3A_13 = vector.extract_strided_slice %get3A_8 {offsets = [1, 0], sizes = [1, 64], strides = [1, 1]} : vector<3x64xf32> to vector<1x64xf32>
    %sub3A_14 = vector.broadcast %slice3A_12 : vector<256x1xf32> to vector<256x64xf32>
    %sub3A_15 = vector.broadcast %slice3A_13 : vector<1x64xf32> to vector<256x64xf32>
    %sub3A_16 = arith.subf %sub3A_14, %sub3A_15 : vector<256x64xf32>
    %integer_pow3A_17 = arith.mulf %sub3A_16, %sub3A_16 : vector<256x64xf32>
    %add3A = arith.addf %integer_pow3A, %integer_pow3A_17 : vector<256x64xf32>
    %slice3A_18 = vector.extract_strided_slice %get3A_3 {offsets = [0, 2], sizes = [256, 1], strides = [1, 1]} : vector<256x3xf32> to vector<256x1xf32>
    %slice3A_19 = vector.extract_strided_slice %get3A_8 {offsets = [2, 0], sizes = [1, 64], strides = [1, 1]} : vector<3x64xf32> to vector<1x64xf32>
    %sub3A_20 = vector.broadcast %slice3A_18 : vector<256x1xf32> to vector<256x64xf32>
    %sub3A_21 = vector.broadcast %slice3A_19 : vector<1x64xf32> to vector<256x64xf32>
    %sub3A_22 = arith.subf %sub3A_20, %sub3A_21 : vector<256x64xf32>
    %integer_pow3A_23 = arith.mulf %sub3A_22, %sub3A_22 : vector<256x64xf32>
    %add3A_24 = arith.addf %add3A, %integer_pow3A_23 : vector<256x64xf32>
    %iota3A = tpu.iota {dimensions = array<i32: 1>} : vector<256x64xi32>
    %reduce_min3A = arith.constant dense<0x7F800000> : vector<256xf32>
    %reduce_min3A_25 = vector.multi_reduction <minimumf>, %add3A_24, %reduce_min3A [1] : vector<256x64xf32> to vector<256xf32>
    %broadcast_in_dim3A = vector.shape_cast %reduce_min3A_25 : vector<256xf32> to vector<256x1xf32>
    %le3A = vector.broadcast %broadcast_in_dim3A : vector<256x1xf32> to vector<256x64xf32>
    %le3A_26 = arith.cmpf ole, %add3A_24, %le3A : vector<256x64xf32>
    %jit3A = arith.constant 64 : i32
    %broadcast_in_dim3A_27 = vector.broadcast %jit3A : i32 to vector<256x64xi32>
    %select_n3A = arith.select %le3A_26, %iota3A, %broadcast_in_dim3A_27 : vector<256x64xi1>, vector<256x64xi32>
    %reduce_min3A_28 = arith.constant dense<2147483647> : vector<256xi32>
    %reduce_min3A_29 = vector.multi_reduction <minsi>, %select_n3A, %reduce_min3A_28 [1] : vector<256x64xi32> to vector<256xi32>
    %swap3A = arith.constant 0 : index
    %swap3A_30 = arith.constant 0 : index
    %swap3A_31 = arith.constant 0 : index
    %swap3A_32 = vector.load %arg4[%swap3A, %swap3A_30, %swap3A_31] : memref<1x1x256xi32, #tpu.memory_space<vmem>>, vector<1x1x256xi32>
    %swap3A_33 = vector.shape_cast %swap3A_32 : vector<1x1x256xi32> to vector<256xi32>
    %swap3A_34 = vector.shape_cast %reduce_min3A_29 : vector<256xi32> to vector<1x1x256xi32>
    tpu.vector_store %arg4[%swap3A, %swap3A_30, %swap3A_31], %swap3A_34 {strides = array<i32>} : memref<1x1x256xi32, #tpu.memory_space<vmem>>, vector<1x1x256xi32>,
    return
  }
  func.func @transform_0(%arg0: i32, %arg1: i32) -> (i32, i32, i32) {
    %c0_i32 = arith.constant 0 : i32
    %c0_i32_0 = arith.constant 0 : i32
    return %arg0, %arg1, %c0_i32 : i32, i32, i32
  }
  func.func @transform_1(%arg0: i32, %arg1: i32) -> (i32, i32, i32) {
    %c0_i32 = arith.constant 0 : i32
    %c0_i32_0 = arith.constant 0 : i32
    %c0_i32_1 = arith.constant 0 : i32
    return %arg0, %c0_i32, %c0_i32_0 : i32, i32, i32
  }
  func.func @transform_2(%arg0: i32, %arg1: i32) -> (i32, i32, i32) {
    %c0_i32 = arith.constant 0 : i32
    %c0_i32_0 = arith.constant 0 : i32
    return %arg0, %c0_i32, %arg1 : i32, i32, i32
  }
}

module attributes {stable_mosaic.version = 14 : i64} {
  func.func @_fp1_body(%arg0: i32, %arg1: i32, %arg2: memref<1x64x3xf32, #tpu.memory_space<vmem>>, %arg3: memref<1x64x1024xf32, #tpu.memory_space<vmem>>, %arg4: memref<1x64x512xf32, #tpu.memory_space<vmem>>, %arg5: memref<1536x512xf32, #tpu.memory_space<vmem>>, %arg6: memref<1x64x512xf32, #tpu.memory_space<vmem>>, %arg7: memref<8x512xf32, #tpu.memory_space<vmem>>) attributes {dimension_semantics = [#tpu.dimension_semantics<arbitrary>, #tpu.dimension_semantics<arbitrary>], iteration_bounds = array<i64: 8, 1>, scalar_prefetch = 0 : i64, scratch_operands = 0 : i64, tpu.core_type = #tpu.core_type<tc>, window_params = [{transform_indices = @transform_0, window_bounds = array<i64: 1, 64, 3>}, {transform_indices = @transform_1, window_bounds = array<i64: 1, 64, 1024>}, {transform_indices = @transform_2, window_bounds = array<i64: 1, 64, 512>}, {pipeline_mode = #tpu.pipeline_mode<synchronous>, transform_indices = @transform_3, window_bounds = array<i64: 1536, 512>}, {transform_indices = @transform_4, window_bounds = array<i64: 1, 64, 512>}, {pipeline_mode = #tpu.pipeline_mode<synchronous>, transform_indices = @transform_5, window_bounds = array<i64: 8, 512>}]} {
    %get3A = arith.constant 0 : index
    %get3A_0 = arith.constant 0 : index
    %get3A_1 = arith.constant 0 : index
    %get3A_2 = vector.load %arg4[%get3A, %get3A_0, %get3A_1] : memref<1x64x512xf32, #tpu.memory_space<vmem>>, vector<1x64x512xf32>
    %get3A_3 = vector.shape_cast %get3A_2 : vector<1x64x512xf32> to vector<64x512xf32>
    %get3A_4 = arith.constant 0 : index
    %get3A_5 = arith.constant 0 : index
    %get3A_6 = arith.constant 0 : index
    %get3A_7 = vector.load %arg3[%get3A_4, %get3A_5, %get3A_6] : memref<1x64x1024xf32, #tpu.memory_space<vmem>>, vector<1x64x1024xf32>
    %get3A_8 = vector.shape_cast %get3A_7 : vector<1x64x1024xf32> to vector<64x1024xf32>
    %concatenate3A = tpu.concatenate %get3A_3, %get3A_8 in 1 : vector<64x512xf32>, vector<64x1024xf32> -> vector<64x1536xf32>
    %get3A_9 = arith.constant 0 : index
    %get3A_10 = arith.constant 0 : index
    %get3A_11 = vector.load %arg5[%get3A_9, %get3A_10] : memref<1536x512xf32, #tpu.memory_space<vmem>>, vector<1536x512xf32>
    %dot_general3A = arith.constant dense<0.000000e+00> : vector<64x512xf32>
    %dot_general3A_12 = tpu.matmul %concatenate3A, %get3A_11, %dot_general3A {dimension_numbers = #tpu.dot_dimension_numbers<[1], [0], [0], [1], [0, 0, 1, 1], [], []>, transpose_lhs_hint = false} : vector<64x1536xf32>, vector<1536x512xf32>, vector<64x512xf32> -> vector<64x512xf32>
    %swap3A = arith.constant 0 : index
    %swap3A_13 = arith.constant 0 : index
    %swap3A_14 = arith.constant 0 : index
    %swap3A_15 = vector.load %arg6[%swap3A, %swap3A_13, %swap3A_14] : memref<1x64x512xf32, #tpu.memory_space<vmem>>, vector<1x64x512xf32>
    %swap3A_16 = vector.shape_cast %swap3A_15 : vector<1x64x512xf32> to vector<64x512xf32>
    %swap3A_17 = vector.shape_cast %dot_general3A_12 : vector<64x512xf32> to vector<1x64x512xf32>
    tpu.vector_store %arg6[%swap3A, %swap3A_13, %swap3A_14], %swap3A_17 {strides = array<i32>} : memref<1x64x512xf32, #tpu.memory_space<vmem>>, vector<1x64x512xf32>,
    %eq3A = arith.constant 0 : i32
    %eq3A_18 = arith.cmpi eq, %arg0, %eq3A : i32
    %eq3A_19 = arith.constant 0 : i32
    %eq3A_20 = arith.cmpi eq, %arg1, %eq3A_19 : i32
    %and3A = arith.andi %eq3A_18, %eq3A_20 : i1
    %convert_element_type3A = arith.extui %and3A : i1 to i32
    %cond3A = arith.constant 0 : i32
    %cond3A_21 = arith.cmpi ne, %convert_element_type3A, %cond3A : i32
    scf.if %cond3A_21 {
      %broadcast_in_dim3A_29 = arith.constant 0.000000e+00 : f32
      %broadcast_in_dim3A_30 = vector.broadcast %broadcast_in_dim3A_29 : f32 to vector<8x512xf32>
      %swap3A_31 = arith.constant 0 : index
      %swap3A_32 = arith.constant 0 : index
      %swap3A_33 = vector.load %arg7[%swap3A_31, %swap3A_32] : memref<8x512xf32, #tpu.memory_space<vmem>>, vector<8x512xf32>
      tpu.vector_store %arg7[%swap3A_31, %swap3A_32], %broadcast_in_dim3A_30 {strides = array<i32>} : memref<8x512xf32, #tpu.memory_space<vmem>>, vector<8x512xf32>,
    } else {
    }
    %get3A_22 = arith.constant 0 : index
    %get3A_23 = arith.constant 0 : index
    %get3A_24 = vector.load %arg7[%get3A_22, %get3A_23] : memref<8x512xf32, #tpu.memory_space<vmem>>, vector<1x512xf32>
    %reduce_sum3A = arith.constant dense<0.000000e+00> : vector<512xf32>
    %reduce_sum3A_25 = vector.multi_reduction <add>, %dot_general3A_12, %reduce_sum3A [0] : vector<64x512xf32> to vector<512xf32>
    %broadcast_in_dim3A = vector.shape_cast %reduce_sum3A_25 : vector<512xf32> to vector<1x512xf32>
    %add3A = arith.addf %get3A_24, %broadcast_in_dim3A : vector<1x512xf32>
    %swap3A_26 = arith.constant 0 : index
    %swap3A_27 = arith.constant 0 : index
    %swap3A_28 = vector.load %arg7[%swap3A_26, %swap3A_27] : memref<8x512xf32, #tpu.memory_space<vmem>>, vector<1x512xf32>
    tpu.vector_store %arg7[%swap3A_26, %swap3A_27], %add3A {strides = array<i32>} : memref<8x512xf32, #tpu.memory_space<vmem>>, vector<1x512xf32>,
    return
  }
  func.func @transform_0(%arg0: i32, %arg1: i32) -> (i32, i32, i32) {
    %c0_i32 = arith.constant 0 : i32
    %c0_i32_0 = arith.constant 0 : i32
    return %arg0, %arg1, %c0_i32 : i32, i32, i32
  }
  func.func @transform_1(%arg0: i32, %arg1: i32) -> (i32, i32, i32) {
    %c0_i32 = arith.constant 0 : i32
    %c0_i32_0 = arith.constant 0 : i32
    return %arg0, %arg1, %c0_i32 : i32, i32, i32
  }
  func.func @transform_2(%arg0: i32, %arg1: i32) -> (i32, i32, i32) {
    %c0_i32 = arith.constant 0 : i32
    %c0_i32_0 = arith.constant 0 : i32
    return %arg0, %arg1, %c0_i32 : i32, i32, i32
  }
  func.func @transform_3(%arg0: i32, %arg1: i32) -> (i32, i32) {
    %c0_i32 = arith.constant 0 : i32
    %c0_i32_0 = arith.constant 0 : i32
    %c0_i32_1 = arith.constant 0 : i32
    return %c0_i32, %c0_i32_0 : i32, i32
  }
  func.func @transform_4(%arg0: i32, %arg1: i32) -> (i32, i32, i32) {
    %c0_i32 = arith.constant 0 : i32
    %c0_i32_0 = arith.constant 0 : i32
    return %arg0, %arg1, %c0_i32 : i32, i32, i32
  }
  func.func @transform_5(%arg0: i32, %arg1: i32) -> (i32, i32) {
    %c0_i32 = arith.constant 0 : i32
    %c0_i32_0 = arith.constant 0 : i32
    %c0_i32_1 = arith.constant 0 : i32
    return %c0_i32, %c0_i32_0 : i32, i32
  }
}

module attributes {stable_mosaic.version = 14 : i64} {
  func.func @_fin_body(%arg0: i32, %arg1: i32, %arg2: memref<1x1x64x512xf32, #tpu.memory_space<vmem>>, %arg3: memref<8x512xf32, #tpu.memory_space<vmem>>, %arg4: memref<8x512xf32, #tpu.memory_space<vmem>>, %arg5: memref<1x512xf32, #tpu.memory_space<vmem>>, %arg6: memref<1x512xf32, #tpu.memory_space<vmem>>, %arg7: memref<1x64x512xf32, #tpu.memory_space<vmem>>) attributes {dimension_semantics = [#tpu.dimension_semantics<arbitrary>, #tpu.dimension_semantics<arbitrary>], iteration_bounds = array<i64: 8, 1>, scalar_prefetch = 0 : i64, scratch_operands = 0 : i64, tpu.core_type = #tpu.core_type<tc>, window_params = [{transform_indices = @transform_0, window_bounds = array<i64: 1, 1, 64, 512>}, {pipeline_mode = #tpu.pipeline_mode<synchronous>, transform_indices = @transform_1, window_bounds = array<i64: 8, 512>}, {pipeline_mode = #tpu.pipeline_mode<synchronous>, transform_indices = @transform_2, window_bounds = array<i64: 8, 512>}, {pipeline_mode = #tpu.pipeline_mode<synchronous>, transform_indices = @transform_3, window_bounds = array<i64: 1, 512>}, {pipeline_mode = #tpu.pipeline_mode<synchronous>, transform_indices = @transform_4, window_bounds = array<i64: 1, 512>}, {transform_indices = @transform_5, window_bounds = array<i64: 1, 64, 512>}]} {
    %get3A = arith.constant 0 : index
    %get3A_0 = arith.constant 0 : index
    %get3A_1 = arith.constant 0 : index
    %get3A_2 = arith.constant 0 : index
    %get3A_3 = vector.load %arg2[%get3A, %get3A_0, %get3A_1, %get3A_2] : memref<1x1x64x512xf32, #tpu.memory_space<vmem>>, vector<1x1x64x512xf32>
    %get3A_4 = vector.shape_cast %get3A_3 : vector<1x1x64x512xf32> to vector<64x512xf32>
    %get3A_5 = arith.constant 0 : index
    %get3A_6 = arith.constant 0 : index
    %get3A_7 = vector.load %arg3[%get3A_5, %get3A_6] : memref<8x512xf32, #tpu.memory_space<vmem>>, vector<8x512xf32>
    %get3A_8 = arith.constant 0 : index
    %get3A_9 = arith.constant 0 : index
    %get3A_10 = vector.load %arg4[%get3A_8, %get3A_9] : memref<8x512xf32, #tpu.memory_space<vmem>>, vector<8x512xf32>
    %get3A_11 = arith.constant 0 : index
    %get3A_12 = arith.constant 0 : index
    %get3A_13 = vector.load %arg5[%get3A_11, %get3A_12] : memref<1x512xf32, #tpu.memory_space<vmem>>, vector<1x512xf32>
    %get3A_14 = arith.constant 0 : index
    %get3A_15 = arith.constant 0 : index
    %get3A_16 = vector.load %arg6[%get3A_14, %get3A_15] : memref<1x512xf32, #tpu.memory_space<vmem>>, vector<1x512xf32>
    %slice3A = vector.extract_strided_slice %get3A_7 {offsets = [0, 0], sizes = [1, 512], strides = [1, 1]} : vector<8x512xf32> to vector<1x512xf32>
    %div3A = arith.constant 5.120000e+02 : f32
    %div3A_17 = vector.broadcast %div3A : f32 to vector<1x512xf32>
    %div3A_18 = arith.divf %slice3A, %div3A_17 : vector<1x512xf32>
    %slice3A_19 = vector.extract_strided_slice %get3A_10 {offsets = [0, 0], sizes = [1, 512], strides = [1, 1]} : vector<8x512xf32> to vector<1x512xf32>
    %div3A_20 = arith.constant 5.120000e+02 : f32
    %div3A_21 = vector.broadcast %div3A_20 : f32 to vector<1x512xf32>
    %div3A_22 = arith.divf %slice3A_19, %div3A_21 : vector<1x512xf32>
    %sub3A = vector.broadcast %div3A_18 : vector<1x512xf32> to vector<64x512xf32>
    %sub3A_23 = arith.subf %get3A_4, %sub3A : vector<64x512xf32>
    %add3A = arith.constant 9.99999974E-6 : f32
    %add3A_24 = vector.broadcast %add3A : f32 to vector<1x512xf32>
    %add3A_25 = arith.addf %div3A_22, %add3A_24 : vector<1x512xf32>
    %sqrt3A = math.sqrt %add3A_25 : vector<1x512xf32>
    %div3A_26 = vector.broadcast %sqrt3A : vector<1x512xf32> to vector<64x512xf32>
    %div3A_27 = arith.divf %sub3A_23, %div3A_26 : vector<64x512xf32>
    %mul3A = vector.broadcast %get3A_13 : vector<1x512xf32> to vector<64x512xf32>
    %mul3A_28 = arith.mulf %div3A_27, %mul3A : vector<64x512xf32>
    %add3A_29 = vector.broadcast %get3A_16 : vector<1x512xf32> to vector<64x512xf32>
    %add3A_30 = arith.addf %mul3A_28, %add3A_29 : vector<64x512xf32>
    %max3A = arith.constant 0.000000e+00 : f32
    %max3A_31 = vector.broadcast %max3A : f32 to vector<64x512xf32>
    %max3A_32 = arith.maximumf %add3A_30, %max3A_31 : vector<64x512xf32>
    %swap3A = arith.constant 0 : index
    %swap3A_33 = arith.constant 0 : index
    %swap3A_34 = arith.constant 0 : index
    %swap3A_35 = vector.load %arg7[%swap3A, %swap3A_33, %swap3A_34] : memref<1x64x512xf32, #tpu.memory_space<vmem>>, vector<1x64x512xf32>
    %swap3A_36 = vector.shape_cast %swap3A_35 : vector<1x64x512xf32> to vector<64x512xf32>
    %swap3A_37 = vector.shape_cast %max3A_32 : vector<64x512xf32> to vector<1x64x512xf32>
    tpu.vector_store %arg7[%swap3A, %swap3A_33, %swap3A_34], %swap3A_37 {strides = array<i32>} : memref<1x64x512xf32, #tpu.memory_space<vmem>>, vector<1x64x512xf32>,
    return
  }
  func.func @transform_0(%arg0: i32, %arg1: i32) -> (i32, i32, i32, i32) {
    %c0_i32 = arith.constant 0 : i32
    %c0_i32_0 = arith.constant 0 : i32
    %c0_i32_1 = arith.constant 0 : i32
    return %arg0, %c0_i32, %arg1, %c0_i32_0 : i32, i32, i32, i32
  }
  func.func @transform_1(%arg0: i32, %arg1: i32) -> (i32, i32) {
    %c0_i32 = arith.constant 0 : i32
    %c0_i32_0 = arith.constant 0 : i32
    %c0_i32_1 = arith.constant 0 : i32
    return %c0_i32, %c0_i32_0 : i32, i32
  }
  func.func @transform_2(%arg0: i32, %arg1: i32) -> (i32, i32) {
    %c0_i32 = arith.constant 0 : i32
    %c0_i32_0 = arith.constant 0 : i32
    %c0_i32_1 = arith.constant 0 : i32
    return %c0_i32, %c0_i32_0 : i32, i32
  }
  func.func @transform_3(%arg0: i32, %arg1: i32) -> (i32, i32) {
    %c0_i32 = arith.constant 0 : i32
    %c0_i32_0 = arith.constant 0 : i32
    %c0_i32_1 = arith.constant 0 : i32
    return %c0_i32, %c0_i32_0 : i32, i32
  }
  func.func @transform_4(%arg0: i32, %arg1: i32) -> (i32, i32) {
    %c0_i32 = arith.constant 0 : i32
    %c0_i32_0 = arith.constant 0 : i32
    %c0_i32_1 = arith.constant 0 : i32
    return %c0_i32, %c0_i32_0 : i32, i32
  }
  func.func @transform_5(%arg0: i32, %arg1: i32) -> (i32, i32, i32) {
    %c0_i32 = arith.constant 0 : i32
    %c0_i32_0 = arith.constant 0 : i32
    return %arg0, %arg1, %c0_i32 : i32, i32, i32
  }
}

module attributes {stable_mosaic.version = 14 : i64} {
  func.func @_nn_idx_body(%arg0: i32, %arg1: i32, %arg2: memref<1x256x3xf32, #tpu.memory_space<vmem>>, %arg3: memref<1x3x256xf32, #tpu.memory_space<vmem>>, %arg4: memref<1x1x256xi32, #tpu.memory_space<vmem>>) attributes {dimension_semantics = [#tpu.dimension_semantics<arbitrary>, #tpu.dimension_semantics<arbitrary>], iteration_bounds = array<i64: 8, 4>, scalar_prefetch = 0 : i64, scratch_operands = 0 : i64, tpu.core_type = #tpu.core_type<tc>, window_params = [{transform_indices = @transform_0, window_bounds = array<i64: 1, 256, 3>}, {transform_indices = @transform_1, window_bounds = array<i64: 1, 3, 256>}, {transform_indices = @transform_2, window_bounds = array<i64: 1, 1, 256>}]} {
    %get3A = arith.constant 0 : index
    %get3A_0 = arith.constant 0 : index
    %get3A_1 = arith.constant 0 : index
    %get3A_2 = vector.load %arg2[%get3A, %get3A_0, %get3A_1] : memref<1x256x3xf32, #tpu.memory_space<vmem>>, vector<1x256x3xf32>
    %get3A_3 = vector.shape_cast %get3A_2 : vector<1x256x3xf32> to vector<256x3xf32>
    %get3A_4 = arith.constant 0 : index
    %get3A_5 = arith.constant 0 : index
    %get3A_6 = arith.constant 0 : index
    %get3A_7 = vector.load %arg3[%get3A_4, %get3A_5, %get3A_6] : memref<1x3x256xf32, #tpu.memory_space<vmem>>, vector<1x3x256xf32>
    %get3A_8 = vector.shape_cast %get3A_7 : vector<1x3x256xf32> to vector<3x256xf32>
    %slice3A = vector.extract_strided_slice %get3A_3 {offsets = [0, 0], sizes = [256, 1], strides = [1, 1]} : vector<256x3xf32> to vector<256x1xf32>
    %slice3A_9 = vector.extract_strided_slice %get3A_8 {offsets = [0, 0], sizes = [1, 256], strides = [1, 1]} : vector<3x256xf32> to vector<1x256xf32>
    %sub3A = vector.broadcast %slice3A : vector<256x1xf32> to vector<256x256xf32>
    %sub3A_10 = vector.broadcast %slice3A_9 : vector<1x256xf32> to vector<256x256xf32>
    %sub3A_11 = arith.subf %sub3A, %sub3A_10 : vector<256x256xf32>
    %integer_pow3A = arith.mulf %sub3A_11, %sub3A_11 : vector<256x256xf32>
    %slice3A_12 = vector.extract_strided_slice %get3A_3 {offsets = [0, 1], sizes = [256, 1], strides = [1, 1]} : vector<256x3xf32> to vector<256x1xf32>
    %slice3A_13 = vector.extract_strided_slice %get3A_8 {offsets = [1, 0], sizes = [1, 256], strides = [1, 1]} : vector<3x256xf32> to vector<1x256xf32>
    %sub3A_14 = vector.broadcast %slice3A_12 : vector<256x1xf32> to vector<256x256xf32>
    %sub3A_15 = vector.broadcast %slice3A_13 : vector<1x256xf32> to vector<256x256xf32>
    %sub3A_16 = arith.subf %sub3A_14, %sub3A_15 : vector<256x256xf32>
    %integer_pow3A_17 = arith.mulf %sub3A_16, %sub3A_16 : vector<256x256xf32>
    %add3A = arith.addf %integer_pow3A, %integer_pow3A_17 : vector<256x256xf32>
    %slice3A_18 = vector.extract_strided_slice %get3A_3 {offsets = [0, 2], sizes = [256, 1], strides = [1, 1]} : vector<256x3xf32> to vector<256x1xf32>
    %slice3A_19 = vector.extract_strided_slice %get3A_8 {offsets = [2, 0], sizes = [1, 256], strides = [1, 1]} : vector<3x256xf32> to vector<1x256xf32>
    %sub3A_20 = vector.broadcast %slice3A_18 : vector<256x1xf32> to vector<256x256xf32>
    %sub3A_21 = vector.broadcast %slice3A_19 : vector<1x256xf32> to vector<256x256xf32>
    %sub3A_22 = arith.subf %sub3A_20, %sub3A_21 : vector<256x256xf32>
    %integer_pow3A_23 = arith.mulf %sub3A_22, %sub3A_22 : vector<256x256xf32>
    %add3A_24 = arith.addf %add3A, %integer_pow3A_23 : vector<256x256xf32>
    %iota3A = tpu.iota {dimensions = array<i32: 1>} : vector<256x256xi32>
    %reduce_min3A = arith.constant dense<0x7F800000> : vector<256xf32>
    %reduce_min3A_25 = vector.multi_reduction <minimumf>, %add3A_24, %reduce_min3A [1] : vector<256x256xf32> to vector<256xf32>
    %broadcast_in_dim3A = vector.shape_cast %reduce_min3A_25 : vector<256xf32> to vector<256x1xf32>
    %le3A = vector.broadcast %broadcast_in_dim3A : vector<256x1xf32> to vector<256x256xf32>
    %le3A_26 = arith.cmpf ole, %add3A_24, %le3A : vector<256x256xf32>
    %jit3A = arith.constant 256 : i32
    %broadcast_in_dim3A_27 = vector.broadcast %jit3A : i32 to vector<256x256xi32>
    %select_n3A = arith.select %le3A_26, %iota3A, %broadcast_in_dim3A_27 : vector<256x256xi1>, vector<256x256xi32>
    %reduce_min3A_28 = arith.constant dense<2147483647> : vector<256xi32>
    %reduce_min3A_29 = vector.multi_reduction <minsi>, %select_n3A, %reduce_min3A_28 [1] : vector<256x256xi32> to vector<256xi32>
    %swap3A = arith.constant 0 : index
    %swap3A_30 = arith.constant 0 : index
    %swap3A_31 = arith.constant 0 : index
    %swap3A_32 = vector.load %arg4[%swap3A, %swap3A_30, %swap3A_31] : memref<1x1x256xi32, #tpu.memory_space<vmem>>, vector<1x1x256xi32>
    %swap3A_33 = vector.shape_cast %swap3A_32 : vector<1x1x256xi32> to vector<256xi32>
    %swap3A_34 = vector.shape_cast %reduce_min3A_29 : vector<256xi32> to vector<1x1x256xi32>
    tpu.vector_store %arg4[%swap3A, %swap3A_30, %swap3A_31], %swap3A_34 {strides = array<i32>} : memref<1x1x256xi32, #tpu.memory_space<vmem>>, vector<1x1x256xi32>,
    return
  }
  func.func @transform_0(%arg0: i32, %arg1: i32) -> (i32, i32, i32) {
    %c0_i32 = arith.constant 0 : i32
    %c0_i32_0 = arith.constant 0 : i32
    return %arg0, %arg1, %c0_i32 : i32, i32, i32
  }
  func.func @transform_1(%arg0: i32, %arg1: i32) -> (i32, i32, i32) {
    %c0_i32 = arith.constant 0 : i32
    %c0_i32_0 = arith.constant 0 : i32
    %c0_i32_1 = arith.constant 0 : i32
    return %arg0, %c0_i32, %c0_i32_0 : i32, i32, i32
  }
  func.func @transform_2(%arg0: i32, %arg1: i32) -> (i32, i32, i32) {
    %c0_i32 = arith.constant 0 : i32
    %c0_i32_0 = arith.constant 0 : i32
    return %arg0, %c0_i32, %arg1 : i32, i32, i32
  }
}

module attributes {stable_mosaic.version = 14 : i64} {
  func.func @_fp1_body(%arg0: i32, %arg1: i32, %arg2: memref<1x256x3xf32, #tpu.memory_space<vmem>>, %arg3: memref<1x256x512xf32, #tpu.memory_space<vmem>>, %arg4: memref<1x256x256xf32, #tpu.memory_space<vmem>>, %arg5: memref<768x256xf32, #tpu.memory_space<vmem>>, %arg6: memref<1x256x256xf32, #tpu.memory_space<vmem>>, %arg7: memref<8x256xf32, #tpu.memory_space<vmem>>) attributes {dimension_semantics = [#tpu.dimension_semantics<arbitrary>, #tpu.dimension_semantics<arbitrary>], iteration_bounds = array<i64: 8, 1>, scalar_prefetch = 0 : i64, scratch_operands = 0 : i64, tpu.core_type = #tpu.core_type<tc>, window_params = [{transform_indices = @transform_0, window_bounds = array<i64: 1, 256, 3>}, {transform_indices = @transform_1, window_bounds = array<i64: 1, 256, 512>}, {transform_indices = @transform_2, window_bounds = array<i64: 1, 256, 256>}, {pipeline_mode = #tpu.pipeline_mode<synchronous>, transform_indices = @transform_3, window_bounds = array<i64: 768, 256>}, {transform_indices = @transform_4, window_bounds = array<i64: 1, 256, 256>}, {pipeline_mode = #tpu.pipeline_mode<synchronous>, transform_indices = @transform_5, window_bounds = array<i64: 8, 256>}]} {
    %get3A = arith.constant 0 : index
    %get3A_0 = arith.constant 0 : index
    %get3A_1 = arith.constant 0 : index
    %get3A_2 = vector.load %arg4[%get3A, %get3A_0, %get3A_1] : memref<1x256x256xf32, #tpu.memory_space<vmem>>, vector<1x256x256xf32>
    %get3A_3 = vector.shape_cast %get3A_2 : vector<1x256x256xf32> to vector<256x256xf32>
    %get3A_4 = arith.constant 0 : index
    %get3A_5 = arith.constant 0 : index
    %get3A_6 = arith.constant 0 : index
    %get3A_7 = vector.load %arg3[%get3A_4, %get3A_5, %get3A_6] : memref<1x256x512xf32, #tpu.memory_space<vmem>>, vector<1x256x512xf32>
    %get3A_8 = vector.shape_cast %get3A_7 : vector<1x256x512xf32> to vector<256x512xf32>
    %concatenate3A = tpu.concatenate %get3A_3, %get3A_8 in 1 : vector<256x256xf32>, vector<256x512xf32> -> vector<256x768xf32>
    %get3A_9 = arith.constant 0 : index
    %get3A_10 = arith.constant 0 : index
    %get3A_11 = vector.load %arg5[%get3A_9, %get3A_10] : memref<768x256xf32, #tpu.memory_space<vmem>>, vector<768x256xf32>
    %dot_general3A = arith.constant dense<0.000000e+00> : vector<256x256xf32>
    %dot_general3A_12 = tpu.matmul %concatenate3A, %get3A_11, %dot_general3A {dimension_numbers = #tpu.dot_dimension_numbers<[1], [0], [0], [1], [0, 0, 1, 1], [], []>, transpose_lhs_hint = false} : vector<256x768xf32>, vector<768x256xf32>, vector<256x256xf32> -> vector<256x256xf32>
    %swap3A = arith.constant 0 : index
    %swap3A_13 = arith.constant 0 : index
    %swap3A_14 = arith.constant 0 : index
    %swap3A_15 = vector.load %arg6[%swap3A, %swap3A_13, %swap3A_14] : memref<1x256x256xf32, #tpu.memory_space<vmem>>, vector<1x256x256xf32>
    %swap3A_16 = vector.shape_cast %swap3A_15 : vector<1x256x256xf32> to vector<256x256xf32>
    %swap3A_17 = vector.shape_cast %dot_general3A_12 : vector<256x256xf32> to vector<1x256x256xf32>
    tpu.vector_store %arg6[%swap3A, %swap3A_13, %swap3A_14], %swap3A_17 {strides = array<i32>} : memref<1x256x256xf32, #tpu.memory_space<vmem>>, vector<1x256x256xf32>,
    %eq3A = arith.constant 0 : i32
    %eq3A_18 = arith.cmpi eq, %arg0, %eq3A : i32
    %eq3A_19 = arith.constant 0 : i32
    %eq3A_20 = arith.cmpi eq, %arg1, %eq3A_19 : i32
    %and3A = arith.andi %eq3A_18, %eq3A_20 : i1
    %convert_element_type3A = arith.extui %and3A : i1 to i32
    %cond3A = arith.constant 0 : i32
    %cond3A_21 = arith.cmpi ne, %convert_element_type3A, %cond3A : i32
    scf.if %cond3A_21 {
      %broadcast_in_dim3A_29 = arith.constant 0.000000e+00 : f32
      %broadcast_in_dim3A_30 = vector.broadcast %broadcast_in_dim3A_29 : f32 to vector<8x256xf32>
      %swap3A_31 = arith.constant 0 : index
      %swap3A_32 = arith.constant 0 : index
      %swap3A_33 = vector.load %arg7[%swap3A_31, %swap3A_32] : memref<8x256xf32, #tpu.memory_space<vmem>>, vector<8x256xf32>
      tpu.vector_store %arg7[%swap3A_31, %swap3A_32], %broadcast_in_dim3A_30 {strides = array<i32>} : memref<8x256xf32, #tpu.memory_space<vmem>>, vector<8x256xf32>,
    } else {
    }
    %get3A_22 = arith.constant 0 : index
    %get3A_23 = arith.constant 0 : index
    %get3A_24 = vector.load %arg7[%get3A_22, %get3A_23] : memref<8x256xf32, #tpu.memory_space<vmem>>, vector<1x256xf32>
    %reduce_sum3A = arith.constant dense<0.000000e+00> : vector<256xf32>
    %reduce_sum3A_25 = vector.multi_reduction <add>, %dot_general3A_12, %reduce_sum3A [0] : vector<256x256xf32> to vector<256xf32>
    %broadcast_in_dim3A = vector.shape_cast %reduce_sum3A_25 : vector<256xf32> to vector<1x256xf32>
    %add3A = arith.addf %get3A_24, %broadcast_in_dim3A : vector<1x256xf32>
    %swap3A_26 = arith.constant 0 : index
    %swap3A_27 = arith.constant 0 : index
    %swap3A_28 = vector.load %arg7[%swap3A_26, %swap3A_27] : memref<8x256xf32, #tpu.memory_space<vmem>>, vector<1x256xf32>
    tpu.vector_store %arg7[%swap3A_26, %swap3A_27], %add3A {strides = array<i32>} : memref<8x256xf32, #tpu.memory_space<vmem>>, vector<1x256xf32>,
    return
  }
  func.func @transform_0(%arg0: i32, %arg1: i32) -> (i32, i32, i32) {
    %c0_i32 = arith.constant 0 : i32
    %c0_i32_0 = arith.constant 0 : i32
    return %arg0, %arg1, %c0_i32 : i32, i32, i32
  }
  func.func @transform_1(%arg0: i32, %arg1: i32) -> (i32, i32, i32) {
    %c0_i32 = arith.constant 0 : i32
    %c0_i32_0 = arith.constant 0 : i32
    return %arg0, %arg1, %c0_i32 : i32, i32, i32
  }
  func.func @transform_2(%arg0: i32, %arg1: i32) -> (i32, i32, i32) {
    %c0_i32 = arith.constant 0 : i32
    %c0_i32_0 = arith.constant 0 : i32
    return %arg0, %arg1, %c0_i32 : i32, i32, i32
  }
  func.func @transform_3(%arg0: i32, %arg1: i32) -> (i32, i32) {
    %c0_i32 = arith.constant 0 : i32
    %c0_i32_0 = arith.constant 0 : i32
    %c0_i32_1 = arith.constant 0 : i32
    return %c0_i32, %c0_i32_0 : i32, i32
  }
  func.func @transform_4(%arg0: i32, %arg1: i32) -> (i32, i32, i32) {
    %c0_i32 = arith.constant 0 : i32
    %c0_i32_0 = arith.constant 0 : i32
    return %arg0, %arg1, %c0_i32 : i32, i32, i32
  }
  func.func @transform_5(%arg0: i32, %arg1: i32) -> (i32, i32) {
    %c0_i32 = arith.constant 0 : i32
    %c0_i32_0 = arith.constant 0 : i32
    %c0_i32_1 = arith.constant 0 : i32
    return %c0_i32, %c0_i32_0 : i32, i32
  }
}

module attributes {stable_mosaic.version = 14 : i64} {
  func.func @_var_body(%arg0: i32, %arg1: i32, %arg2: memref<1x256x256xf32, #tpu.memory_space<vmem>>, %arg3: memref<8x256xf32, #tpu.memory_space<vmem>>, %arg4: memref<8x256xf32, #tpu.memory_space<vmem>>) attributes {dimension_semantics = [#tpu.dimension_semantics<arbitrary>, #tpu.dimension_semantics<arbitrary>], iteration_bounds = array<i64: 8, 1>, scalar_prefetch = 0 : i64, scratch_operands = 0 : i64, tpu.core_type = #tpu.core_type<tc>, window_params = [{transform_indices = @transform_0, window_bounds = array<i64: 1, 256, 256>}, {pipeline_mode = #tpu.pipeline_mode<synchronous>, transform_indices = @transform_1, window_bounds = array<i64: 8, 256>}, {pipeline_mode = #tpu.pipeline_mode<synchronous>, transform_indices = @transform_2, window_bounds = array<i64: 8, 256>}]} {
    %eq3A = arith.constant 0 : i32
    %eq3A_0 = arith.cmpi eq, %arg0, %eq3A : i32
    %eq3A_1 = arith.constant 0 : i32
    %eq3A_2 = arith.cmpi eq, %arg1, %eq3A_1 : i32
    %and3A = arith.andi %eq3A_0, %eq3A_2 : i1
    %get3A = arith.constant 0 : index
    %get3A_3 = arith.constant 0 : index
    %get3A_4 = arith.constant 0 : index
    %get3A_5 = vector.load %arg2[%get3A, %get3A_3, %get3A_4] : memref<1x256x256xf32, #tpu.memory_space<vmem>>, vector<1x256x256xf32>
    %get3A_6 = vector.shape_cast %get3A_5 : vector<1x256x256xf32> to vector<256x256xf32>
    %get3A_7 = arith.constant 0 : index
    %get3A_8 = arith.constant 0 : index
    %get3A_9 = vector.load %arg3[%get3A_7, %get3A_8] : memref<8x256xf32, #tpu.memory_space<vmem>>, vector<1x256xf32>
    %div3A = arith.constant 2.048000e+03 : f32
    %div3A_10 = vector.broadcast %div3A : f32 to vector<1x256xf32>
    %div3A_11 = arith.divf %get3A_9, %div3A_10 : vector<1x256xf32>
    %sub3A = vector.broadcast %div3A_11 : vector<1x256xf32> to vector<256x256xf32>
    %sub3A_12 = arith.subf %get3A_6, %sub3A : vector<256x256xf32>
    %convert_element_type3A = arith.extui %and3A : i1 to i32
    %cond3A = arith.constant 0 : i32
    %cond3A_13 = arith.cmpi ne, %convert_element_type3A, %cond3A : i32
    scf.if %cond3A_13 {
      %broadcast_in_dim3A_20 = arith.constant 0.000000e+00 : f32
      %broadcast_in_dim3A_21 = vector.broadcast %broadcast_in_dim3A_20 : f32 to vector<8x256xf32>
      %swap3A_22 = arith.constant 0 : index
      %swap3A_23 = arith.constant 0 : index
      %swap3A_24 = vector.load %arg4[%swap3A_22, %swap3A_23] : memref<8x256xf32, #tpu.memory_space<vmem>>, vector<8x256xf32>
      tpu.vector_store %arg4[%swap3A_22, %swap3A_23], %broadcast_in_dim3A_21 {strides = array<i32>} : memref<8x256xf32, #tpu.memory_space<vmem>>, vector<8x256xf32>,
    } else {
    }
    %get3A_14 = arith.constant 0 : index
    %get3A_15 = arith.constant 0 : index
    %get3A_16 = vector.load %arg4[%get3A_14, %get3A_15] : memref<8x256xf32, #tpu.memory_space<vmem>>, vector<1x256xf32>
    %mul3A = arith.mulf %sub3A_12, %sub3A_12 : vector<256x256xf32>
    %reduce_sum3A = arith.constant dense<0.000000e+00> : vector<256xf32>
    %reduce_sum3A_17 = vector.multi_reduction <add>, %mul3A, %reduce_sum3A [0] : vector<256x256xf32> to vector<256xf32>
    %broadcast_in_dim3A = vector.shape_cast %reduce_sum3A_17 : vector<256xf32> to vector<1x256xf32>
    %add3A = arith.addf %get3A_16, %broadcast_in_dim3A : vector<1x256xf32>
    %swap3A = arith.constant 0 : index
    %swap3A_18 = arith.constant 0 : index
    %swap3A_19 = vector.load %arg4[%swap3A, %swap3A_18] : memref<8x256xf32, #tpu.memory_space<vmem>>, vector<1x256xf32>
    tpu.vector_store %arg4[%swap3A, %swap3A_18], %add3A {strides = array<i32>} : memref<8x256xf32, #tpu.memory_space<vmem>>, vector<1x256xf32>,
    return
  }
  func.func @transform_0(%arg0: i32, %arg1: i32) -> (i32, i32, i32) {
    %c0_i32 = arith.constant 0 : i32
    %c0_i32_0 = arith.constant 0 : i32
    return %arg0, %arg1, %c0_i32 : i32, i32, i32
  }
  func.func @transform_1(%arg0: i32, %arg1: i32) -> (i32, i32) {
    %c0_i32 = arith.constant 0 : i32
    %c0_i32_0 = arith.constant 0 : i32
    %c0_i32_1 = arith.constant 0 : i32
    return %c0_i32, %c0_i32_0 : i32, i32
  }
  func.func @transform_2(%arg0: i32, %arg1: i32) -> (i32, i32) {
    %c0_i32 = arith.constant 0 : i32
    %c0_i32_0 = arith.constant 0 : i32
    %c0_i32_1 = arith.constant 0 : i32
    return %c0_i32, %c0_i32_0 : i32, i32
  }
}

module attributes {stable_mosaic.version = 14 : i64} {
  func.func @_mm_body(%arg0: i32, %arg1: i32, %arg2: memref<1x256x256xf32, #tpu.memory_space<vmem>>, %arg3: memref<8x256xf32, #tpu.memory_space<vmem>>, %arg4: memref<8x256xf32, #tpu.memory_space<vmem>>, %arg5: memref<1x256xf32, #tpu.memory_space<vmem>>, %arg6: memref<1x256xf32, #tpu.memory_space<vmem>>, %arg7: memref<256x256xf32, #tpu.memory_space<vmem>>, %arg8: memref<1x256x256xf32, #tpu.memory_space<vmem>>, %arg9: memref<8x256xf32, #tpu.memory_space<vmem>>) attributes {dimension_semantics = [#tpu.dimension_semantics<arbitrary>, #tpu.dimension_semantics<arbitrary>], iteration_bounds = array<i64: 8, 1>, scalar_prefetch = 0 : i64, scratch_operands = 0 : i64, tpu.core_type = #tpu.core_type<tc>, window_params = [{transform_indices = @transform_0, window_bounds = array<i64: 1, 256, 256>}, {pipeline_mode = #tpu.pipeline_mode<synchronous>, transform_indices = @transform_1, window_bounds = array<i64: 8, 256>}, {pipeline_mode = #tpu.pipeline_mode<synchronous>, transform_indices = @transform_2, window_bounds = array<i64: 8, 256>}, {pipeline_mode = #tpu.pipeline_mode<synchronous>, transform_indices = @transform_3, window_bounds = array<i64: 1, 256>}, {pipeline_mode = #tpu.pipeline_mode<synchronous>, transform_indices = @transform_4, window_bounds = array<i64: 1, 256>}, {pipeline_mode = #tpu.pipeline_mode<synchronous>, transform_indices = @transform_5, window_bounds = array<i64: 256, 256>}, {transform_indices = @transform_6, window_bounds = array<i64: 1, 256, 256>}, {pipeline_mode = #tpu.pipeline_mode<synchronous>, transform_indices = @transform_7, window_bounds = array<i64: 8, 256>}]} {
    %get3A = arith.constant 0 : index
    %get3A_0 = arith.constant 0 : index
    %get3A_1 = arith.constant 0 : index
    %get3A_2 = vector.load %arg2[%get3A, %get3A_0, %get3A_1] : memref<1x256x256xf32, #tpu.memory_space<vmem>>, vector<1x256x256xf32>
    %get3A_3 = vector.shape_cast %get3A_2 : vector<1x256x256xf32> to vector<256x256xf32>
    %get3A_4 = arith.constant 0 : index
    %get3A_5 = arith.constant 0 : index
    %get3A_6 = vector.load %arg3[%get3A_4, %get3A_5] : memref<8x256xf32, #tpu.memory_space<vmem>>, vector<8x256xf32>
    %get3A_7 = arith.constant 0 : index
    %get3A_8 = arith.constant 0 : index
    %get3A_9 = vector.load %arg4[%get3A_7, %get3A_8] : memref<8x256xf32, #tpu.memory_space<vmem>>, vector<8x256xf32>
    %get3A_10 = arith.constant 0 : index
    %get3A_11 = arith.constant 0 : index
    %get3A_12 = vector.load %arg5[%get3A_10, %get3A_11] : memref<1x256xf32, #tpu.memory_space<vmem>>, vector<1x256xf32>
    %get3A_13 = arith.constant 0 : index
    %get3A_14 = arith.constant 0 : index
    %get3A_15 = vector.load %arg6[%get3A_13, %get3A_14] : memref<1x256xf32, #tpu.memory_space<vmem>>, vector<1x256xf32>
    %slice3A = vector.extract_strided_slice %get3A_6 {offsets = [0, 0], sizes = [1, 256], strides = [1, 1]} : vector<8x256xf32> to vector<1x256xf32>
    %div3A = arith.constant 2.048000e+03 : f32
    %div3A_16 = vector.broadcast %div3A : f32 to vector<1x256xf32>
    %div3A_17 = arith.divf %slice3A, %div3A_16 : vector<1x256xf32>
    %slice3A_18 = vector.extract_strided_slice %get3A_9 {offsets = [0, 0], sizes = [1, 256], strides = [1, 1]} : vector<8x256xf32> to vector<1x256xf32>
    %div3A_19 = arith.constant 2.048000e+03 : f32
    %div3A_20 = vector.broadcast %div3A_19 : f32 to vector<1x256xf32>
    %div3A_21 = arith.divf %slice3A_18, %div3A_20 : vector<1x256xf32>
    %sub3A = vector.broadcast %div3A_17 : vector<1x256xf32> to vector<256x256xf32>
    %sub3A_22 = arith.subf %get3A_3, %sub3A : vector<256x256xf32>
    %add3A = arith.constant 9.99999974E-6 : f32
    %add3A_23 = vector.broadcast %add3A : f32 to vector<1x256xf32>
    %add3A_24 = arith.addf %div3A_21, %add3A_23 : vector<1x256xf32>
    %sqrt3A = math.sqrt %add3A_24 : vector<1x256xf32>
    %div3A_25 = vector.broadcast %sqrt3A : vector<1x256xf32> to vector<256x256xf32>
    %div3A_26 = arith.divf %sub3A_22, %div3A_25 : vector<256x256xf32>
    %mul3A = vector.broadcast %get3A_12 : vector<1x256xf32> to vector<256x256xf32>
    %mul3A_27 = arith.mulf %div3A_26, %mul3A : vector<256x256xf32>
    %add3A_28 = vector.broadcast %get3A_15 : vector<1x256xf32> to vector<256x256xf32>
    %add3A_29 = arith.addf %mul3A_27, %add3A_28 : vector<256x256xf32>
    %max3A = arith.constant 0.000000e+00 : f32
    %max3A_30 = vector.broadcast %max3A : f32 to vector<256x256xf32>
    %max3A_31 = arith.maximumf %add3A_29, %max3A_30 : vector<256x256xf32>
    %get3A_32 = arith.constant 0 : index
    %get3A_33 = arith.constant 0 : index
    %get3A_34 = vector.load %arg7[%get3A_32, %get3A_33] : memref<256x256xf32, #tpu.memory_space<vmem>>, vector<256x256xf32>
    %dot_general3A = arith.constant dense<0.000000e+00> : vector<256x256xf32>
    %dot_general3A_35 = tpu.matmul %max3A_31, %get3A_34, %dot_general3A {dimension_numbers = #tpu.dot_dimension_numbers<[1], [0], [0], [1], [0, 0, 1, 1], [], []>, transpose_lhs_hint = false} : vector<256x256xf32>, vector<256x256xf32>, vector<256x256xf32> -> vector<256x256xf32>
    %swap3A = arith.constant 0 : index
    %swap3A_36 = arith.constant 0 : index
    %swap3A_37 = arith.constant 0 : index
    %swap3A_38 = vector.load %arg8[%swap3A, %swap3A_36, %swap3A_37] : memref<1x256x256xf32, #tpu.memory_space<vmem>>, vector<1x256x256xf32>
    %swap3A_39 = vector.shape_cast %swap3A_38 : vector<1x256x256xf32> to vector<256x256xf32>
    %swap3A_40 = vector.shape_cast %dot_general3A_35 : vector<256x256xf32> to vector<1x256x256xf32>
    tpu.vector_store %arg8[%swap3A, %swap3A_36, %swap3A_37], %swap3A_40 {strides = array<i32>} : memref<1x256x256xf32, #tpu.memory_space<vmem>>, vector<1x256x256xf32>,
    %eq3A = arith.constant 0 : i32
    %eq3A_41 = arith.cmpi eq, %arg0, %eq3A : i32
    %eq3A_42 = arith.constant 0 : i32
    %eq3A_43 = arith.cmpi eq, %arg1, %eq3A_42 : i32
    %and3A = arith.andi %eq3A_41, %eq3A_43 : i1
    %convert_element_type3A = arith.extui %and3A : i1 to i32
    %cond3A = arith.constant 0 : i32
    %cond3A_44 = arith.cmpi ne, %convert_element_type3A, %cond3A : i32
    scf.if %cond3A_44 {
      %broadcast_in_dim3A_53 = arith.constant 0.000000e+00 : f32
      %broadcast_in_dim3A_54 = vector.broadcast %broadcast_in_dim3A_53 : f32 to vector<8x256xf32>
      %swap3A_55 = arith.constant 0 : index
      %swap3A_56 = arith.constant 0 : index
      %swap3A_57 = vector.load %arg9[%swap3A_55, %swap3A_56] : memref<8x256xf32, #tpu.memory_space<vmem>>, vector<8x256xf32>
      tpu.vector_store %arg9[%swap3A_55, %swap3A_56], %broadcast_in_dim3A_54 {strides = array<i32>} : memref<8x256xf32, #tpu.memory_space<vmem>>, vector<8x256xf32>,
    } else {
    }
    %get3A_45 = arith.constant 0 : index
    %get3A_46 = arith.constant 0 : index
    %get3A_47 = vector.load %arg9[%get3A_45, %get3A_46] : memref<8x256xf32, #tpu.memory_space<vmem>>, vector<1x256xf32>
    %reduce_sum3A = arith.constant dense<0.000000e+00> : vector<256xf32>
    %reduce_sum3A_48 = vector.multi_reduction <add>, %dot_general3A_35, %reduce_sum3A [0] : vector<256x256xf32> to vector<256xf32>
    %broadcast_in_dim3A = vector.shape_cast %reduce_sum3A_48 : vector<256xf32> to vector<1x256xf32>
    %add3A_49 = arith.addf %get3A_47, %broadcast_in_dim3A : vector<1x256xf32>
    %swap3A_50 = arith.constant 0 : index
    %swap3A_51 = arith.constant 0 : index
    %swap3A_52 = vector.load %arg9[%swap3A_50, %swap3A_51] : memref<8x256xf32, #tpu.memory_space<vmem>>, vector<1x256xf32>
    tpu.vector_store %arg9[%swap3A_50, %swap3A_51], %add3A_49 {strides = array<i32>} : memref<8x256xf32, #tpu.memory_space<vmem>>, vector<1x256xf32>,
    return
  }
  func.func @transform_0(%arg0: i32, %arg1: i32) -> (i32, i32, i32) {
    %c0_i32 = arith.constant 0 : i32
    %c0_i32_0 = arith.constant 0 : i32
    return %arg0, %arg1, %c0_i32 : i32, i32, i32
  }
  func.func @transform_1(%arg0: i32, %arg1: i32) -> (i32, i32) {
    %c0_i32 = arith.constant 0 : i32
    %c0_i32_0 = arith.constant 0 : i32
    %c0_i32_1 = arith.constant 0 : i32
    return %c0_i32, %c0_i32_0 : i32, i32
  }
  func.func @transform_2(%arg0: i32, %arg1: i32) -> (i32, i32) {
    %c0_i32 = arith.constant 0 : i32
    %c0_i32_0 = arith.constant 0 : i32
    %c0_i32_1 = arith.constant 0 : i32
    return %c0_i32, %c0_i32_0 : i32, i32
  }
  func.func @transform_3(%arg0: i32, %arg1: i32) -> (i32, i32) {
    %c0_i32 = arith.constant 0 : i32
    %c0_i32_0 = arith.constant 0 : i32
    %c0_i32_1 = arith.constant 0 : i32
    return %c0_i32, %c0_i32_0 : i32, i32
  }
  func.func @transform_4(%arg0: i32, %arg1: i32) -> (i32, i32) {
    %c0_i32 = arith.constant 0 : i32
    %c0_i32_0 = arith.constant 0 : i32
    %c0_i32_1 = arith.constant 0 : i32
    return %c0_i32, %c0_i32_0 : i32, i32
  }
  func.func @transform_5(%arg0: i32, %arg1: i32) -> (i32, i32) {
    %c0_i32 = arith.constant 0 : i32
    %c0_i32_0 = arith.constant 0 : i32
    %c0_i32_1 = arith.constant 0 : i32
    return %c0_i32, %c0_i32_0 : i32, i32
  }
  func.func @transform_6(%arg0: i32, %arg1: i32) -> (i32, i32, i32) {
    %c0_i32 = arith.constant 0 : i32
    %c0_i32_0 = arith.constant 0 : i32
    return %arg0, %arg1, %c0_i32 : i32, i32, i32
  }
  func.func @transform_7(%arg0: i32, %arg1: i32) -> (i32, i32) {
    %c0_i32 = arith.constant 0 : i32
    %c0_i32_0 = arith.constant 0 : i32
    %c0_i32_1 = arith.constant 0 : i32
    return %c0_i32, %c0_i32_0 : i32, i32
  }
}

module attributes {stable_mosaic.version = 14 : i64} {
  func.func @_fin_body(%arg0: i32, %arg1: i32, %arg2: memref<1x1x256x256xf32, #tpu.memory_space<vmem>>, %arg3: memref<8x256xf32, #tpu.memory_space<vmem>>, %arg4: memref<8x256xf32, #tpu.memory_space<vmem>>, %arg5: memref<1x256xf32, #tpu.memory_space<vmem>>, %arg6: memref<1x256xf32, #tpu.memory_space<vmem>>, %arg7: memref<1x256x256xf32, #tpu.memory_space<vmem>>) attributes {dimension_semantics = [#tpu.dimension_semantics<arbitrary>, #tpu.dimension_semantics<arbitrary>], iteration_bounds = array<i64: 8, 1>, scalar_prefetch = 0 : i64, scratch_operands = 0 : i64, tpu.core_type = #tpu.core_type<tc>, window_params = [{transform_indices = @transform_0, window_bounds = array<i64: 1, 1, 256, 256>}, {pipeline_mode = #tpu.pipeline_mode<synchronous>, transform_indices = @transform_1, window_bounds = array<i64: 8, 256>}, {pipeline_mode = #tpu.pipeline_mode<synchronous>, transform_indices = @transform_2, window_bounds = array<i64: 8, 256>}, {pipeline_mode = #tpu.pipeline_mode<synchronous>, transform_indices = @transform_3, window_bounds = array<i64: 1, 256>}, {pipeline_mode = #tpu.pipeline_mode<synchronous>, transform_indices = @transform_4, window_bounds = array<i64: 1, 256>}, {transform_indices = @transform_5, window_bounds = array<i64: 1, 256, 256>}]} {
    %get3A = arith.constant 0 : index
    %get3A_0 = arith.constant 0 : index
    %get3A_1 = arith.constant 0 : index
    %get3A_2 = arith.constant 0 : index
    %get3A_3 = vector.load %arg2[%get3A, %get3A_0, %get3A_1, %get3A_2] : memref<1x1x256x256xf32, #tpu.memory_space<vmem>>, vector<1x1x256x256xf32>
    %get3A_4 = vector.shape_cast %get3A_3 : vector<1x1x256x256xf32> to vector<256x256xf32>
    %get3A_5 = arith.constant 0 : index
    %get3A_6 = arith.constant 0 : index
    %get3A_7 = vector.load %arg3[%get3A_5, %get3A_6] : memref<8x256xf32, #tpu.memory_space<vmem>>, vector<8x256xf32>
    %get3A_8 = arith.constant 0 : index
    %get3A_9 = arith.constant 0 : index
    %get3A_10 = vector.load %arg4[%get3A_8, %get3A_9] : memref<8x256xf32, #tpu.memory_space<vmem>>, vector<8x256xf32>
    %get3A_11 = arith.constant 0 : index
    %get3A_12 = arith.constant 0 : index
    %get3A_13 = vector.load %arg5[%get3A_11, %get3A_12] : memref<1x256xf32, #tpu.memory_space<vmem>>, vector<1x256xf32>
    %get3A_14 = arith.constant 0 : index
    %get3A_15 = arith.constant 0 : index
    %get3A_16 = vector.load %arg6[%get3A_14, %get3A_15] : memref<1x256xf32, #tpu.memory_space<vmem>>, vector<1x256xf32>
    %slice3A = vector.extract_strided_slice %get3A_7 {offsets = [0, 0], sizes = [1, 256], strides = [1, 1]} : vector<8x256xf32> to vector<1x256xf32>
    %div3A = arith.constant 2.048000e+03 : f32
    %div3A_17 = vector.broadcast %div3A : f32 to vector<1x256xf32>
    %div3A_18 = arith.divf %slice3A, %div3A_17 : vector<1x256xf32>
    %slice3A_19 = vector.extract_strided_slice %get3A_10 {offsets = [0, 0], sizes = [1, 256], strides = [1, 1]} : vector<8x256xf32> to vector<1x256xf32>
    %div3A_20 = arith.constant 2.048000e+03 : f32
    %div3A_21 = vector.broadcast %div3A_20 : f32 to vector<1x256xf32>
    %div3A_22 = arith.divf %slice3A_19, %div3A_21 : vector<1x256xf32>
    %sub3A = vector.broadcast %div3A_18 : vector<1x256xf32> to vector<256x256xf32>
    %sub3A_23 = arith.subf %get3A_4, %sub3A : vector<256x256xf32>
    %add3A = arith.constant 9.99999974E-6 : f32
    %add3A_24 = vector.broadcast %add3A : f32 to vector<1x256xf32>
    %add3A_25 = arith.addf %div3A_22, %add3A_24 : vector<1x256xf32>
    %sqrt3A = math.sqrt %add3A_25 : vector<1x256xf32>
    %div3A_26 = vector.broadcast %sqrt3A : vector<1x256xf32> to vector<256x256xf32>
    %div3A_27 = arith.divf %sub3A_23, %div3A_26 : vector<256x256xf32>
    %mul3A = vector.broadcast %get3A_13 : vector<1x256xf32> to vector<256x256xf32>
    %mul3A_28 = arith.mulf %div3A_27, %mul3A : vector<256x256xf32>
    %add3A_29 = vector.broadcast %get3A_16 : vector<1x256xf32> to vector<256x256xf32>
    %add3A_30 = arith.addf %mul3A_28, %add3A_29 : vector<256x256xf32>
    %max3A = arith.constant 0.000000e+00 : f32
    %max3A_31 = vector.broadcast %max3A : f32 to vector<256x256xf32>
    %max3A_32 = arith.maximumf %add3A_30, %max3A_31 : vector<256x256xf32>
    %swap3A = arith.constant 0 : index
    %swap3A_33 = arith.constant 0 : index
    %swap3A_34 = arith.constant 0 : index
    %swap3A_35 = vector.load %arg7[%swap3A, %swap3A_33, %swap3A_34] : memref<1x256x256xf32, #tpu.memory_space<vmem>>, vector<1x256x256xf32>
    %swap3A_36 = vector.shape_cast %swap3A_35 : vector<1x256x256xf32> to vector<256x256xf32>
    %swap3A_37 = vector.shape_cast %max3A_32 : vector<256x256xf32> to vector<1x256x256xf32>
    tpu.vector_store %arg7[%swap3A, %swap3A_33, %swap3A_34], %swap3A_37 {strides = array<i32>} : memref<1x256x256xf32, #tpu.memory_space<vmem>>, vector<1x256x256xf32>,
    return
  }
  func.func @transform_0(%arg0: i32, %arg1: i32) -> (i32, i32, i32, i32) {
    %c0_i32 = arith.constant 0 : i32
    %c0_i32_0 = arith.constant 0 : i32
    %c0_i32_1 = arith.constant 0 : i32
    return %arg0, %c0_i32, %arg1, %c0_i32_0 : i32, i32, i32, i32
  }
  func.func @transform_1(%arg0: i32, %arg1: i32) -> (i32, i32) {
    %c0_i32 = arith.constant 0 : i32
    %c0_i32_0 = arith.constant 0 : i32
    %c0_i32_1 = arith.constant 0 : i32
    return %c0_i32, %c0_i32_0 : i32, i32
  }
  func.func @transform_2(%arg0: i32, %arg1: i32) -> (i32, i32) {
    %c0_i32 = arith.constant 0 : i32
    %c0_i32_0 = arith.constant 0 : i32
    %c0_i32_1 = arith.constant 0 : i32
    return %c0_i32, %c0_i32_0 : i32, i32
  }
  func.func @transform_3(%arg0: i32, %arg1: i32) -> (i32, i32) {
    %c0_i32 = arith.constant 0 : i32
    %c0_i32_0 = arith.constant 0 : i32
    %c0_i32_1 = arith.constant 0 : i32
    return %c0_i32, %c0_i32_0 : i32, i32
  }
  func.func @transform_4(%arg0: i32, %arg1: i32) -> (i32, i32) {
    %c0_i32 = arith.constant 0 : i32
    %c0_i32_0 = arith.constant 0 : i32
    %c0_i32_1 = arith.constant 0 : i32
    return %c0_i32, %c0_i32_0 : i32, i32
  }
  func.func @transform_5(%arg0: i32, %arg1: i32) -> (i32, i32, i32) {
    %c0_i32 = arith.constant 0 : i32
    %c0_i32_0 = arith.constant 0 : i32
    return %arg0, %arg1, %c0_i32 : i32, i32, i32
  }
}

module attributes {stable_mosaic.version = 14 : i64} {
  func.func @_fp1_body(%arg0: i32, %arg1: i32, %arg2: memref<1x256x3xf32, #tpu.memory_space<vmem>>, %arg3: memref<1x256x256xf32, #tpu.memory_space<vmem>>, %arg4: memref<1x256x128xf32, #tpu.memory_space<vmem>>, %arg5: memref<384x256xf32, #tpu.memory_space<vmem>>, %arg6: memref<1x256x256xf32, #tpu.memory_space<vmem>>, %arg7: memref<8x256xf32, #tpu.memory_space<vmem>>) attributes {dimension_semantics = [#tpu.dimension_semantics<arbitrary>, #tpu.dimension_semantics<arbitrary>], iteration_bounds = array<i64: 8, 4>, scalar_prefetch = 0 : i64, scratch_operands = 0 : i64, tpu.core_type = #tpu.core_type<tc>, window_params = [{transform_indices = @transform_0, window_bounds = array<i64: 1, 256, 3>}, {transform_indices = @transform_1, window_bounds = array<i64: 1, 256, 256>}, {transform_indices = @transform_2, window_bounds = array<i64: 1, 256, 128>}, {pipeline_mode = #tpu.pipeline_mode<synchronous>, transform_indices = @transform_3, window_bounds = array<i64: 384, 256>}, {transform_indices = @transform_4, window_bounds = array<i64: 1, 256, 256>}, {pipeline_mode = #tpu.pipeline_mode<synchronous>, transform_indices = @transform_5, window_bounds = array<i64: 8, 256>}]} {
    %get3A = arith.constant 0 : index
    %get3A_0 = arith.constant 0 : index
    %get3A_1 = arith.constant 0 : index
    %get3A_2 = vector.load %arg4[%get3A, %get3A_0, %get3A_1] : memref<1x256x128xf32, #tpu.memory_space<vmem>>, vector<1x256x128xf32>
    %get3A_3 = vector.shape_cast %get3A_2 : vector<1x256x128xf32> to vector<256x128xf32>
    %get3A_4 = arith.constant 0 : index
    %get3A_5 = arith.constant 0 : index
    %get3A_6 = arith.constant 0 : index
    %get3A_7 = vector.load %arg3[%get3A_4, %get3A_5, %get3A_6] : memref<1x256x256xf32, #tpu.memory_space<vmem>>, vector<1x256x256xf32>
    %get3A_8 = vector.shape_cast %get3A_7 : vector<1x256x256xf32> to vector<256x256xf32>
    %concatenate3A = tpu.concatenate %get3A_3, %get3A_8 in 1 : vector<256x128xf32>, vector<256x256xf32> -> vector<256x384xf32>
    %get3A_9 = arith.constant 0 : index
    %get3A_10 = arith.constant 0 : index
    %get3A_11 = vector.load %arg5[%get3A_9, %get3A_10] : memref<384x256xf32, #tpu.memory_space<vmem>>, vector<384x256xf32>
    %dot_general3A = arith.constant dense<0.000000e+00> : vector<256x256xf32>
    %dot_general3A_12 = tpu.matmul %concatenate3A, %get3A_11, %dot_general3A {dimension_numbers = #tpu.dot_dimension_numbers<[1], [0], [0], [1], [0, 0, 1, 1], [], []>, transpose_lhs_hint = false} : vector<256x384xf32>, vector<384x256xf32>, vector<256x256xf32> -> vector<256x256xf32>
    %swap3A = arith.constant 0 : index
    %swap3A_13 = arith.constant 0 : index
    %swap3A_14 = arith.constant 0 : index
    %swap3A_15 = vector.load %arg6[%swap3A, %swap3A_13, %swap3A_14] : memref<1x256x256xf32, #tpu.memory_space<vmem>>, vector<1x256x256xf32>
    %swap3A_16 = vector.shape_cast %swap3A_15 : vector<1x256x256xf32> to vector<256x256xf32>
    %swap3A_17 = vector.shape_cast %dot_general3A_12 : vector<256x256xf32> to vector<1x256x256xf32>
    tpu.vector_store %arg6[%swap3A, %swap3A_13, %swap3A_14], %swap3A_17 {strides = array<i32>} : memref<1x256x256xf32, #tpu.memory_space<vmem>>, vector<1x256x256xf32>,
    %eq3A = arith.constant 0 : i32
    %eq3A_18 = arith.cmpi eq, %arg0, %eq3A : i32
    %eq3A_19 = arith.constant 0 : i32
    %eq3A_20 = arith.cmpi eq, %arg1, %eq3A_19 : i32
    %and3A = arith.andi %eq3A_18, %eq3A_20 : i1
    %convert_element_type3A = arith.extui %and3A : i1 to i32
    %cond3A = arith.constant 0 : i32
    %cond3A_21 = arith.cmpi ne, %convert_element_type3A, %cond3A : i32
    scf.if %cond3A_21 {
      %broadcast_in_dim3A_29 = arith.constant 0.000000e+00 : f32
      %broadcast_in_dim3A_30 = vector.broadcast %broadcast_in_dim3A_29 : f32 to vector<8x256xf32>
      %swap3A_31 = arith.constant 0 : index
      %swap3A_32 = arith.constant 0 : index
      %swap3A_33 = vector.load %arg7[%swap3A_31, %swap3A_32] : memref<8x256xf32, #tpu.memory_space<vmem>>, vector<8x256xf32>
      tpu.vector_store %arg7[%swap3A_31, %swap3A_32], %broadcast_in_dim3A_30 {strides = array<i32>} : memref<8x256xf32, #tpu.memory_space<vmem>>, vector<8x256xf32>,
    } else {
    }
    %get3A_22 = arith.constant 0 : index
    %get3A_23 = arith.constant 0 : index
    %get3A_24 = vector.load %arg7[%get3A_22, %get3A_23] : memref<8x256xf32, #tpu.memory_space<vmem>>, vector<1x256xf32>
    %reduce_sum3A = arith.constant dense<0.000000e+00> : vector<256xf32>
    %reduce_sum3A_25 = vector.multi_reduction <add>, %dot_general3A_12, %reduce_sum3A [0] : vector<256x256xf32> to vector<256xf32>
    %broadcast_in_dim3A = vector.shape_cast %reduce_sum3A_25 : vector<256xf32> to vector<1x256xf32>
    %add3A = arith.addf %get3A_24, %broadcast_in_dim3A : vector<1x256xf32>
    %swap3A_26 = arith.constant 0 : index
    %swap3A_27 = arith.constant 0 : index
    %swap3A_28 = vector.load %arg7[%swap3A_26, %swap3A_27] : memref<8x256xf32, #tpu.memory_space<vmem>>, vector<1x256xf32>
    tpu.vector_store %arg7[%swap3A_26, %swap3A_27], %add3A {strides = array<i32>} : memref<8x256xf32, #tpu.memory_space<vmem>>, vector<1x256xf32>,
    return
  }
  func.func @transform_0(%arg0: i32, %arg1: i32) -> (i32, i32, i32) {
    %c0_i32 = arith.constant 0 : i32
    %c0_i32_0 = arith.constant 0 : i32
    return %arg0, %arg1, %c0_i32 : i32, i32, i32
  }
  func.func @transform_1(%arg0: i32, %arg1: i32) -> (i32, i32, i32) {
    %c0_i32 = arith.constant 0 : i32
    %c0_i32_0 = arith.constant 0 : i32
    return %arg0, %arg1, %c0_i32 : i32, i32, i32
  }
  func.func @transform_2(%arg0: i32, %arg1: i32) -> (i32, i32, i32) {
    %c0_i32 = arith.constant 0 : i32
    %c0_i32_0 = arith.constant 0 : i32
    return %arg0, %arg1, %c0_i32 : i32, i32, i32
  }
  func.func @transform_3(%arg0: i32, %arg1: i32) -> (i32, i32) {
    %c0_i32 = arith.constant 0 : i32
    %c0_i32_0 = arith.constant 0 : i32
    %c0_i32_1 = arith.constant 0 : i32
    return %c0_i32, %c0_i32_0 : i32, i32
  }
  func.func @transform_4(%arg0: i32, %arg1: i32) -> (i32, i32, i32) {
    %c0_i32 = arith.constant 0 : i32
    %c0_i32_0 = arith.constant 0 : i32
    return %arg0, %arg1, %c0_i32 : i32, i32, i32
  }
  func.func @transform_5(%arg0: i32, %arg1: i32) -> (i32, i32) {
    %c0_i32 = arith.constant 0 : i32
    %c0_i32_0 = arith.constant 0 : i32
    %c0_i32_1 = arith.constant 0 : i32
    return %c0_i32, %c0_i32_0 : i32, i32
  }
}

module attributes {stable_mosaic.version = 14 : i64} {
  func.func @_var_body(%arg0: i32, %arg1: i32, %arg2: memref<1x256x256xf32, #tpu.memory_space<vmem>>, %arg3: memref<8x256xf32, #tpu.memory_space<vmem>>, %arg4: memref<8x256xf32, #tpu.memory_space<vmem>>) attributes {dimension_semantics = [#tpu.dimension_semantics<arbitrary>, #tpu.dimension_semantics<arbitrary>], iteration_bounds = array<i64: 8, 4>, scalar_prefetch = 0 : i64, scratch_operands = 0 : i64, tpu.core_type = #tpu.core_type<tc>, window_params = [{transform_indices = @transform_0, window_bounds = array<i64: 1, 256, 256>}, {pipeline_mode = #tpu.pipeline_mode<synchronous>, transform_indices = @transform_1, window_bounds = array<i64: 8, 256>}, {pipeline_mode = #tpu.pipeline_mode<synchronous>, transform_indices = @transform_2, window_bounds = array<i64: 8, 256>}]} {
    %eq3A = arith.constant 0 : i32
    %eq3A_0 = arith.cmpi eq, %arg0, %eq3A : i32
    %eq3A_1 = arith.constant 0 : i32
    %eq3A_2 = arith.cmpi eq, %arg1, %eq3A_1 : i32
    %and3A = arith.andi %eq3A_0, %eq3A_2 : i1
    %get3A = arith.constant 0 : index
    %get3A_3 = arith.constant 0 : index
    %get3A_4 = arith.constant 0 : index
    %get3A_5 = vector.load %arg2[%get3A, %get3A_3, %get3A_4] : memref<1x256x256xf32, #tpu.memory_space<vmem>>, vector<1x256x256xf32>
    %get3A_6 = vector.shape_cast %get3A_5 : vector<1x256x256xf32> to vector<256x256xf32>
    %get3A_7 = arith.constant 0 : index
    %get3A_8 = arith.constant 0 : index
    %get3A_9 = vector.load %arg3[%get3A_7, %get3A_8] : memref<8x256xf32, #tpu.memory_space<vmem>>, vector<1x256xf32>
    %div3A = arith.constant 8.192000e+03 : f32
    %div3A_10 = vector.broadcast %div3A : f32 to vector<1x256xf32>
    %div3A_11 = arith.divf %get3A_9, %div3A_10 : vector<1x256xf32>
    %sub3A = vector.broadcast %div3A_11 : vector<1x256xf32> to vector<256x256xf32>
    %sub3A_12 = arith.subf %get3A_6, %sub3A : vector<256x256xf32>
    %convert_element_type3A = arith.extui %and3A : i1 to i32
    %cond3A = arith.constant 0 : i32
    %cond3A_13 = arith.cmpi ne, %convert_element_type3A, %cond3A : i32
    scf.if %cond3A_13 {
      %broadcast_in_dim3A_20 = arith.constant 0.000000e+00 : f32
      %broadcast_in_dim3A_21 = vector.broadcast %broadcast_in_dim3A_20 : f32 to vector<8x256xf32>
      %swap3A_22 = arith.constant 0 : index
      %swap3A_23 = arith.constant 0 : index
      %swap3A_24 = vector.load %arg4[%swap3A_22, %swap3A_23] : memref<8x256xf32, #tpu.memory_space<vmem>>, vector<8x256xf32>
      tpu.vector_store %arg4[%swap3A_22, %swap3A_23], %broadcast_in_dim3A_21 {strides = array<i32>} : memref<8x256xf32, #tpu.memory_space<vmem>>, vector<8x256xf32>,
    } else {
    }
    %get3A_14 = arith.constant 0 : index
    %get3A_15 = arith.constant 0 : index
    %get3A_16 = vector.load %arg4[%get3A_14, %get3A_15] : memref<8x256xf32, #tpu.memory_space<vmem>>, vector<1x256xf32>
    %mul3A = arith.mulf %sub3A_12, %sub3A_12 : vector<256x256xf32>
    %reduce_sum3A = arith.constant dense<0.000000e+00> : vector<256xf32>
    %reduce_sum3A_17 = vector.multi_reduction <add>, %mul3A, %reduce_sum3A [0] : vector<256x256xf32> to vector<256xf32>
    %broadcast_in_dim3A = vector.shape_cast %reduce_sum3A_17 : vector<256xf32> to vector<1x256xf32>
    %add3A = arith.addf %get3A_16, %broadcast_in_dim3A : vector<1x256xf32>
    %swap3A = arith.constant 0 : index
    %swap3A_18 = arith.constant 0 : index
    %swap3A_19 = vector.load %arg4[%swap3A, %swap3A_18] : memref<8x256xf32, #tpu.memory_space<vmem>>, vector<1x256xf32>
    tpu.vector_store %arg4[%swap3A, %swap3A_18], %add3A {strides = array<i32>} : memref<8x256xf32, #tpu.memory_space<vmem>>, vector<1x256xf32>,
    return
  }
  func.func @transform_0(%arg0: i32, %arg1: i32) -> (i32, i32, i32) {
    %c0_i32 = arith.constant 0 : i32
    %c0_i32_0 = arith.constant 0 : i32
    return %arg0, %arg1, %c0_i32 : i32, i32, i32
  }
  func.func @transform_1(%arg0: i32, %arg1: i32) -> (i32, i32) {
    %c0_i32 = arith.constant 0 : i32
    %c0_i32_0 = arith.constant 0 : i32
    %c0_i32_1 = arith.constant 0 : i32
    return %c0_i32, %c0_i32_0 : i32, i32
  }
  func.func @transform_2(%arg0: i32, %arg1: i32) -> (i32, i32) {
    %c0_i32 = arith.constant 0 : i32
    %c0_i32_0 = arith.constant 0 : i32
    %c0_i32_1 = arith.constant 0 : i32
    return %c0_i32, %c0_i32_0 : i32, i32
  }
}

module attributes {stable_mosaic.version = 14 : i64} {
  func.func @_mm_body(%arg0: i32, %arg1: i32, %arg2: memref<1x256x256xf32, #tpu.memory_space<vmem>>, %arg3: memref<8x256xf32, #tpu.memory_space<vmem>>, %arg4: memref<8x256xf32, #tpu.memory_space<vmem>>, %arg5: memref<1x256xf32, #tpu.memory_space<vmem>>, %arg6: memref<1x256xf32, #tpu.memory_space<vmem>>, %arg7: memref<256x256xf32, #tpu.memory_space<vmem>>, %arg8: memref<1x256x256xf32, #tpu.memory_space<vmem>>, %arg9: memref<8x256xf32, #tpu.memory_space<vmem>>) attributes {dimension_semantics = [#tpu.dimension_semantics<arbitrary>, #tpu.dimension_semantics<arbitrary>], iteration_bounds = array<i64: 8, 4>, scalar_prefetch = 0 : i64, scratch_operands = 0 : i64, tpu.core_type = #tpu.core_type<tc>, window_params = [{transform_indices = @transform_0, window_bounds = array<i64: 1, 256, 256>}, {pipeline_mode = #tpu.pipeline_mode<synchronous>, transform_indices = @transform_1, window_bounds = array<i64: 8, 256>}, {pipeline_mode = #tpu.pipeline_mode<synchronous>, transform_indices = @transform_2, window_bounds = array<i64: 8, 256>}, {pipeline_mode = #tpu.pipeline_mode<synchronous>, transform_indices = @transform_3, window_bounds = array<i64: 1, 256>}, {pipeline_mode = #tpu.pipeline_mode<synchronous>, transform_indices = @transform_4, window_bounds = array<i64: 1, 256>}, {pipeline_mode = #tpu.pipeline_mode<synchronous>, transform_indices = @transform_5, window_bounds = array<i64: 256, 256>}, {transform_indices = @transform_6, window_bounds = array<i64: 1, 256, 256>}, {pipeline_mode = #tpu.pipeline_mode<synchronous>, transform_indices = @transform_7, window_bounds = array<i64: 8, 256>}]} {
    %get3A = arith.constant 0 : index
    %get3A_0 = arith.constant 0 : index
    %get3A_1 = arith.constant 0 : index
    %get3A_2 = vector.load %arg2[%get3A, %get3A_0, %get3A_1] : memref<1x256x256xf32, #tpu.memory_space<vmem>>, vector<1x256x256xf32>
    %get3A_3 = vector.shape_cast %get3A_2 : vector<1x256x256xf32> to vector<256x256xf32>
    %get3A_4 = arith.constant 0 : index
    %get3A_5 = arith.constant 0 : index
    %get3A_6 = vector.load %arg3[%get3A_4, %get3A_5] : memref<8x256xf32, #tpu.memory_space<vmem>>, vector<8x256xf32>
    %get3A_7 = arith.constant 0 : index
    %get3A_8 = arith.constant 0 : index
    %get3A_9 = vector.load %arg4[%get3A_7, %get3A_8] : memref<8x256xf32, #tpu.memory_space<vmem>>, vector<8x256xf32>
    %get3A_10 = arith.constant 0 : index
    %get3A_11 = arith.constant 0 : index
    %get3A_12 = vector.load %arg5[%get3A_10, %get3A_11] : memref<1x256xf32, #tpu.memory_space<vmem>>, vector<1x256xf32>
    %get3A_13 = arith.constant 0 : index
    %get3A_14 = arith.constant 0 : index
    %get3A_15 = vector.load %arg6[%get3A_13, %get3A_14] : memref<1x256xf32, #tpu.memory_space<vmem>>, vector<1x256xf32>
    %slice3A = vector.extract_strided_slice %get3A_6 {offsets = [0, 0], sizes = [1, 256], strides = [1, 1]} : vector<8x256xf32> to vector<1x256xf32>
    %div3A = arith.constant 8.192000e+03 : f32
    %div3A_16 = vector.broadcast %div3A : f32 to vector<1x256xf32>
    %div3A_17 = arith.divf %slice3A, %div3A_16 : vector<1x256xf32>
    %slice3A_18 = vector.extract_strided_slice %get3A_9 {offsets = [0, 0], sizes = [1, 256], strides = [1, 1]} : vector<8x256xf32> to vector<1x256xf32>
    %div3A_19 = arith.constant 8.192000e+03 : f32
    %div3A_20 = vector.broadcast %div3A_19 : f32 to vector<1x256xf32>
    %div3A_21 = arith.divf %slice3A_18, %div3A_20 : vector<1x256xf32>
    %sub3A = vector.broadcast %div3A_17 : vector<1x256xf32> to vector<256x256xf32>
    %sub3A_22 = arith.subf %get3A_3, %sub3A : vector<256x256xf32>
    %add3A = arith.constant 9.99999974E-6 : f32
    %add3A_23 = vector.broadcast %add3A : f32 to vector<1x256xf32>
    %add3A_24 = arith.addf %div3A_21, %add3A_23 : vector<1x256xf32>
    %sqrt3A = math.sqrt %add3A_24 : vector<1x256xf32>
    %div3A_25 = vector.broadcast %sqrt3A : vector<1x256xf32> to vector<256x256xf32>
    %div3A_26 = arith.divf %sub3A_22, %div3A_25 : vector<256x256xf32>
    %mul3A = vector.broadcast %get3A_12 : vector<1x256xf32> to vector<256x256xf32>
    %mul3A_27 = arith.mulf %div3A_26, %mul3A : vector<256x256xf32>
    %add3A_28 = vector.broadcast %get3A_15 : vector<1x256xf32> to vector<256x256xf32>
    %add3A_29 = arith.addf %mul3A_27, %add3A_28 : vector<256x256xf32>
    %max3A = arith.constant 0.000000e+00 : f32
    %max3A_30 = vector.broadcast %max3A : f32 to vector<256x256xf32>
    %max3A_31 = arith.maximumf %add3A_29, %max3A_30 : vector<256x256xf32>
    %get3A_32 = arith.constant 0 : index
    %get3A_33 = arith.constant 0 : index
    %get3A_34 = vector.load %arg7[%get3A_32, %get3A_33] : memref<256x256xf32, #tpu.memory_space<vmem>>, vector<256x256xf32>
    %dot_general3A = arith.constant dense<0.000000e+00> : vector<256x256xf32>
    %dot_general3A_35 = tpu.matmul %max3A_31, %get3A_34, %dot_general3A {dimension_numbers = #tpu.dot_dimension_numbers<[1], [0], [0], [1], [0, 0, 1, 1], [], []>, transpose_lhs_hint = false} : vector<256x256xf32>, vector<256x256xf32>, vector<256x256xf32> -> vector<256x256xf32>
    %swap3A = arith.constant 0 : index
    %swap3A_36 = arith.constant 0 : index
    %swap3A_37 = arith.constant 0 : index
    %swap3A_38 = vector.load %arg8[%swap3A, %swap3A_36, %swap3A_37] : memref<1x256x256xf32, #tpu.memory_space<vmem>>, vector<1x256x256xf32>
    %swap3A_39 = vector.shape_cast %swap3A_38 : vector<1x256x256xf32> to vector<256x256xf32>
    %swap3A_40 = vector.shape_cast %dot_general3A_35 : vector<256x256xf32> to vector<1x256x256xf32>
    tpu.vector_store %arg8[%swap3A, %swap3A_36, %swap3A_37], %swap3A_40 {strides = array<i32>} : memref<1x256x256xf32, #tpu.memory_space<vmem>>, vector<1x256x256xf32>,
    %eq3A = arith.constant 0 : i32
    %eq3A_41 = arith.cmpi eq, %arg0, %eq3A : i32
    %eq3A_42 = arith.constant 0 : i32
    %eq3A_43 = arith.cmpi eq, %arg1, %eq3A_42 : i32
    %and3A = arith.andi %eq3A_41, %eq3A_43 : i1
    %convert_element_type3A = arith.extui %and3A : i1 to i32
    %cond3A = arith.constant 0 : i32
    %cond3A_44 = arith.cmpi ne, %convert_element_type3A, %cond3A : i32
    scf.if %cond3A_44 {
      %broadcast_in_dim3A_53 = arith.constant 0.000000e+00 : f32
      %broadcast_in_dim3A_54 = vector.broadcast %broadcast_in_dim3A_53 : f32 to vector<8x256xf32>
      %swap3A_55 = arith.constant 0 : index
      %swap3A_56 = arith.constant 0 : index
      %swap3A_57 = vector.load %arg9[%swap3A_55, %swap3A_56] : memref<8x256xf32, #tpu.memory_space<vmem>>, vector<8x256xf32>
      tpu.vector_store %arg9[%swap3A_55, %swap3A_56], %broadcast_in_dim3A_54 {strides = array<i32>} : memref<8x256xf32, #tpu.memory_space<vmem>>, vector<8x256xf32>,
    } else {
    }
    %get3A_45 = arith.constant 0 : index
    %get3A_46 = arith.constant 0 : index
    %get3A_47 = vector.load %arg9[%get3A_45, %get3A_46] : memref<8x256xf32, #tpu.memory_space<vmem>>, vector<1x256xf32>
    %reduce_sum3A = arith.constant dense<0.000000e+00> : vector<256xf32>
    %reduce_sum3A_48 = vector.multi_reduction <add>, %dot_general3A_35, %reduce_sum3A [0] : vector<256x256xf32> to vector<256xf32>
    %broadcast_in_dim3A = vector.shape_cast %reduce_sum3A_48 : vector<256xf32> to vector<1x256xf32>
    %add3A_49 = arith.addf %get3A_47, %broadcast_in_dim3A : vector<1x256xf32>
    %swap3A_50 = arith.constant 0 : index
    %swap3A_51 = arith.constant 0 : index
    %swap3A_52 = vector.load %arg9[%swap3A_50, %swap3A_51] : memref<8x256xf32, #tpu.memory_space<vmem>>, vector<1x256xf32>
    tpu.vector_store %arg9[%swap3A_50, %swap3A_51], %add3A_49 {strides = array<i32>} : memref<8x256xf32, #tpu.memory_space<vmem>>, vector<1x256xf32>,
    return
  }
  func.func @transform_0(%arg0: i32, %arg1: i32) -> (i32, i32, i32) {
    %c0_i32 = arith.constant 0 : i32
    %c0_i32_0 = arith.constant 0 : i32
    return %arg0, %arg1, %c0_i32 : i32, i32, i32
  }
  func.func @transform_1(%arg0: i32, %arg1: i32) -> (i32, i32) {
    %c0_i32 = arith.constant 0 : i32
    %c0_i32_0 = arith.constant 0 : i32
    %c0_i32_1 = arith.constant 0 : i32
    return %c0_i32, %c0_i32_0 : i32, i32
  }
  func.func @transform_2(%arg0: i32, %arg1: i32) -> (i32, i32) {
    %c0_i32 = arith.constant 0 : i32
    %c0_i32_0 = arith.constant 0 : i32
    %c0_i32_1 = arith.constant 0 : i32
    return %c0_i32, %c0_i32_0 : i32, i32
  }
  func.func @transform_3(%arg0: i32, %arg1: i32) -> (i32, i32) {
    %c0_i32 = arith.constant 0 : i32
    %c0_i32_0 = arith.constant 0 : i32
    %c0_i32_1 = arith.constant 0 : i32
    return %c0_i32, %c0_i32_0 : i32, i32
  }
  func.func @transform_4(%arg0: i32, %arg1: i32) -> (i32, i32) {
    %c0_i32 = arith.constant 0 : i32
    %c0_i32_0 = arith.constant 0 : i32
    %c0_i32_1 = arith.constant 0 : i32
    return %c0_i32, %c0_i32_0 : i32, i32
  }
  func.func @transform_5(%arg0: i32, %arg1: i32) -> (i32, i32) {
    %c0_i32 = arith.constant 0 : i32
    %c0_i32_0 = arith.constant 0 : i32
    %c0_i32_1 = arith.constant 0 : i32
    return %c0_i32, %c0_i32_0 : i32, i32
  }
  func.func @transform_6(%arg0: i32, %arg1: i32) -> (i32, i32, i32) {
    %c0_i32 = arith.constant 0 : i32
    %c0_i32_0 = arith.constant 0 : i32
    return %arg0, %arg1, %c0_i32 : i32, i32, i32
  }
  func.func @transform_7(%arg0: i32, %arg1: i32) -> (i32, i32) {
    %c0_i32 = arith.constant 0 : i32
    %c0_i32_0 = arith.constant 0 : i32
    %c0_i32_1 = arith.constant 0 : i32
    return %c0_i32, %c0_i32_0 : i32, i32
  }
}

module attributes {stable_mosaic.version = 14 : i64} {
  func.func @_fin_body(%arg0: i32, %arg1: i32, %arg2: memref<1x1x256x256xf32, #tpu.memory_space<vmem>>, %arg3: memref<8x256xf32, #tpu.memory_space<vmem>>, %arg4: memref<8x256xf32, #tpu.memory_space<vmem>>, %arg5: memref<1x256xf32, #tpu.memory_space<vmem>>, %arg6: memref<1x256xf32, #tpu.memory_space<vmem>>, %arg7: memref<1x256x256xf32, #tpu.memory_space<vmem>>) attributes {dimension_semantics = [#tpu.dimension_semantics<arbitrary>, #tpu.dimension_semantics<arbitrary>], iteration_bounds = array<i64: 8, 4>, scalar_prefetch = 0 : i64, scratch_operands = 0 : i64, tpu.core_type = #tpu.core_type<tc>, window_params = [{transform_indices = @transform_0, window_bounds = array<i64: 1, 1, 256, 256>}, {pipeline_mode = #tpu.pipeline_mode<synchronous>, transform_indices = @transform_1, window_bounds = array<i64: 8, 256>}, {pipeline_mode = #tpu.pipeline_mode<synchronous>, transform_indices = @transform_2, window_bounds = array<i64: 8, 256>}, {pipeline_mode = #tpu.pipeline_mode<synchronous>, transform_indices = @transform_3, window_bounds = array<i64: 1, 256>}, {pipeline_mode = #tpu.pipeline_mode<synchronous>, transform_indices = @transform_4, window_bounds = array<i64: 1, 256>}, {transform_indices = @transform_5, window_bounds = array<i64: 1, 256, 256>}]} {
    %get3A = arith.constant 0 : index
    %get3A_0 = arith.constant 0 : index
    %get3A_1 = arith.constant 0 : index
    %get3A_2 = arith.constant 0 : index
    %get3A_3 = vector.load %arg2[%get3A, %get3A_0, %get3A_1, %get3A_2] : memref<1x1x256x256xf32, #tpu.memory_space<vmem>>, vector<1x1x256x256xf32>
    %get3A_4 = vector.shape_cast %get3A_3 : vector<1x1x256x256xf32> to vector<256x256xf32>
    %get3A_5 = arith.constant 0 : index
    %get3A_6 = arith.constant 0 : index
    %get3A_7 = vector.load %arg3[%get3A_5, %get3A_6] : memref<8x256xf32, #tpu.memory_space<vmem>>, vector<8x256xf32>
    %get3A_8 = arith.constant 0 : index
    %get3A_9 = arith.constant 0 : index
    %get3A_10 = vector.load %arg4[%get3A_8, %get3A_9] : memref<8x256xf32, #tpu.memory_space<vmem>>, vector<8x256xf32>
    %get3A_11 = arith.constant 0 : index
    %get3A_12 = arith.constant 0 : index
    %get3A_13 = vector.load %arg5[%get3A_11, %get3A_12] : memref<1x256xf32, #tpu.memory_space<vmem>>, vector<1x256xf32>
    %get3A_14 = arith.constant 0 : index
    %get3A_15 = arith.constant 0 : index
    %get3A_16 = vector.load %arg6[%get3A_14, %get3A_15] : memref<1x256xf32, #tpu.memory_space<vmem>>, vector<1x256xf32>
    %slice3A = vector.extract_strided_slice %get3A_7 {offsets = [0, 0], sizes = [1, 256], strides = [1, 1]} : vector<8x256xf32> to vector<1x256xf32>
    %div3A = arith.constant 8.192000e+03 : f32
    %div3A_17 = vector.broadcast %div3A : f32 to vector<1x256xf32>
    %div3A_18 = arith.divf %slice3A, %div3A_17 : vector<1x256xf32>
    %slice3A_19 = vector.extract_strided_slice %get3A_10 {offsets = [0, 0], sizes = [1, 256], strides = [1, 1]} : vector<8x256xf32> to vector<1x256xf32>
    %div3A_20 = arith.constant 8.192000e+03 : f32
    %div3A_21 = vector.broadcast %div3A_20 : f32 to vector<1x256xf32>
    %div3A_22 = arith.divf %slice3A_19, %div3A_21 : vector<1x256xf32>
    %sub3A = vector.broadcast %div3A_18 : vector<1x256xf32> to vector<256x256xf32>
    %sub3A_23 = arith.subf %get3A_4, %sub3A : vector<256x256xf32>
    %add3A = arith.constant 9.99999974E-6 : f32
    %add3A_24 = vector.broadcast %add3A : f32 to vector<1x256xf32>
    %add3A_25 = arith.addf %div3A_22, %add3A_24 : vector<1x256xf32>
    %sqrt3A = math.sqrt %add3A_25 : vector<1x256xf32>
    %div3A_26 = vector.broadcast %sqrt3A : vector<1x256xf32> to vector<256x256xf32>
    %div3A_27 = arith.divf %sub3A_23, %div3A_26 : vector<256x256xf32>
    %mul3A = vector.broadcast %get3A_13 : vector<1x256xf32> to vector<256x256xf32>
    %mul3A_28 = arith.mulf %div3A_27, %mul3A : vector<256x256xf32>
    %add3A_29 = vector.broadcast %get3A_16 : vector<1x256xf32> to vector<256x256xf32>
    %add3A_30 = arith.addf %mul3A_28, %add3A_29 : vector<256x256xf32>
    %max3A = arith.constant 0.000000e+00 : f32
    %max3A_31 = vector.broadcast %max3A : f32 to vector<256x256xf32>
    %max3A_32 = arith.maximumf %add3A_30, %max3A_31 : vector<256x256xf32>
    %swap3A = arith.constant 0 : index
    %swap3A_33 = arith.constant 0 : index
    %swap3A_34 = arith.constant 0 : index
    %swap3A_35 = vector.load %arg7[%swap3A, %swap3A_33, %swap3A_34] : memref<1x256x256xf32, #tpu.memory_space<vmem>>, vector<1x256x256xf32>
    %swap3A_36 = vector.shape_cast %swap3A_35 : vector<1x256x256xf32> to vector<256x256xf32>
    %swap3A_37 = vector.shape_cast %max3A_32 : vector<256x256xf32> to vector<1x256x256xf32>
    tpu.vector_store %arg7[%swap3A, %swap3A_33, %swap3A_34], %swap3A_37 {strides = array<i32>} : memref<1x256x256xf32, #tpu.memory_space<vmem>>, vector<1x256x256xf32>,
    return
  }
  func.func @transform_0(%arg0: i32, %arg1: i32) -> (i32, i32, i32, i32) {
    %c0_i32 = arith.constant 0 : i32
    %c0_i32_0 = arith.constant 0 : i32
    %c0_i32_1 = arith.constant 0 : i32
    return %arg0, %c0_i32, %arg1, %c0_i32_0 : i32, i32, i32, i32
  }
  func.func @transform_1(%arg0: i32, %arg1: i32) -> (i32, i32) {
    %c0_i32 = arith.constant 0 : i32
    %c0_i32_0 = arith.constant 0 : i32
    %c0_i32_1 = arith.constant 0 : i32
    return %c0_i32, %c0_i32_0 : i32, i32
  }
  func.func @transform_2(%arg0: i32, %arg1: i32) -> (i32, i32) {
    %c0_i32 = arith.constant 0 : i32
    %c0_i32_0 = arith.constant 0 : i32
    %c0_i32_1 = arith.constant 0 : i32
    return %c0_i32, %c0_i32_0 : i32, i32
  }
  func.func @transform_3(%arg0: i32, %arg1: i32) -> (i32, i32) {
    %c0_i32 = arith.constant 0 : i32
    %c0_i32_0 = arith.constant 0 : i32
    %c0_i32_1 = arith.constant 0 : i32
    return %c0_i32, %c0_i32_0 : i32, i32
  }
  func.func @transform_4(%arg0: i32, %arg1: i32) -> (i32, i32) {
    %c0_i32 = arith.constant 0 : i32
    %c0_i32_0 = arith.constant 0 : i32
    %c0_i32_1 = arith.constant 0 : i32
    return %c0_i32, %c0_i32_0 : i32, i32
  }
  func.func @transform_5(%arg0: i32, %arg1: i32) -> (i32, i32, i32) {
    %c0_i32 = arith.constant 0 : i32
    %c0_i32_0 = arith.constant 0 : i32
    return %arg0, %arg1, %c0_i32 : i32, i32, i32
  }
}

</mosaic_0001>

<sc_bundles>
// kernel: kernel.33.cloned.1.call-start
scs
__scs_entry_jumppad:
0x0: {  	(pc) =	sbr.rel $0x88, $3  }
0x1: {  	(tag) =	ssettag $0x0;
	lr =	simm.s32 $0x1  }
0x2: {  	[smem:$0x3F6A] =	sst lr;
	_ =	strace $0xD0000000  }
0x3: {  	_ = 	snop  }
0x4: {  	_ = 	snop  }
0x5: {  	_ = 	snop  }
0x6: {  	_ = 	snop  }
0x7: {  	_ = 	snop  }
__scs_overlays_trampoline_lowered:
0x8: {  	[smem:$0x3F79] =	sst s0  }
0x9: {  	[smem:$0x3F7A] =	sst s1  }
0xa: {  	[smem:$0x3F7B] =	sst s2  }
0xb: {  	[smem:$0x3F7C] =	sst s3  }
0xc: {  	[smem:$0x3F7D] =	sst s4  }
0xd: {  	[smem:$0x3F7E] =	sst s5  }
0xe: {  	[smem:$0x3F7F] =	sst s6  }
0xf: {  	[smem:$0x3F80] =	sst s7  }
0x10: {  	[smem:$0x3F81] =	sst s8  }
0x11: {  	[smem:$0x3F82] =	sst s9;
	s0 =	simm.s32 @!p0 $0x0  }
0x12: {  	s1 =	sld [smem:$0x3F68];
	s0 =	simm.s32 @p0 $0x1  }
0x13: {  	[smem:$0x3F83] =	sst s0;
	s0 =	simm.s32 @!p1 $0x0  }
0x14: {  	s2 =	sld [smem:$0x3F67];
	s0 =	simm.s32 @p1 $0x1  }
0x15: {  	[smem:$0x3F84] =	sst s0;
	s0 =	simm.s32 @!p2 $0x0  }
0x16: {  	s3 =	sld [smem:$0x3FDB];
	s0 =	simm.s32 @p2 $0x1  }
0x17: {  	s4 =	simm.s32 $0x1BF5;
	[smem:$0x3F86] =	sst s0  }
0x18: {  	s0 =	sld [smem:$0x3F69];
	_ =	swait.ge [sflag:s4], $0x0  }
0x19: {  	s7 =	sld [smem:$0x3F6A]  }
0x1a: {  	s8 =	sadd.s32 $0xFFFFE003, lr  }
0x1b: {  	s9 =	sadd.s32 $0xFFFFFEF7, lr;
	s5 =	simm.s32 $0xFFFFFFFF;
	p2 =	slt.u32 s8, $0xFFFFF086  }
0x1c: {  	p1 =	slt.u32 s9, $0xF7A;
	s5 =	simm.s32 @!p2 $0x0  }
0x1d: {  	s5 =	simm.s32 @p1 $0x1;
	p0 =	seq.s32 s7, s2  }
0x1e: {  	s7 =	smul.u32 @!p0 $0xF7A, s2;
	p2 =	seq.s32 @!p0 s5, $0x0  }
0x1f: {  	s9 =	smul.u32 $0xF7A, s1;
	s8 =	simm.s32 @!p0 $0x1BF5;
	p2 =	por !p2, p0  }
0x20: {  	[sflag:s8] =	ssyncset.s32 @!p0 $0xFFFFF086;
	s6 =	sadd.s32 @!p0 s3, s7;
	s7 =	simm.s32 @!p0 $0x108  }
0x21: {  	s3 =	sadd.s32 s3, s9;
	s6 =	sadd.s32 @!p0 $0x88, s6;
	s7 =	simm.s32 @p2 $0x1082  }
0x22: {  	[simem:s7], [sflag:s8] =	dma.local @!p0 [hbm:s6], $0xF7A  }
0x23: {  	s9 =	sor.u32 $0xD0000000, s2;
	s6 =	simm.s32 $0x108;
	_ =	swait.ge @!p0 [sflag:s8], $0x0  }
0x24: {  	s3 =	sadd.s32 $0x88, s3;
	s6 =	simm.s32 @!p1 $0x1082;
	[sflag:s4] =	ssyncset.s32 $0xFFFFF086  }
0x25: {  	[simem:s6], [sflag:s4] =	dma.local [hbm:s3], $0xF7A  }
0x26: {  	[smem:$0x3F6A] =	sst s1;
	(tag) =	ssettag s2;
	_ =	strace s9  }
0x27: {  	s1 =	sld [smem:$0x3F7A]  }
0x28: {  	s2 =	sld [smem:$0x3F7B]  }
0x29: {  	s4 =	sld [smem:$0x3F7D]  }
0x2a: {  	p0 =	seq.s32 s5, $0x0;
	s5 =	sld [smem:$0x3F7E]  }
0x2b: {  	s6 =	sld [smem:$0x3F7F]  }
0x2c: {  	s7 =	sld [smem:$0x3F80]  }
0x2d: {  	s3 =	simm.s32 $0x108;
	s8 =	sld [smem:$0x3F81]  }
0x2e: {  	s3 =	simm.s32 @!p0 $0x1082;
	s9 =	sld [smem:$0x3F82]  }
0x2f: {  	lr =	sadd.s32 s0, s3;
	s0 =	sld [smem:$0x3F79]  }
0x30: {  	s3 =	sld [smem:$0x3F7C]  }
0x31: {  	[smem:$0x3F85] =	sst s10  }
0x32: {  	s10 =	sld [smem:$0x3F83];
	_ =	sdelay $0x3  }
0x33: {  	p0 =	seq.s32 s10, $0x1;
	s10 =	sld [smem:$0x3F85];
	_ =	sdelay $0x3  }
0x34: {  	[smem:$0x3F85] =	sst s10  }
0x35: {  	s10 =	sld [smem:$0x3F84];
	_ =	sdelay $0x3  }
0x36: {  	p1 =	seq.s32 s10, $0x1;
	s10 =	sld [smem:$0x3F85];
	_ =	sdelay $0x3  }
0x37: {  	[smem:$0x3F85] =	sst s10  }
0x38: {  	s10 =	sld [smem:$0x3F86]  }
0x39: {  	_ = 	snop;
	(pc) =	sbr.ind lr, $3  }
0x3a: {  	_ = 	snop  }
0x3b: {  	_ = 	snop  }
0x3c: {  	p2 =	seq.s32 s10, $0x1;
	s10 =	sld [smem:$0x3F85]  }
0x3d: {  	_ =	shalt  }
0x3e: {  	_ =	shalt  }
0x3f: {  	_ =	shalt  }
0x40: {  	_ =	shalt  }
0x41: {  	_ =	shalt  }
0x42: {  	_ =	shalt  }
0x43: {  	_ =	shalt  }
0x44: {  	_ =	shalt  }
0x45: {  	_ =	shalt  }
0x46: {  	_ =	shalt  }
0x47: {  	_ =	shalt  }
0x48: {  	_ =	shalt  }
0x49: {  	_ =	shalt  }
0x4a: {  	_ =	shalt  }
0x4b: {  	_ =	shalt  }
0x4c: {  	_ =	shalt  }
0x4d: {  	_ =	shalt  }
0x4e: {  	_ =	shalt  }
0x4f: {  	_ =	shalt  }
0x50: {  	_ =	shalt  }
0x51: {  	_ =	shalt  }
0x52: {  	_ =	shalt  }
0x53: {  	_ =	shalt  }
0x54: {  	_ =	shalt  }
0x55: {  	_ =	shalt  }
0x56: {  	_ =	shalt  }
0x57: {  	_ =	shalt  }
0x58: {  	_ =	shalt  }
0x59: {  	_ =	shalt  }
0x5a: {  	_ =	shalt  }
0x5b: {  	_ =	shalt  }
0x5c: {  	_ =	shalt  }
0x5d: {  	_ =	shalt  }
0x5e: {  	_ =	shalt  }
0x5f: {  	_ =	shalt  }
0x60: {  	_ =	shalt  }
0x61: {  	_ =	shalt  }
0x62: {  	_ =	shalt  }
0x63: {  	_ =	shalt  }
0x64: {  	_ =	shalt  }
0x65: {  	_ =	shalt  }
0x66: {  	_ =	shalt  }
0x67: {  	_ =	shalt  }
0x68: {  	_ =	shalt  }
0x69: {  	_ =	shalt  }
0x6a: {  	_ =	shalt  }
0x6b: {  	_ =	shalt  }
0x6c: {  	_ =	shalt  }
0x6d: {  	_ =	shalt  }
0x6e: {  	_ =	shalt  }
0x6f: {  	_ =	shalt  }
0x70: {  	_ =	shalt  }
0x71: {  	_ =	shalt  }
0x72: {  	_ =	shalt  }
0x73: {  	_ =	shalt  }
0x74: {  	_ =	shalt  }
0x75: {  	_ =	shalt  }
0x76: {  	_ =	shalt  }
0x77: {  	_ =	shalt  }
0x78: {  	_ =	shalt  }
0x79: {  	_ =	shalt  }
0x7a: {  	_ =	shalt  }
0x7b: {  	_ =	shalt  }
0x7c: {  	_ =	shalt  }
0x7d: {  	_ =	shalt  }
0x7e: {  	_ =	shalt  }
0x7f: {  	_ =	shalt  }
0x80: {  	_ =	shalt  }
0x81: {  	_ =	shalt  }
0x82: {  	_ =	shalt  }
0x83: {  	_ =	shalt  }
0x84: {  	_ =	shalt  }
0x85: {  	_ =	shalt  }
0x86: {  	_ =	shalt  }
0x87: {  	_ =	shalt  }
.Lfunc_end0:
.L_simem_size_0:
called_computation_lowered:
.L_overlay_start_0:
0x88: {  	s2 =	sld [smem:$0x3FD9]  }
0x89: {  	s3 =	sld [smem:$0x3FFE];
	_ =	sdelay $0x1  }
0x8a: {  	s1 =	srdreg.scid  }
0x8b: {  	s0 =	sand.u32 $0x1, s1  }
0x8c: {  	s16 =	sshll.u32 s0, $0xA;
	s2 =	sadd.s32 s3, s2  }
0x8d: {  	s2 =	sadd.s32 s2, s16  }
0x8e: {  	[smem:$0x3F91] =	sst s2  }
0x8f: {  	_ = 	snop  }
0x90: {  	(tm) =	ssettm $0x1  }
0x91: {  	s17 =	sld [smem:$0x3FFB];
	_ =	sdelay $0x3  }
0x92: {  	_ =	strace s17  }
0x93: {  	s2 =	sld [smem:$0x3FFC];
	_ =	sdelay $0x3  }
0x94: {  	_ =	strace s2  }
0x95: {  	s2 =	sld [smem:$0x3FFD];
	_ =	sdelay $0x3  }
0x96: {  	_ =	strace s2  }
0x97: {  	_ =	strace $0x8FFFFFFF  }
0x98: {  	s18 =	sld [smem:$0x3FDB];
	_ =	sdelay $0x1  }
0x99: {  	s19 =	simm.s32 $_scs_section_size  }
0x9a: {  	s4 =	simm.s32 $_size__tile_overlayer_lowered;
	s5 =	simm.s32 $_tile_overlayer_lowered  }
0x9b: {  	s22 =	simm.s32 $0x1BFF;
	s21 =	sshll.u32 s5, $0x1;
	s2 =	sadd.s32 s19, s18  }
0x9c: {  	s6 =	simm.s32 $0x0;
	s20 =	sshll.u32 s4, $0x1;
	s4 =	sadd.s32 s21, s2  }
0x9d: {  	[timem:s6], [sflag:s22] =	dma.local [hbm:s4], s20  }
0x9e: {  	_ =	swait.ge [sflag:s22], s20  }
0x9f: {  	s3 =	ssub.s32 $0x0, s20;
	[sflag:s22] =	ssyncset.done $0x0  }
0xa0: {  	[sflag:s22] =	ssyncadd.s32 s3;
	_ =	sdelay $0x1  }
0xa1: {  	s23 =	simm.s32 $0x1B8B  }
0xa2: {  	_ =	swait.ge [sflag:s23], $0x1  }
0xa3: {  	[sflag:s23] =	ssyncset.done $0x0  }
0xa4: {  	s25 =	simm.s32 $0x1B8E;
	s24 =	sld [smem:$0x3FFE];
	[sflag:s23] =	ssyncadd.s32 $0xFFFFFFFF  }
0xa5: {  	s26 =	simm.s32 $execute0_lowered;
	[smem:$0x3FD2] =	sst s25  }
0xa6: {  	s4 =	sshll.u32 s26, $0x1;
	_ =	strace $0x80000046;
	[dreg:$0x1] =	wrdreg $0xFFFFFFFF  }
0xa7: {  	s28 =	simm.s32 $_size_execute0_lowered;
	s2 =	sadd.s32 s2, s4;
	[dreg:$0x0] =	wrdreg $0x0  }
0xa8: {  	s4 =	sshll.u32 s28, $0x1;
	[dreg:$0x2] =	wrdreg s2  }
0xa9: {  	[dreg:$0x3] =	wrdreg s4  }
0xaa: {  	[dreg:$0x4] =	wrdreg $0xC0  }
0xab: {  	_ =	task [dreg:s6], $0x5FFFF  }
0xac: {  	[dreg:$0x1] =	wrdreg $0xFFFFFFFF  }
0xad: {  	[dreg:$0x0] =	wrdreg $0x60  }
0xae: {  	[dreg:$0x2] =	wrdreg s24  }
0xaf: {  	[dreg:$0x3] =	wrdreg $0x9  }
0xb0: {  	_ =	task.clear_ibuf [dreg:s6], $0x4FFFF;
	_ =	strace $0x90000046  }
0xb1: {  	s29 =	simm.s32 $0x9;
	_ =	strace $0x80000048  }
0xb2: {  	_ =	swait.ge [sflag:s29], $0x1  }
0xb3: {  	[sflag:s29] =	ssyncadd.s32 $0xFFFFFFFF  }
0xb4: {  	_ =	strace $0x90000048  }
0xb5: {  	_ =	sfence  }
0xb6: {  	s30 =	sld [smem:$0x0];
	_ =	sdelay $0x2  }
0xb7: {  	s31 =	sshll.u32 s1, $0xD;
	s1 =	sshrl.u32 s1, $0x2  }
0xb8: {  	s3 =	sand.u32 $0x4000, s31;
	s1 =	sadd.s32 s1, s30  }
0xb9: {  	s0 =	sor.u32 s3, s0;
	s1 =	sshll.u32 s1, $0x11  }
0xba: {  	s0 =	sor.u32 s1, s0  }
0xbb: {  	s0 =	sadd.s32 $0x8F2B, s0  }
0xbc: {  	[sflag:s0] =	ssyncadd.remote.s32 $0x1  }
0xbd: {  	_ =	sfence.sel $0xFFFF  }
0xbe: {  	[dreg:$0x0] =	wrdreg $0xFFFFFFFF;
	(pc) =	sbr.abs _section_cstart, $3  }
0xbf: {  	[dreg:$0x1] =	wrdreg $0xFFFFFFFF  }
0xc0: {  	_ =	task.clear_ibuf [dreg:s6], $0x2FFFF;
	_ =	strace $0x9FFFFFFF  }
0xc1: {  	(tm) =	ssettm $0x7FFFFFFF  }
tec
execute0_lowered:
.L_overlay_start_1:
0x0: {  	(tag) =	ssettag $0x1  }
0x1: {  	s1 =	srdreg.scid  }
0x2: {  	s0 =	stileid.u32;
	s6 =	sand.u32 $0x1, s1  }
0x3: {  	s8 =	rddreg [dreg:$0x0];
	s30 =	sshll.u32 s0, $0x5;
	s2 =	sshll.u32 s6, $0x4  }
0x4: {  	s7 =	simm.s32 $0x1;
	s1 =	rddreg [dreg:$0x1];
	s9 =	sor.u32 s2, s30  }
0x5: {  	s5 =	sadd.s32 $0x125000, s8;
	s2 =	simm.s32 $0x0;
	s3 =	sshrl.u32 s9, $0x3  }
0x6: {  	s10 =	ssub.s32 $0x2, s6;
	[smem:$0x7FF] =	sst s2;
	s3 =	sadd.s32 s3, s8  }
0x7: {  	_ =	strace $0x80000047;
	s4 =	sadd.s32 $0x135000, s3;
	s3 =	simm.s32 $0x2  }
0x8: {  	[tilespmem:s2], [sflag:$0x2] =	stream.linear.gather [hbm4b:s4+s2], $0x10, $0x38;
	[tilespmem:$0x4010] =	vst v63  }
0x9: {  	s6 =	simm.s32 $0x10;
	s11 =	sshrl.u32 s10, $0x1;
	_ =	swait.ge [sflag:s3], $0x10  }
0xa: {  	s9 =	sshll.u32 s9, $0x7;
	s31 =	ssub.s32 s10, s11;
	[sflag:s3] =	ssyncset.done $0x0  }
0xb: {  	s8 =	sadd.s32 s9, s8;
	s9 =	smax.u32 s31, $0x1;
	[sflag:s3] =	ssyncadd.s32 $0xFFFFFFF0  }
0xc: {  	[tilespmem:s6], [sflag:$0x1] =	stream.indirect.gather [hbm4b:s5+s6], $0x400, s2, s6, $0xb8;
	[tilespmem:$0x4010] =	vst v63  }
0xd: {  	p0 =	sne.s32 s9, $0x1;
	_ =	swait.ge [sflag:s7], $0x4000  }
.Ltmp0:
0xe: {  	[sflag:s7] =	ssyncset.done $0x0;
	(pc) =	sbr.rel @!p0 .LBB2_2-.Ltmp0, $4  }
0xf: {  	s8 =	sadd.s32 $0x135200, s8;
	[sflag:s7] =	ssyncadd.s32 $0xFFFFC000  }
0x10: {  	[hbm4b:s8+s2] =	stream.linear.scatter [tilespmem:s6], [sflag:$0x2], $0x4000, $0x38;
	[tilespmem:$0x4010] =	vst v63  }
0x11: {  	_ =	swait.ge [sflag:s3], $0x4000  }
0x12: {  	s9 =	sadd.s32 $0xFFFFFFFF, s9;
	[sflag:s3] =	ssyncset.done $0x0  }
.LBB2_1:
0x13: {  	p0 =	sne.s32 s9, $0x1;
	s9 =	sadd.s32 $0xFFFFFFFF, s9;
	[sflag:s3] =	ssyncadd.s32 $0xFFFFC000  }
0x14: {  	[tilespmem:s2], [sflag:$0x2] =	stream.linear.gather [hbm4b:s4+s2], $0x10, $0x38;
	[tilespmem:$0x4010] =	vst v63  }
0x15: {  	_ =	swait.ge [sflag:s3], $0x10  }
0x16: {  	[sflag:s3] =	ssyncset.done $0x0  }
0x17: {  	[sflag:s3] =	ssyncadd.s32 $0xFFFFFFF0  }
0x18: {  	[tilespmem:s6], [sflag:$0x1] =	stream.indirect.gather [hbm4b:s5+s6], $0x400, s2, s6, $0xb8;
	[tilespmem:$0x4010] =	vst v63  }
0x19: {  	_ =	swait.ge [sflag:s7], $0x4000  }
.Ltmp1:
0x1a: {  	[sflag:s7] =	ssyncset.done $0x0;
	(pc) =	sbr.rel @p0 .LBB2_1-.Ltmp1, $4  }
0x1b: {  	[sflag:s7] =	ssyncadd.s32 $0xFFFFC000  }
0x1c: {  	[hbm4b:s8+s2] =	stream.linear.scatter [tilespmem:s6], [sflag:$0x2], $0x4000, $0x38;
	[tilespmem:$0x4010] =	vst v63  }
0x1d: {  	_ =	swait.ge [sflag:s3], $0x4000  }
0x1e: {  	[sflag:s3] =	ssyncset.done $0x0  }
.LBB2_2:
0x1f: {  	[sflag:s3] =	ssyncadd.s32 $0xFFFFC000  }
0x20: {  	_ =	sfence.sel $0x180000  }
0x21: {  	[bflag:$0x0] =	sbarrier.arrive $0xFFFF  }
0x22: {  	p0 =	sne.s32 s0, $0x0;
	_ =	strace $0x90000047  }
0x23: {  	s0 =	sadd.s32 @!p0 $0x100000, s1;
	[bflag:$0x2] =	sbarrier.arrive $0xFFFF  }
0x24: {  	[sflag:s0] =	ssyncadd.tile.s32 @!p0 $0x1;
	_ =	shalt  }
.Lfunc_end2:
_tile_overlayer_lowered:
.L_overlay_start_2:
0x25: {  	(tag) =	ssettag $0x2  }
0x26: {  	s0 =	rddreg [dreg:$0x0];
	s2 =	stileid.u32  }
0x27: {  	s1 =	rddreg [dreg:$0x1];
	p0 =	sne.s32 s2, $0x0  }
0x28: {  	s3 =	rddreg [dreg:$0x2];
	[bflag:$0x3] =	sbarrier.arrive $0xFFFF;
	s2 =	simm.s32 @!p0 $0x1C02  }
0x29: {  	[timem:s3], [sflag:s2] =	dma.local @!p0 [hbm:s0], s1  }
0x2a: {  	s0 =	simm.s32 @!p0 $0x2  }
0x2b: {  	_ =	swait.ge @!p0 [sflag:s0], s1  }
0x2c: {  	s1 =	ssub.s32 @!p0 $0x0, s1;
	[sflag:s0] =	ssyncset.done @!p0 $0x0  }
0x2d: {  	[sflag:s0] =	ssyncadd.s32 @!p0 s1  }
0x2e: {  	[bflag:$0x3] =	sbarrier.arrive $0xFFFF  }
0x2f: {  	_ =	shalt  }

// kernel: kernel.36.cloned.1.call-start
scs
__scs_entry_jumppad:
0x0: {  	(pc) =	sbr.rel $0x88, $3  }
0x1: {  	(tag) =	ssettag $0x0;
	lr =	simm.s32 $0x1  }
0x2: {  	[smem:$0x3F6A] =	sst lr;
	_ =	strace $0xD0000000  }
0x3: {  	_ = 	snop  }
0x4: {  	_ = 	snop  }
0x5: {  	_ = 	snop  }
0x6: {  	_ = 	snop  }
0x7: {  	_ = 	snop  }
__scs_overlays_trampoline_lowered:
0x8: {  	[smem:$0x3F79] =	sst s0  }
0x9: {  	[smem:$0x3F7A] =	sst s1  }
0xa: {  	[smem:$0x3F7B] =	sst s2  }
0xb: {  	[smem:$0x3F7C] =	sst s3  }
0xc: {  	[smem:$0x3F7D] =	sst s4  }
0xd: {  	[smem:$0x3F7E] =	sst s5  }
0xe: {  	[smem:$0x3F7F] =	sst s6  }
0xf: {  	[smem:$0x3F80] =	sst s7  }
0x10: {  	[smem:$0x3F81] =	sst s8  }
0x11: {  	[smem:$0x3F82] =	sst s9;
	s0 =	simm.s32 @!p0 $0x0  }
0x12: {  	s1 =	sld [smem:$0x3F68];
	s0 =	simm.s32 @p0 $0x1  }
0x13: {  	[smem:$0x3F83] =	sst s0;
	s0 =	simm.s32 @!p1 $0x0  }
0x14: {  	s2 =	sld [smem:$0x3F67];
	s0 =	simm.s32 @p1 $0x1  }
0x15: {  	[smem:$0x3F84] =	sst s0;
	s0 =	simm.s32 @!p2 $0x0  }
0x16: {  	s3 =	sld [smem:$0x3FDB];
	s0 =	simm.s32 @p2 $0x1  }
0x17: {  	s4 =	simm.s32 $0x1BF5;
	[smem:$0x3F86] =	sst s0  }
0x18: {  	s0 =	sld [smem:$0x3F69];
	_ =	swait.ge [sflag:s4], $0x0  }
0x19: {  	s7 =	sld [smem:$0x3F6A]  }
0x1a: {  	s8 =	sadd.s32 $0xFFFFE003, lr  }
0x1b: {  	s9 =	sadd.s32 $0xFFFFFEF7, lr;
	s5 =	simm.s32 $0xFFFFFFFF;
	p2 =	slt.u32 s8, $0xFFFFF086  }
0x1c: {  	p1 =	slt.u32 s9, $0xF7A;
	s5 =	simm.s32 @!p2 $0x0  }
0x1d: {  	s5 =	simm.s32 @p1 $0x1;
	p0 =	seq.s32 s7, s2  }
0x1e: {  	s7 =	smul.u32 @!p0 $0xF7A, s2;
	p2 =	seq.s32 @!p0 s5, $0x0  }
0x1f: {  	s9 =	smul.u32 $0xF7A, s1;
	s8 =	simm.s32 @!p0 $0x1BF5;
	p2 =	por !p2, p0  }
0x20: {  	[sflag:s8] =	ssyncset.s32 @!p0 $0xFFFFF086;
	s6 =	sadd.s32 @!p0 s3, s7;
	s7 =	simm.s32 @!p0 $0x108  }
0x21: {  	s3 =	sadd.s32 s3, s9;
	s6 =	sadd.s32 @!p0 $0x88, s6;
	s7 =	simm.s32 @p2 $0x1082  }
0x22: {  	[simem:s7], [sflag:s8] =	dma.local @!p0 [hbm:s6], $0xF7A  }
0x23: {  	s9 =	sor.u32 $0xD0000000, s2;
	s6 =	simm.s32 $0x108;
	_ =	swait.ge @!p0 [sflag:s8], $0x0  }
0x24: {  	s3 =	sadd.s32 $0x88, s3;
	s6 =	simm.s32 @!p1 $0x1082;
	[sflag:s4] =	ssyncset.s32 $0xFFFFF086  }
0x25: {  	[simem:s6], [sflag:s4] =	dma.local [hbm:s3], $0xF7A  }
0x26: {  	[smem:$0x3F6A] =	sst s1;
	(tag) =	ssettag s2;
	_ =	strace s9  }
0x27: {  	s1 =	sld [smem:$0x3F7A]  }
0x28: {  	s2 =	sld [smem:$0x3F7B]  }
0x29: {  	s4 =	sld [smem:$0x3F7D]  }
0x2a: {  	p0 =	seq.s32 s5, $0x0;
	s5 =	sld [smem:$0x3F7E]  }
0x2b: {  	s6 =	sld [smem:$0x3F7F]  }
0x2c: {  	s7 =	sld [smem:$0x3F80]  }
0x2d: {  	s3 =	simm.s32 $0x108;
	s8 =	sld [smem:$0x3F81]  }
0x2e: {  	s3 =	simm.s32 @!p0 $0x1082;
	s9 =	sld [smem:$0x3F82]  }
0x2f: {  	lr =	sadd.s32 s0, s3;
	s0 =	sld [smem:$0x3F79]  }
0x30: {  	s3 =	sld [smem:$0x3F7C]  }
0x31: {  	[smem:$0x3F85] =	sst s10  }
0x32: {  	s10 =	sld [smem:$0x3F83];
	_ =	sdelay $0x3  }
0x33: {  	p0 =	seq.s32 s10, $0x1;
	s10 =	sld [smem:$0x3F85];
	_ =	sdelay $0x3  }
0x34: {  	[smem:$0x3F85] =	sst s10  }
0x35: {  	s10 =	sld [smem:$0x3F84];
	_ =	sdelay $0x3  }
0x36: {  	p1 =	seq.s32 s10, $0x1;
	s10 =	sld [smem:$0x3F85];
	_ =	sdelay $0x3  }
0x37: {  	[smem:$0x3F85] =	sst s10  }
0x38: {  	s10 =	sld [smem:$0x3F86]  }
0x39: {  	_ = 	snop;
	(pc) =	sbr.ind lr, $3  }
0x3a: {  	_ = 	snop  }
0x3b: {  	_ = 	snop  }
0x3c: {  	p2 =	seq.s32 s10, $0x1;
	s10 =	sld [smem:$0x3F85]  }
0x3d: {  	_ =	shalt  }
0x3e: {  	_ =	shalt  }
0x3f: {  	_ =	shalt  }
0x40: {  	_ =	shalt  }
0x41: {  	_ =	shalt  }
0x42: {  	_ =	shalt  }
0x43: {  	_ =	shalt  }
0x44: {  	_ =	shalt  }
0x45: {  	_ =	shalt  }
0x46: {  	_ =	shalt  }
0x47: {  	_ =	shalt  }
0x48: {  	_ =	shalt  }
0x49: {  	_ =	shalt  }
0x4a: {  	_ =	shalt  }
0x4b: {  	_ =	shalt  }
0x4c: {  	_ =	shalt  }
0x4d: {  	_ =	shalt  }
0x4e: {  	_ =	shalt  }
0x4f: {  	_ =	shalt  }
0x50: {  	_ =	shalt  }
0x51: {  	_ =	shalt  }
0x52: {  	_ =	shalt  }
0x53: {  	_ =	shalt  }
0x54: {  	_ =	shalt  }
0x55: {  	_ =	shalt  }
0x56: {  	_ =	shalt  }
0x57: {  	_ =	shalt  }
0x58: {  	_ =	shalt  }
0x59: {  	_ =	shalt  }
0x5a: {  	_ =	shalt  }
0x5b: {  	_ =	shalt  }
0x5c: {  	_ =	shalt  }
0x5d: {  	_ =	shalt  }
0x5e: {  	_ =	shalt  }
0x5f: {  	_ =	shalt  }
0x60: {  	_ =	shalt  }
0x61: {  	_ =	shalt  }
0x62: {  	_ =	shalt  }
0x63: {  	_ =	shalt  }
0x64: {  	_ =	shalt  }
0x65: {  	_ =	shalt  }
0x66: {  	_ =	shalt  }
0x67: {  	_ =	shalt  }
0x68: {  	_ =	shalt  }
0x69: {  	_ =	shalt  }
0x6a: {  	_ =	shalt  }
0x6b: {  	_ =	shalt  }
0x6c: {  	_ =	shalt  }
0x6d: {  	_ =	shalt  }
0x6e: {  	_ =	shalt  }
0x6f: {  	_ =	shalt  }
0x70: {  	_ =	shalt  }
0x71: {  	_ =	shalt  }
0x72: {  	_ =	shalt  }
0x73: {  	_ =	shalt  }
0x74: {  	_ =	shalt  }
0x75: {  	_ =	shalt  }
0x76: {  	_ =	shalt  }
0x77: {  	_ =	shalt  }
0x78: {  	_ =	shalt  }
0x79: {  	_ =	shalt  }
0x7a: {  	_ =	shalt  }
0x7b: {  	_ =	shalt  }
0x7c: {  	_ =	shalt  }
0x7d: {  	_ =	shalt  }
0x7e: {  	_ =	shalt  }
0x7f: {  	_ =	shalt  }
0x80: {  	_ =	shalt  }
0x81: {  	_ =	shalt  }
0x82: {  	_ =	shalt  }
0x83: {  	_ =	shalt  }
0x84: {  	_ =	shalt  }
0x85: {  	_ =	shalt  }
0x86: {  	_ =	shalt  }
0x87: {  	_ =	shalt  }
.Lfunc_end0:
.L_simem_size_0:
called_computation.1_lowered:
.L_overlay_start_0:
0x88: {  	s2 =	sld [smem:$0x3FD9]  }
0x89: {  	s3 =	sld [smem:$0x3FFE];
	_ =	sdelay $0x1  }
0x8a: {  	s1 =	srdreg.scid  }
0x8b: {  	s0 =	sand.u32 $0x1, s1  }
0x8c: {  	s16 =	sshll.u32 s0, $0xA;
	s2 =	sadd.s32 s3, s2  }
0x8d: {  	s2 =	sadd.s32 s2, s16  }
0x8e: {  	[smem:$0x3F91] =	sst s2  }
0x8f: {  	_ = 	snop  }
0x90: {  	(tm) =	ssettm $0x1  }
0x91: {  	s17 =	sld [smem:$0x3FFB];
	_ =	sdelay $0x3  }
0x92: {  	_ =	strace s17  }
0x93: {  	s2 =	sld [smem:$0x3FFC];
	_ =	sdelay $0x3  }
0x94: {  	_ =	strace s2  }
0x95: {  	s2 =	sld [smem:$0x3FFD];
	_ =	sdelay $0x3  }
0x96: {  	_ =	strace s2  }
0x97: {  	_ =	strace $0x8FFFFFFF  }
0x98: {  	s18 =	sld [smem:$0x3FDB];
	_ =	sdelay $0x1  }
0x99: {  	s19 =	simm.s32 $_scs_section_size  }
0x9a: {  	s4 =	simm.s32 $_size__tile_overlayer_lowered;
	s5 =	simm.s32 $_tile_overlayer_lowered  }
0x9b: {  	s22 =	simm.s32 $0x1BFF;
	s21 =	sshll.u32 s5, $0x1;
	s2 =	sadd.s32 s19, s18  }
0x9c: {  	s6 =	simm.s32 $0x0;
	s20 =	sshll.u32 s4, $0x1;
	s4 =	sadd.s32 s21, s2  }
0x9d: {  	[timem:s6], [sflag:s22] =	dma.local [hbm:s4], s20  }
0x9e: {  	_ =	swait.ge [sflag:s22], s20  }
0x9f: {  	s3 =	ssub.s32 $0x0, s20;
	[sflag:s22] =	ssyncset.done $0x0  }
0xa0: {  	[sflag:s22] =	ssyncadd.s32 s3;
	_ =	sdelay $0x1  }
0xa1: {  	s23 =	simm.s32 $0x1B8B  }
0xa2: {  	_ =	swait.ge [sflag:s23], $0x1  }
0xa3: {  	[sflag:s23] =	ssyncset.done $0x0  }
0xa4: {  	s25 =	simm.s32 $0x1B8E;
	s24 =	sld [smem:$0x3FFE];
	[sflag:s23] =	ssyncadd.s32 $0xFFFFFFFF  }
0xa5: {  	s26 =	simm.s32 $execute0_lowered;
	[smem:$0x3FD2] =	sst s25  }
0xa6: {  	s4 =	sshll.u32 s26, $0x1;
	_ =	strace $0x80000049;
	[dreg:$0x1] =	wrdreg $0xFFFFFFFF  }
0xa7: {  	s28 =	simm.s32 $_size_execute0_lowered;
	s2 =	sadd.s32 s2, s4;
	[dreg:$0x0] =	wrdreg $0x0  }
0xa8: {  	s4 =	sshll.u32 s28, $0x1;
	[dreg:$0x2] =	wrdreg s2  }
0xa9: {  	[dreg:$0x3] =	wrdreg s4  }
0xaa: {  	[dreg:$0x4] =	wrdreg $0xC0  }
0xab: {  	_ =	task [dreg:s6], $0x5FFFF  }
0xac: {  	[dreg:$0x1] =	wrdreg $0xFFFFFFFF  }
0xad: {  	[dreg:$0x0] =	wrdreg $0x60  }
0xae: {  	[dreg:$0x2] =	wrdreg s24  }
0xaf: {  	[dreg:$0x3] =	wrdreg $0x9  }
0xb0: {  	_ =	task.clear_ibuf [dreg:s6], $0x4FFFF;
	_ =	strace $0x90000049  }
0xb1: {  	s29 =	simm.s32 $0x9;
	_ =	strace $0x8000004B  }
0xb2: {  	_ =	swait.ge [sflag:s29], $0x1  }
0xb3: {  	[sflag:s29] =	ssyncadd.s32 $0xFFFFFFFF  }
0xb4: {  	_ =	strace $0x9000004B  }
0xb5: {  	_ =	sfence  }
0xb6: {  	s30 =	sld [smem:$0x0];
	_ =	sdelay $0x2  }
0xb7: {  	s31 =	sshll.u32 s1, $0xD;
	s1 =	sshrl.u32 s1, $0x2  }
0xb8: {  	s3 =	sand.u32 $0x4000, s31;
	s1 =	sadd.s32 s1, s30  }
0xb9: {  	s0 =	sor.u32 s3, s0;
	s1 =	sshll.u32 s1, $0x11  }
0xba: {  	s0 =	sor.u32 s1, s0  }
0xbb: {  	s0 =	sadd.s32 $0x8F2B, s0  }
0xbc: {  	[sflag:s0] =	ssyncadd.remote.s32 $0x1  }
0xbd: {  	_ =	sfence.sel $0xFFFF  }
0xbe: {  	[dreg:$0x0] =	wrdreg $0xFFFFFFFF;
	(pc) =	sbr.abs _section_cstart, $3  }
0xbf: {  	[dreg:$0x1] =	wrdreg $0xFFFFFFFF  }
0xc0: {  	_ =	task.clear_ibuf [dreg:s6], $0x2FFFF;
	_ =	strace $0x9FFFFFFF  }
0xc1: {  	(tm) =	ssettm $0x7FFFFFFF  }
tec
execute0_lowered:
.L_overlay_start_1:
0x0: {  	(tag) =	ssettag $0x1  }
0x1: {  	s1 =	srdreg.scid  }
0x2: {  	s0 =	stileid.u32;
	s6 =	sand.u32 $0x1, s1  }
0x3: {  	s8 =	rddreg [dreg:$0x0];
	s30 =	sshll.u32 s0, $0x7;
	s2 =	sshll.u32 s6, $0x6  }
0x4: {  	s7 =	simm.s32 $0x1;
	s1 =	rddreg [dreg:$0x1];
	s9 =	sor.u32 s2, s30  }
0x5: {  	s5 =	sadd.s32 $0x125000, s8;
	s2 =	simm.s32 $0x0;
	s3 =	sshrl.u32 s9, $0x3  }
0x6: {  	s10 =	ssub.s32 $0x2, s6;
	[smem:$0x7FF] =	sst s2;
	s3 =	sadd.s32 s3, s8  }
0x7: {  	_ =	strace $0x8000004A;
	s4 =	sadd.s32 $0x145200, s3;
	s3 =	simm.s32 $0x2  }
0x8: {  	[tilespmem:s2], [sflag:$0x2] =	stream.linear.gather [hbm4b:s4+s2], $0x40, $0x38;
	[tilespmem:$0x8040] =	vst v63  }
0x9: {  	s6 =	simm.s32 $0x40;
	s11 =	sshrl.u32 s10, $0x1;
	_ =	swait.ge [sflag:s3], $0x40  }
0xa: {  	s9 =	sshll.u32 s9, $0x6;
	s31 =	ssub.s32 s10, s11;
	[sflag:s3] =	ssyncset.done $0x0  }
0xb: {  	s8 =	sadd.s32 s9, s8;
	s9 =	smax.u32 s31, $0x1;
	[sflag:s3] =	ssyncadd.s32 $0xFFFFFFC0  }
0xc: {  	[tilespmem:s6], [sflag:$0x1] =	stream.indirect.gather [hbm4b:s5+s6], $0x200, s2, s6, $0xb8;
	[tilespmem:$0x8040] =	vst v63  }
0xd: {  	p0 =	sne.s32 s9, $0x1;
	_ =	swait.ge [sflag:s7], $0x8000  }
.Ltmp0:
0xe: {  	[sflag:s7] =	ssyncset.done $0x0;
	(pc) =	sbr.rel @!p0 .LBB2_2-.Ltmp0, $4  }
0xf: {  	s8 =	sadd.s32 $0x145400, s8;
	[sflag:s7] =	ssyncadd.s32 $0xFFFF8000  }
0x10: {  	[hbm4b:s8+s2] =	stream.linear.scatter [tilespmem:s6], [sflag:$0x2], $0x8000, $0x38;
	[tilespmem:$0x8040] =	vst v63  }
0x11: {  	_ =	swait.ge [sflag:s3], $0x8000  }
0x12: {  	s9 =	sadd.s32 $0xFFFFFFFF, s9;
	[sflag:s3] =	ssyncset.done $0x0  }
.LBB2_1:
0x13: {  	p0 =	sne.s32 s9, $0x1;
	s9 =	sadd.s32 $0xFFFFFFFF, s9;
	[sflag:s3] =	ssyncadd.s32 $0xFFFF8000  }
0x14: {  	[tilespmem:s2], [sflag:$0x2] =	stream.linear.gather [hbm4b:s4+s2], $0x40, $0x38;
	[tilespmem:$0x8040] =	vst v63  }
0x15: {  	_ =	swait.ge [sflag:s3], $0x40  }
0x16: {  	[sflag:s3] =	ssyncset.done $0x0  }
0x17: {  	[sflag:s3] =	ssyncadd.s32 $0xFFFFFFC0  }
0x18: {  	[tilespmem:s6], [sflag:$0x1] =	stream.indirect.gather [hbm4b:s5+s6], $0x200, s2, s6, $0xb8;
	[tilespmem:$0x8040] =	vst v63  }
0x19: {  	_ =	swait.ge [sflag:s7], $0x8000  }
.Ltmp1:
0x1a: {  	[sflag:s7] =	ssyncset.done $0x0;
	(pc) =	sbr.rel @p0 .LBB2_1-.Ltmp1, $4  }
0x1b: {  	[sflag:s7] =	ssyncadd.s32 $0xFFFF8000  }
0x1c: {  	[hbm4b:s8+s2] =	stream.linear.scatter [tilespmem:s6], [sflag:$0x2], $0x8000, $0x38;
	[tilespmem:$0x8040] =	vst v63  }
0x1d: {  	_ =	swait.ge [sflag:s3], $0x8000  }
0x1e: {  	[sflag:s3] =	ssyncset.done $0x0  }
.LBB2_2:
0x1f: {  	[sflag:s3] =	ssyncadd.s32 $0xFFFF8000  }
0x20: {  	_ =	sfence.sel $0x180000  }
0x21: {  	[bflag:$0x0] =	sbarrier.arrive $0xFFFF  }
0x22: {  	p0 =	sne.s32 s0, $0x0;
	_ =	strace $0x9000004A  }
0x23: {  	s0 =	sadd.s32 @!p0 $0x100000, s1;
	[bflag:$0x2] =	sbarrier.arrive $0xFFFF  }
0x24: {  	[sflag:s0] =	ssyncadd.tile.s32 @!p0 $0x1;
	_ =	shalt  }
.Lfunc_end2:
_tile_overlayer_lowered:
.L_overlay_start_2:
0x25: {  	(tag) =	ssettag $0x2  }
0x26: {  	s0 =	rddreg [dreg:$0x0];
	s2 =	stileid.u32  }
0x27: {  	s1 =	rddreg [dreg:$0x1];
	p0 =	sne.s32 s2, $0x0  }
0x28: {  	s3 =	rddreg [dreg:$0x2];
	[bflag:$0x3] =	sbarrier.arrive $0xFFFF;
	s2 =	simm.s32 @!p0 $0x1C02  }
0x29: {  	[timem:s3], [sflag:s2] =	dma.local @!p0 [hbm:s0], s1  }
0x2a: {  	s0 =	simm.s32 @!p0 $0x2  }
0x2b: {  	_ =	swait.ge @!p0 [sflag:s0], s1  }
0x2c: {  	s1 =	ssub.s32 @!p0 $0x0, s1;
	[sflag:s0] =	ssyncset.done @!p0 $0x0  }
0x2d: {  	[sflag:s0] =	ssyncadd.s32 @!p0 s1  }
0x2e: {  	[bflag:$0x3] =	sbarrier.arrive $0xFFFF  }
0x2f: {  	_ =	shalt  }

// kernel: kernel.39.cloned.1.call-start
scs
__scs_entry_jumppad:
0x0: {  	(pc) =	sbr.rel $0x88, $3  }
0x1: {  	(tag) =	ssettag $0x0;
	lr =	simm.s32 $0x1  }
0x2: {  	[smem:$0x3F6A] =	sst lr;
	_ =	strace $0xD0000000  }
0x3: {  	_ = 	snop  }
0x4: {  	_ = 	snop  }
0x5: {  	_ = 	snop  }
0x6: {  	_ = 	snop  }
0x7: {  	_ = 	snop  }
__scs_overlays_trampoline_lowered:
0x8: {  	[smem:$0x3F79] =	sst s0  }
0x9: {  	[smem:$0x3F7A] =	sst s1  }
0xa: {  	[smem:$0x3F7B] =	sst s2  }
0xb: {  	[smem:$0x3F7C] =	sst s3  }
0xc: {  	[smem:$0x3F7D] =	sst s4  }
0xd: {  	[smem:$0x3F7E] =	sst s5  }
0xe: {  	[smem:$0x3F7F] =	sst s6  }
0xf: {  	[smem:$0x3F80] =	sst s7  }
0x10: {  	[smem:$0x3F81] =	sst s8  }
0x11: {  	[smem:$0x3F82] =	sst s9;
	s0 =	simm.s32 @!p0 $0x0  }
0x12: {  	s1 =	sld [smem:$0x3F68];
	s0 =	simm.s32 @p0 $0x1  }
0x13: {  	[smem:$0x3F83] =	sst s0;
	s0 =	simm.s32 @!p1 $0x0  }
0x14: {  	s2 =	sld [smem:$0x3F67];
	s0 =	simm.s32 @p1 $0x1  }
0x15: {  	[smem:$0x3F84] =	sst s0;
	s0 =	simm.s32 @!p2 $0x0  }
0x16: {  	s3 =	sld [smem:$0x3FDB];
	s0 =	simm.s32 @p2 $0x1  }
0x17: {  	s4 =	simm.s32 $0x1BF5;
	[smem:$0x3F86] =	sst s0  }
0x18: {  	s0 =	sld [smem:$0x3F69];
	_ =	swait.ge [sflag:s4], $0x0  }
0x19: {  	s7 =	sld [smem:$0x3F6A]  }
0x1a: {  	s8 =	sadd.s32 $0xFFFFE003, lr  }
0x1b: {  	s9 =	sadd.s32 $0xFFFFFEF7, lr;
	s5 =	simm.s32 $0xFFFFFFFF;
	p2 =	slt.u32 s8, $0xFFFFF086  }
0x1c: {  	p1 =	slt.u32 s9, $0xF7A;
	s5 =	simm.s32 @!p2 $0x0  }
0x1d: {  	s5 =	simm.s32 @p1 $0x1;
	p0 =	seq.s32 s7, s2  }
0x1e: {  	s7 =	smul.u32 @!p0 $0xF7A, s2;
	p2 =	seq.s32 @!p0 s5, $0x0  }
0x1f: {  	s9 =	smul.u32 $0xF7A, s1;
	s8 =	simm.s32 @!p0 $0x1BF5;
	p2 =	por !p2, p0  }
0x20: {  	[sflag:s8] =	ssyncset.s32 @!p0 $0xFFFFF086;
	s6 =	sadd.s32 @!p0 s3, s7;
	s7 =	simm.s32 @!p0 $0x108  }
0x21: {  	s3 =	sadd.s32 s3, s9;
	s6 =	sadd.s32 @!p0 $0x88, s6;
	s7 =	simm.s32 @p2 $0x1082  }
0x22: {  	[simem:s7], [sflag:s8] =	dma.local @!p0 [hbm:s6], $0xF7A  }
0x23: {  	s9 =	sor.u32 $0xD0000000, s2;
	s6 =	simm.s32 $0x108;
	_ =	swait.ge @!p0 [sflag:s8], $0x0  }
0x24: {  	s3 =	sadd.s32 $0x88, s3;
	s6 =	simm.s32 @!p1 $0x1082;
	[sflag:s4] =	ssyncset.s32 $0xFFFFF086  }
0x25: {  	[simem:s6], [sflag:s4] =	dma.local [hbm:s3], $0xF7A  }
0x26: {  	[smem:$0x3F6A] =	sst s1;
	(tag) =	ssettag s2;
	_ =	strace s9  }
0x27: {  	s1 =	sld [smem:$0x3F7A]  }
0x28: {  	s2 =	sld [smem:$0x3F7B]  }
0x29: {  	s4 =	sld [smem:$0x3F7D]  }
0x2a: {  	p0 =	seq.s32 s5, $0x0;
	s5 =	sld [smem:$0x3F7E]  }
0x2b: {  	s6 =	sld [smem:$0x3F7F]  }
0x2c: {  	s7 =	sld [smem:$0x3F80]  }
0x2d: {  	s3 =	simm.s32 $0x108;
	s8 =	sld [smem:$0x3F81]  }
0x2e: {  	s3 =	simm.s32 @!p0 $0x1082;
	s9 =	sld [smem:$0x3F82]  }
0x2f: {  	lr =	sadd.s32 s0, s3;
	s0 =	sld [smem:$0x3F79]  }
0x30: {  	s3 =	sld [smem:$0x3F7C]  }
0x31: {  	[smem:$0x3F85] =	sst s10  }
0x32: {  	s10 =	sld [smem:$0x3F83];
	_ =	sdelay $0x3  }
0x33: {  	p0 =	seq.s32 s10, $0x1;
	s10 =	sld [smem:$0x3F85];
	_ =	sdelay $0x3  }
0x34: {  	[smem:$0x3F85] =	sst s10  }
0x35: {  	s10 =	sld [smem:$0x3F84];
	_ =	sdelay $0x3  }
0x36: {  	p1 =	seq.s32 s10, $0x1;
	s10 =	sld [smem:$0x3F85];
	_ =	sdelay $0x3  }
0x37: {  	[smem:$0x3F85] =	sst s10  }
0x38: {  	s10 =	sld [smem:$0x3F86]  }
0x39: {  	_ = 	snop;
	(pc) =	sbr.ind lr, $3  }
0x3a: {  	_ = 	snop  }
0x3b: {  	_ = 	snop  }
0x3c: {  	p2 =	seq.s32 s10, $0x1;
	s10 =	sld [smem:$0x3F85]  }
0x3d: {  	_ =	shalt  }
0x3e: {  	_ =	shalt  }
0x3f: {  	_ =	shalt  }
0x40: {  	_ =	shalt  }
0x41: {  	_ =	shalt  }
0x42: {  	_ =	shalt  }
0x43: {  	_ =	shalt  }
0x44: {  	_ =	shalt  }
0x45: {  	_ =	shalt  }
0x46: {  	_ =	shalt  }
0x47: {  	_ =	shalt  }
0x48: {  	_ =	shalt  }
0x49: {  	_ =	shalt  }
0x4a: {  	_ =	shalt  }
0x4b: {  	_ =	shalt  }
0x4c: {  	_ =	shalt  }
0x4d: {  	_ =	shalt  }
0x4e: {  	_ =	shalt  }
0x4f: {  	_ =	shalt  }
0x50: {  	_ =	shalt  }
0x51: {  	_ =	shalt  }
0x52: {  	_ =	shalt  }
0x53: {  	_ =	shalt  }
0x54: {  	_ =	shalt  }
0x55: {  	_ =	shalt  }
0x56: {  	_ =	shalt  }
0x57: {  	_ =	shalt  }
0x58: {  	_ =	shalt  }
0x59: {  	_ =	shalt  }
0x5a: {  	_ =	shalt  }
0x5b: {  	_ =	shalt  }
0x5c: {  	_ =	shalt  }
0x5d: {  	_ =	shalt  }
0x5e: {  	_ =	shalt  }
0x5f: {  	_ =	shalt  }
0x60: {  	_ =	shalt  }
0x61: {  	_ =	shalt  }
0x62: {  	_ =	shalt  }
0x63: {  	_ =	shalt  }
0x64: {  	_ =	shalt  }
0x65: {  	_ =	shalt  }
0x66: {  	_ =	shalt  }
0x67: {  	_ =	shalt  }
0x68: {  	_ =	shalt  }
0x69: {  	_ =	shalt  }
0x6a: {  	_ =	shalt  }
0x6b: {  	_ =	shalt  }
0x6c: {  	_ =	shalt  }
0x6d: {  	_ =	shalt  }
0x6e: {  	_ =	shalt  }
0x6f: {  	_ =	shalt  }
0x70: {  	_ =	shalt  }
0x71: {  	_ =	shalt  }
0x72: {  	_ =	shalt  }
0x73: {  	_ =	shalt  }
0x74: {  	_ =	shalt  }
0x75: {  	_ =	shalt  }
0x76: {  	_ =	shalt  }
0x77: {  	_ =	shalt  }
0x78: {  	_ =	shalt  }
0x79: {  	_ =	shalt  }
0x7a: {  	_ =	shalt  }
0x7b: {  	_ =	shalt  }
0x7c: {  	_ =	shalt  }
0x7d: {  	_ =	shalt  }
0x7e: {  	_ =	shalt  }
0x7f: {  	_ =	shalt  }
0x80: {  	_ =	shalt  }
0x81: {  	_ =	shalt  }
0x82: {  	_ =	shalt  }
0x83: {  	_ =	shalt  }
0x84: {  	_ =	shalt  }
0x85: {  	_ =	shalt  }
0x86: {  	_ =	shalt  }
0x87: {  	_ =	shalt  }
.Lfunc_end0:
.L_simem_size_0:
called_computation.2_lowered:
.L_overlay_start_0:
0x88: {  	s2 =	sld [smem:$0x3FD9]  }
0x89: {  	s3 =	sld [smem:$0x3FFE];
	_ =	sdelay $0x1  }
0x8a: {  	s1 =	srdreg.scid  }
0x8b: {  	s0 =	sand.u32 $0x1, s1  }
0x8c: {  	s17 =	sshll.u32 s0, $0xA;
	s2 =	sadd.s32 s3, s2  }
0x8d: {  	s2 =	sadd.s32 s2, s17  }
0x8e: {  	[smem:$0x3F91] =	sst s2  }
0x8f: {  	_ = 	snop  }
0x90: {  	s2 =	sld [smem:$0x3FD0];
	(tm) =	ssettm $0x1  }
0x91: {  	s18 =	sld [smem:$0x3FFB];
	_ =	sdelay $0x3  }
0x92: {  	_ =	strace s18  }
0x93: {  	s3 =	sld [smem:$0x3FFC];
	_ =	sdelay $0x3  }
0x94: {  	_ =	strace s3  }
0x95: {  	s3 =	sld [smem:$0x3FFD];
	_ =	sdelay $0x3  }
0x96: {  	_ =	strace s3  }
0x97: {  	_ =	strace $0x8FFFFFFF  }
0x98: {  	s19 =	sld [smem:$0x3FDB];
	_ =	sdelay $0x1  }
0x99: {  	s4 =	simm.s32 $_scs_section_size  }
0x9a: {  	s5 =	simm.s32 $_size__tile_overlayer_lowered;
	s6 =	simm.s32 $_tile_overlayer_lowered  }
0x9b: {  	s22 =	simm.s32 $0x1BFF;
	s21 =	sshll.u32 s6, $0x1;
	s3 =	sadd.s32 s4, s19  }
0x9c: {  	s7 =	simm.s32 $0x0;
	s20 =	sshll.u32 s5, $0x1;
	s5 =	sadd.s32 s21, s3  }
0x9d: {  	[timem:s7], [sflag:s22] =	dma.local [hbm:s5], s20  }
0x9e: {  	_ =	swait.ge [sflag:s22], s20  }
0x9f: {  	s4 =	ssub.s32 $0x0, s20;
	[sflag:s22] =	ssyncset.done $0x0  }
0xa0: {  	[sflag:s22] =	ssyncadd.s32 s4;
	_ =	sdelay $0x1  }
0xa1: {  	s23 =	simm.s32 $0x1B8B  }
0xa2: {  	_ =	swait.ge [sflag:s23], $0x1  }
0xa3: {  	[sflag:s23] =	ssyncset.done $0x0  }
0xa4: {  	s25 =	simm.s32 $0x1B8E;
	s24 =	sld [smem:$0x3FFE];
	[sflag:s23] =	ssyncadd.s32 $0xFFFFFFFF  }
0xa5: {  	s26 =	simm.s32 $execute0_lowered;
	[smem:$0x3FD2] =	sst s25  }
0xa6: {  	s5 =	sshll.u32 s26, $0x1;
	_ =	strace $0x8000004C;
	[dreg:$0x1] =	wrdreg $0xFFFFFFFF  }
0xa7: {  	s28 =	simm.s32 $_size_execute0_lowered;
	s3 =	sadd.s32 s3, s5;
	[dreg:$0x0] =	wrdreg $0x0  }
0xa8: {  	s5 =	sshll.u32 s28, $0x1;
	[dreg:$0x2] =	wrdreg s3  }
0xa9: {  	[dreg:$0x3] =	wrdreg s5  }
0xaa: {  	[dreg:$0x4] =	wrdreg $0xC0  }
0xab: {  	_ =	task [dreg:s7], $0x5FFFF  }
0xac: {  	[dreg:$0x1] =	wrdreg $0xFFFFFFFF  }
0xad: {  	[dreg:$0x0] =	wrdreg $0x60  }
0xae: {  	[dreg:$0x2] =	wrdreg s2  }
0xaf: {  	[dreg:$0x3] =	wrdreg s24  }
0xb0: {  	[dreg:$0x4] =	wrdreg $0x9  }
0xb1: {  	_ =	task.clear_ibuf [dreg:s7], $0x5FFFF;
	_ =	strace $0x9000004C  }
0xb2: {  	s29 =	simm.s32 $0x9;
	_ =	strace $0x8000004E  }
0xb3: {  	_ =	swait.ge [sflag:s29], $0x1  }
0xb4: {  	[sflag:s29] =	ssyncadd.s32 $0xFFFFFFFF  }
0xb5: {  	_ =	strace $0x9000004E  }
0xb6: {  	_ =	sfence  }
0xb7: {  	s30 =	sld [smem:$0x0];
	_ =	sdelay $0x2  }
0xb8: {  	s31 =	sshll.u32 s1, $0xD;
	s1 =	sshrl.u32 s1, $0x2  }
0xb9: {  	s3 =	sand.u32 $0x4000, s31;
	s1 =	sadd.s32 s1, s30  }
0xba: {  	s0 =	sor.u32 s3, s0;
	s1 =	sshll.u32 s1, $0x11  }
0xbb: {  	s0 =	sor.u32 s1, s0  }
0xbc: {  	s0 =	sadd.s32 $0x8F2B, s0  }
0xbd: {  	[sflag:s0] =	ssyncadd.remote.s32 $0x1  }
0xbe: {  	_ =	sfence.sel $0xFFFF  }
0xbf: {  	[dreg:$0x0] =	wrdreg $0xFFFFFFFF;
	(pc) =	sbr.abs _section_cstart, $3  }
0xc0: {  	[dreg:$0x1] =	wrdreg $0xFFFFFFFF  }
0xc1: {  	_ =	task.clear_ibuf [dreg:s7], $0x2FFFF;
	_ =	strace $0x9FFFFFFF  }
0xc2: {  	(tm) =	ssettm $0x7FFFFFFF  }
0xc3: {  	_ =	shalt  }
tec
execute0_lowered:
.L_overlay_start_1:
0x0: {  	(tag) =	ssettag $0x1  }
0x1: {  	s1 =	srdreg.scid  }
0x2: {  	s2 =	rddreg [dreg:$0x0];
	s0 =	stileid.u32;
	s10 =	sand.u32 $0x1, s1  }
0x3: {  	s8 =	rddreg [dreg:$0x1];
	s4 =	sshll.u32 s0, $0x9;
	s5 =	sshll.u32 s10, $0x8  }
0x4: {  	s3 =	simm.s32 $0x0;
	s1 =	rddreg [dreg:$0x2];
	s9 =	sor.u32 s5, s4  }
0x5: {  	[smem:$0x7FF] =	sst s3;
	s11 =	sadd.s32 $0x12D000, s8;
	s4 =	sshrl.u32 s9, $0x3  }
0x6: {  	_ =	strace $0x8000004D;
	s5 =	sadd.s32 s11, s4;
	s4 =	simm.s32 $0x2  }
0x7: {  	[tilespmem:s3], [sflag:$0x2] =	stream.linear.gather [hbm4b:s5+s3], $0x80, $0x38;
	[tilespmem:$0x8080] =	vst v63  }
0x8: {  	_ =	swait.ge [sflag:s4], $0x80  }
0x9: {  	[sflag:s4] =	ssyncset.done $0x0  }
0xa: {  	s6 =	simm.s32 $0x80;
	s7 =	simm.s32 $0x1;
	[sflag:s4] =	ssyncadd.s32 $0xFFFFFF80  }
0xb: {  	[tilespmem:s6], [sflag:$0x1] =	stream.indirect.gather [hbm4b:s2+s6], $0x100, s3, s6, $0xb8;
	[tilespmem:$0x8080] =	vst v63  }
0xc: {  	_ =	swait.ge [sflag:s7], $0x8000  }
0xd: {  	s12 =	sadd.s32 $0x4E00, s8;
	s29 =	sshll.u32 s9, $0x5;
	[sflag:s7] =	ssyncset.done $0x0  }
0xe: {  	s8 =	sadd.s32 s12, s29;
	[sflag:s7] =	ssyncadd.s32 $0xFFFF8000  }
0xf: {  	[hbm4b:s8+s3] =	stream.linear.scatter [tilespmem:s6], [sflag:$0x2], $0x8000, $0x38;
	[tilespmem:$0x8080] =	vst v63  }
0x10: {  	s13 =	sor.u32 $0x80, s9;
	_ =	swait.ge [sflag:s4], $0x8000  }
0x11: {  	s9 =	sshrl.u32 s13, $0x3;
	[sflag:s4] =	ssyncset.done $0x0  }
0x12: {  	s10 =	ssub.s32 $0x2, s10;
	s9 =	sadd.s32 s11, s9;
	[sflag:s4] =	ssyncadd.s32 $0xFFFF8000  }
0x13: {  	[tilespmem:s3], [sflag:$0x2] =	stream.linear.gather [hbm4b:s9+s3], $0x80, $0x38;
	[tilespmem:$0x8080] =	vst v63  }
0x14: {  	s30 =	sshrl.u32 s10, $0x1;
	_ =	swait.ge [sflag:s4], $0x80  }
0x15: {  	s11 =	ssub.s32 s10, s30;
	[sflag:s4] =	ssyncset.done $0x0  }
0x16: {  	s11 =	smax.u32 s11, $0x1;
	[sflag:s4] =	ssyncadd.s32 $0xFFFFFF80  }
0x17: {  	[tilespmem:s6], [sflag:$0x1] =	stream.indirect.gather [hbm4b:s2+s6], $0x100, s3, s6, $0xb8;
	[tilespmem:$0x8080] =	vst v63  }
0x18: {  	p0 =	sne.s32 s11, $0x1;
	_ =	swait.ge [sflag:s7], $0x8000  }
.Ltmp0:
0x19: {  	s31 =	sshll.u32 s13, $0x5;
	[sflag:s7] =	ssyncset.done $0x0;
	(pc) =	sbr.rel @!p0 .LBB2_2-.Ltmp0, $4  }
0x1a: {  	s10 =	sadd.s32 s12, s31;
	[sflag:s7] =	ssyncadd.s32 $0xFFFF8000  }
0x1b: {  	[hbm4b:s10+s3] =	stream.linear.scatter [tilespmem:s6], [sflag:$0x2], $0x8000, $0x38;
	[tilespmem:$0x8080] =	vst v63  }
0x1c: {  	_ =	swait.ge [sflag:s4], $0x8000  }
0x1d: {  	s11 =	sadd.s32 $0xFFFFFFFF, s11;
	[sflag:s4] =	ssyncset.done $0x0  }
.LBB2_1:
0x1e: {  	p0 =	sne.s32 s11, $0x1;
	s11 =	sadd.s32 $0xFFFFFFFF, s11;
	[sflag:s4] =	ssyncadd.s32 $0xFFFF8000  }
0x1f: {  	[tilespmem:s3], [sflag:$0x2] =	stream.linear.gather [hbm4b:s5+s3], $0x80, $0x38;
	[tilespmem:$0x8080] =	vst v63  }
0x20: {  	_ =	swait.ge [sflag:s4], $0x80  }
0x21: {  	[sflag:s4] =	ssyncset.done $0x0  }
0x22: {  	[sflag:s4] =	ssyncadd.s32 $0xFFFFFF80  }
0x23: {  	[tilespmem:s6], [sflag:$0x1] =	stream.indirect.gather [hbm4b:s2+s6], $0x100, s3, s6, $0xb8;
	[tilespmem:$0x8080] =	vst v63  }
0x24: {  	_ =	swait.ge [sflag:s7], $0x8000  }
0x25: {  	[sflag:s7] =	ssyncset.done $0x0  }
0x26: {  	[sflag:s7] =	ssyncadd.s32 $0xFFFF8000  }
0x27: {  	[hbm4b:s8+s3] =	stream.linear.scatter [tilespmem:s6], [sflag:$0x2], $0x8000, $0x38;
	[tilespmem:$0x8080] =	vst v63  }
0x28: {  	_ =	swait.ge [sflag:s4], $0x8000  }
0x29: {  	[sflag:s4] =	ssyncset.done $0x0  }
0x2a: {  	[sflag:s4] =	ssyncadd.s32 $0xFFFF8000  }
0x2b: {  	[tilespmem:s3], [sflag:$0x2] =	stream.linear.gather [hbm4b:s9+s3], $0x80, $0x38;
	[tilespmem:$0x8080] =	vst v63  }
0x2c: {  	_ =	swait.ge [sflag:s4], $0x80  }
0x2d: {  	[sflag:s4] =	ssyncset.done $0x0  }
0x2e: {  	[sflag:s4] =	ssyncadd.s32 $0xFFFFFF80  }
0x2f: {  	[tilespmem:s6], [sflag:$0x1] =	stream.indirect.gather [hbm4b:s2+s6], $0x100, s3, s6, $0xb8;
	[tilespmem:$0x8080] =	vst v63  }
0x30: {  	_ =	swait.ge [sflag:s7], $0x8000  }
.Ltmp1:
0x31: {  	[sflag:s7] =	ssyncset.done $0x0;
	(pc) =	sbr.rel @p0 .LBB2_1-.Ltmp1, $4  }
0x32: {  	[sflag:s7] =	ssyncadd.s32 $0xFFFF8000  }
0x33: {  	[hbm4b:s10+s3] =	stream.linear.scatter [tilespmem:s6], [sflag:$0x2], $0x8000, $0x38;
	[tilespmem:$0x8080] =	vst v63  }
0x34: {  	_ =	swait.ge [sflag:s4], $0x8000  }
0x35: {  	[sflag:s4] =	ssyncset.done $0x0  }
.LBB2_2:
0x36: {  	[sflag:s4] =	ssyncadd.s32 $0xFFFF8000  }
0x37: {  	_ =	sfence.sel $0x180000  }
0x38: {  	[bflag:$0x0] =	sbarrier.arrive $0xFFFF  }
0x39: {  	p0 =	sne.s32 s0, $0x0;
	_ =	strace $0x9000004D  }
0x3a: {  	s0 =	sadd.s32 @!p0 $0x100000, s1;
	[bflag:$0x2] =	sbarrier.arrive $0xFFFF  }
0x3b: {  	[sflag:s0] =	ssyncadd.tile.s32 @!p0 $0x1;
	_ =	shalt  }
.Lfunc_end2:
_tile_overlayer_lowered:
.L_overlay_start_2:
0x3c: {  	(tag) =	ssettag $0x2  }
0x3d: {  	s0 =	rddreg [dreg:$0x0];
	s2 =	stileid.u32  }
0x3e: {  	s1 =	rddreg [dreg:$0x1];
	p0 =	sne.s32 s2, $0x0  }
0x3f: {  	s3 =	rddreg [dreg:$0x2];
	[bflag:$0x3] =	sbarrier.arrive $0xFFFF;
	s2 =	simm.s32 @!p0 $0x1C02  }
0x40: {  	[timem:s3], [sflag:s2] =	dma.local @!p0 [hbm:s0], s1  }
0x41: {  	s0 =	simm.s32 @!p0 $0x2  }
0x42: {  	_ =	swait.ge @!p0 [sflag:s0], s1  }
0x43: {  	s1 =	ssub.s32 @!p0 $0x0, s1;
	[sflag:s0] =	ssyncset.done @!p0 $0x0  }
0x44: {  	[sflag:s0] =	ssyncadd.s32 @!p0 s1  }
0x45: {  	[bflag:$0x3] =	sbarrier.arrive $0xFFFF  }
0x46: {  	_ =	shalt  }

</sc_bundles>
